<compile_context>
chip_gen: v7x
topology: tpu7x:2x2x1
jax: 0.10.2.dev20260603
libtpu: 0.0.44.dev20260713+nightly
codegen_flags: <defaults>
</compile_context>

<pallas_src>
import functools

import jax
import jax.numpy as jnp
from jax import lax
from jax.experimental import pallas as pl
from jax.experimental.pallas import tpu as pltpu
from jax.experimental.pallas import tpu_sc as plsc

N = 10000
E = 320000
G = 128
D_OUT = 10

NTILES = 16
LANES = 16
N_PAD = 10240
E_PER_TILE = E // NTILES
STRIP = N_PAD // NTILES


def _rsqrt16(d):
    i = plsc.bitcast(d, jnp.int32)
    i = jnp.int32(0x5F3759DF) - lax.shift_right_logical(i, 1)
    y = plsc.bitcast(i, jnp.float32)
    for _ in range(3):
        y = y * (1.5 - 0.5 * d * y * y)
    return jnp.where(d > 0.0, y, 0.0)


def _sc_body(x_hbm, ei_hbm, tx1_hbm, tx2_hbm,
             src_v, dst_v, dinv_v, aux_v, acc_v, rbuf_v,
             strip_v, dstrip_v, xstrip_v, sem,
             sh_all, sh_node, sh_node2):
    t = lax.axis_index("s")
    e0 = t * E_PER_TILE
    cp1 = pltpu.async_copy(ei_hbm.at[pl.ds(e0, E_PER_TILE)], src_v, sem)
    cp2 = pltpu.async_copy(ei_hbm.at[pl.ds(E + e0, E_PER_TILE)], dst_v, sem)
    cp3 = pltpu.async_copy(x_hbm.at[pl.ds(t * STRIP, STRIP)], xstrip_v, sem)

    zeros = jnp.zeros((LANES,), jnp.float32)

    def zero_acc():
        @plsc.parallel_loop(0, N_PAD, LANES, unroll=8)
        def _(i):
            acc_v[pl.ds(i, LANES)] = zeros

    def publish_and_reduce_strip():
        pltpu.sync_copy(acc_v, sh_all.at[pl.ds(t * N_PAD, N_PAD)])
        plsc.subcore_barrier()
        cps = [pltpu.async_copy(
                   sh_all.at[pl.ds(j * N_PAD + t * STRIP, STRIP)],
                   rbuf_v.at[pl.ds(j * STRIP, STRIP)], sem)
               for j in range(NTILES)]
        for cp in cps:
            cp.wait()

        @plsc.parallel_loop(0, STRIP, LANES, unroll=4)
        def _(i):
            v = rbuf_v[pl.ds(i, LANES)]
            for j in range(1, NTILES):
                v = v + rbuf_v[pl.ds(j * STRIP + i, LANES)]
            strip_v[pl.ds(i, LANES)] = v

    zero_acc()
    cp1.wait()
    cp2.wait()
    cp3.wait()
    ones = jnp.full((LANES,), 1.0, jnp.float32)

    @plsc.parallel_loop(0, E_PER_TILE, LANES, unroll=8)
    def _(i):
        s = src_v[pl.ds(i, LANES)]
        plsc.addupdate_scatter(acc_v, [s], ones)

    publish_and_reduce_strip()

    @plsc.parallel_loop(0, STRIP, LANES, unroll=4)
    def _(i):
        dv = _rsqrt16(strip_v[pl.ds(i, LANES)])
        dstrip_v[pl.ds(i, LANES)] = dv
        strip_v[pl.ds(i, LANES)] = dv * xstrip_v[pl.ds(i, LANES)]

    pltpu.sync_copy(dstrip_v, sh_node2.at[pl.ds(t * STRIP, STRIP)])
    pltpu.sync_copy(strip_v, sh_node.at[pl.ds(t * STRIP, STRIP)])
    plsc.subcore_barrier()
    cp4 = pltpu.async_copy(sh_node2, dinv_v, sem)
    cp5 = pltpu.async_copy(sh_node, aux_v, sem)

    zero_acc()
    cp4.wait()
    cp5.wait()

    @plsc.parallel_loop(0, E_PER_TILE, LANES, unroll=16)
    def _(i):
        s = src_v[pl.ds(i, LANES)]
        d = dst_v[pl.ds(i, LANES)]
        a = plsc.load_gather(aux_v, [s])
        b = plsc.load_gather(dinv_v, [d])
        plsc.addupdate_scatter(acc_v, [d], a * b)

    publish_and_reduce_strip()

    @plsc.parallel_loop(0, STRIP, LANES, unroll=4)
    def _(i):
        v = -strip_v[pl.ds(i, LANES)]
        strip_v[pl.ds(i, LANES)] = v
        dstrip_v[pl.ds(i, LANES)] = dstrip_v[pl.ds(i, LANES)] * v

    cp6 = pltpu.async_copy(strip_v, tx1_hbm.at[pl.ds(t * STRIP, STRIP)], sem)
    pltpu.sync_copy(dstrip_v, sh_node.at[pl.ds(t * STRIP, STRIP)])
    plsc.subcore_barrier()
    cp7 = pltpu.async_copy(sh_node, aux_v, sem)

    zero_acc()
    cp6.wait()
    cp7.wait()

    @plsc.parallel_loop(0, E_PER_TILE, LANES, unroll=16)
    def _(i):
        s = src_v[pl.ds(i, LANES)]
        d = dst_v[pl.ds(i, LANES)]
        a = plsc.load_gather(aux_v, [s])
        b = plsc.load_gather(dinv_v, [d])
        plsc.addupdate_scatter(acc_v, [d], a * b)

    publish_and_reduce_strip()

    @plsc.parallel_loop(0, STRIP, LANES, unroll=4)
    def _(i):
        strip_v[pl.ds(i, LANES)] = -strip_v[pl.ds(i, LANES)]

    pltpu.sync_copy(strip_v, tx2_hbm.at[pl.ds(t * STRIP, STRIP)])


@functools.cache
def _get_sc_prop():
    return pl.kernel(
        _sc_body,
        out_type=[jax.ShapeDtypeStruct((N_PAD,), jnp.float32),
                  jax.ShapeDtypeStruct((N_PAD,), jnp.float32)],
        mesh=plsc.VectorSubcoreMesh(
            core_axis_name="c", subcore_axis_name="s",
            num_cores=1, num_subcores=NTILES),
        scratch_types=[
            pltpu.VMEM((E_PER_TILE,), jnp.int32),
            pltpu.VMEM((E_PER_TILE,), jnp.int32),
            pltpu.VMEM((N_PAD,), jnp.float32),
            pltpu.VMEM((N_PAD,), jnp.float32),
            pltpu.VMEM((N_PAD,), jnp.float32),
            pltpu.VMEM((N_PAD,), jnp.float32),
            pltpu.VMEM((STRIP,), jnp.float32),
            pltpu.VMEM((STRIP,), jnp.float32),
            pltpu.VMEM((STRIP,), jnp.float32),
            pltpu.SemaphoreType.DMA,
            pltpu.VMEM_SHARED((NTILES * N_PAD,), jnp.float32),
            pltpu.VMEM_SHARED((N_PAD,), jnp.float32),
            pltpu.VMEM_SHARED((N_PAD,), jnp.float32),
        ],
        compiler_params=pltpu.CompilerParams(needs_layout_passes=False),
    )


BN = 2000
NG = N * G
BF = 1000
CB = BF * G


def _hmat_body(t_ref, wc_ref, bch_ref, h_ref):
    h = (t_ref[:, 0:1] * wc_ref[0:1, :]
         + t_ref[:, 1:2] * wc_ref[1:2, :]
         + t_ref[:, 2:3] * wc_ref[2:3, :]
         + bch_ref[0:1, :])
    h_ref[...] = jnp.maximum(h, 0.0)


_hmat = pl.pallas_call(
    _hmat_body,
    grid=(N // BN,),
    in_specs=[
        pl.BlockSpec((BN, 3), lambda i: (i, 0)),
        pl.BlockSpec((3, G), lambda i: (0, 0)),
        pl.BlockSpec((1, G), lambda i: (0, 0)),
    ],
    out_specs=pl.BlockSpec((BN, G), lambda i: (i, 0)),
    out_shape=jax.ShapeDtypeStruct((N, G), jnp.float32),
)


def _fc_body(w_ref, h_ref, bfc_ref, out_ref, acc_ref):
    i = pl.program_id(0)

    @pl.when(i == 0)
    def _():
        acc_ref[...] = bfc_ref[...]

    prod = w_ref[...] * h_ref[...]
    acc_ref[...] += jnp.sum(prod, axis=1, keepdims=True)

    @pl.when(i == pl.num_programs(0) - 1)
    def _():
        y = acc_ref[...]
        m = jnp.max(y)
        s = jnp.sum(jnp.exp(y - m))
        out_ref[...] = y - m - jnp.log(jnp.broadcast_to(s, (D_OUT, 1)))


_fc = pl.pallas_call(
    _fc_body,
    grid=(NG // CB,),
    in_specs=[
        pl.BlockSpec((D_OUT, CB), lambda i: (0, i)),
        pl.BlockSpec((1, CB), lambda i: (0, i)),
        pl.BlockSpec((D_OUT, 1), lambda i: (0, 0)),
    ],
    out_specs=pl.BlockSpec((D_OUT, 1), lambda i: (0, 0)),
    out_shape=jax.ShapeDtypeStruct((D_OUT, 1), jnp.float32),
    scratch_shapes=[pltpu.VMEM((D_OUT, 1), jnp.float32)],
)


def kernel(x, edge_index, W_cheb, b_cheb, W_fc, b_fc):
    x0 = x[:, 0]
    ei_flat = edge_index.reshape(2 * E)
    x_pad = jnp.concatenate([x0, jnp.zeros((N_PAD - N,), jnp.float32)])
    tx1_p, tx2_p = _get_sc_prop()(x_pad, ei_flat)
    tx1 = tx1_p[:N]
    tx2h = tx2_p[:N]
    t_mat = jnp.concatenate([x, tx1[:, None], tx2h[:, None]], axis=1)
    wc = W_cheb.reshape(3, G)
    wc_eff = jnp.stack([wc[0] - wc[2], wc[1], 2.0 * wc[2]], axis=0)
    bch = b_cheb.reshape(1, G)
    h = _hmat(t_mat, wc_eff, bch)
    h_row = h.reshape(1, NG)
    yv = _fc(W_fc, h_row, b_fc.reshape(D_OUT, 1))
    return yv[:, 0]

# --- scband reference (transcript-rebuilt; emitter-appended) ---
"""Pipeline reference for scband-net-13288628814250 (READ-ONLY COPY).

The authoritative reference and input builder live on the scoring server;
editing this copy changes nothing except your own understanding.
"""

import jax, jax.numpy as jnp
import numpy as np

N = 10000
E = 320000
G = 128
K = 3
D_OUT = 10


def setup_inputs(seed: int = 0) -> dict:
    key = jax.random.key(seed)
    ks = jax.random.split(key, 6)
    x = jax.random.normal(ks[0], (N, 1), dtype=jnp.float32)
    edge_index = jax.random.randint(ks[1], (2, E), 0, N, dtype=jnp.int32)
    W_cheb = jax.random.normal(ks[2], (K, 1, G), dtype=jnp.float32) * 0.1
    b_cheb = jnp.zeros((G,), dtype=jnp.float32)
    W_fc = jax.random.normal(ks[3], (D_OUT, N * G), dtype=jnp.float32) * 0.001
    b_fc = jnp.zeros((D_OUT,), dtype=jnp.float32)
    return {"x": x, "edge_index": edge_index, "W_cheb": W_cheb, "b_cheb": b_cheb, "W_fc": W_fc, "b_fc": b_fc}


def reference(x, edge_index, W_cheb, b_cheb, W_fc, b_fc):
    # ChebConv(1, G, K=3) with sym normalization, lambda_max=2.0 (PyG defaults):
    # L_hat = 2L/lambda_max - I = -D^{-1/2} A D^{-1/2} (diag entries become 0)
    src = edge_index[0]
    dst = edge_index[1]
    ew = jnp.ones((E,), dtype=jnp.float32)
    deg = jax.ops.segment_sum(ew, src, num_segments=N)
    dinv = jnp.where(deg > 0, 1.0 / jnp.sqrt(deg), 0.0)
    w = -(dinv[src] * dinv[dst])

    def prop(h):
        return jax.ops.segment_sum(w[:, None] * h[src], dst, num_segments=N)

    Tx0 = x
    Tx1 = prop(Tx0)
    out = Tx0 @ W_cheb[0] + Tx1 @ W_cheb[1]
    Txkm2, Txkm1 = Tx0, Tx1
    for kk in range(2, K):
        Txk = 2.0 * prop(Txkm1) - Txkm2
        out = out + Txk @ W_cheb[kk]
        Txkm2, Txkm1 = Txkm1, Txk
    out = out + b_cheb
    h = jax.nn.relu(out).reshape(-1)
    y = W_fc @ h + b_fc
    return jax.nn.log_softmax(y, axis=0)

if __name__ == "__main__":
    import jax
    _d = setup_inputs()
    print(jax.jit(kernel)(*tuple(_d.values())))

</pallas_src>

<mosaic_0001>
#map = affine_map<(d0, d1) -> (0)>
module attributes {stable_mosaic.version = 14 : i64} {
  func.func @_sc_body(%arg0: i32, %arg1: i32, %arg2: memref<10240xf32, #tpu.memory_space<hbm>>, %arg3: memref<640000xi32, #tpu.memory_space<hbm>>, %arg4: memref<10240xf32, #tpu.memory_space<hbm>>, %arg5: memref<10240xf32, #tpu.memory_space<hbm>>, %arg6: memref<20000xi32, #tpu.memory_space<vmem>>, %arg7: memref<20000xi32, #tpu.memory_space<vmem>>, %arg8: memref<10240xf32, #tpu.memory_space<vmem>>, %arg9: memref<10240xf32, #tpu.memory_space<vmem>>, %arg10: memref<10240xf32, #tpu.memory_space<vmem>>, %arg11: memref<10240xf32, #tpu.memory_space<vmem>>, %arg12: memref<640xf32, #tpu.memory_space<vmem>>, %arg13: memref<640xf32, #tpu.memory_space<vmem>>, %arg14: memref<640xf32, #tpu.memory_space<vmem>>, %arg15: memref<!tpu.dma_semaphore, #tpu.memory_space<semaphore_mem>>, %arg16: memref<163840xf32, #tpu.memory_space<vmem_shared>>, %arg17: memref<10240xf32, #tpu.memory_space<vmem_shared>>, %arg18: memref<10240xf32, #tpu.memory_space<vmem_shared>>) attributes {dimension_semantics = [#tpu.dimension_semantics<core_parallel>, #tpu.dimension_semantics<subcore_parallel>], iteration_bounds = array<i64: 1, 16>, scalar_prefetch = 0 : i64, scratch_operands = 13 : i64, tpu.core_type = #tpu.core_type<sc_vector_subcore>, window_params = [{transform_indices = #map}, {transform_indices = #map}, {transform_indices = #map}, {transform_indices = #map}]} {
    %mul3A = arith.constant 20000 : i32
    %mul3A_0 = arith.muli %arg1, %mul3A : i32
    %dma_start3A = tpu.memref_slice %arg3[%mul3A_0] : memref<640000xi32, #tpu.memory_space<hbm>> -> memref<20000xi32, #tpu.memory_space<hbm>>
    %dma_start3A_1 = tpu.memref_slice %arg3[%mul3A_0] : memref<640000xi32, #tpu.memory_space<hbm>> -> memref<20000xi32, #tpu.memory_space<hbm>>
    tpu.enqueue_dma source(%dma_start3A_1 : memref<20000xi32, #tpu.memory_space<hbm>>) target(%arg6 : memref<20000xi32, #tpu.memory_space<vmem>>) target_semaphore(%arg15 : memref<!tpu.dma_semaphore, #tpu.memory_space<semaphore_mem>>)
    %add3A = arith.constant 320000 : i32
    %add3A_2 = arith.addi %add3A, %mul3A_0 : i32
    %dma_start3A_3 = tpu.memref_slice %arg3[%add3A_2] : memref<640000xi32, #tpu.memory_space<hbm>> -> memref<20000xi32, #tpu.memory_space<hbm>>
    %dma_start3A_4 = tpu.memref_slice %arg3[%add3A_2] : memref<640000xi32, #tpu.memory_space<hbm>> -> memref<20000xi32, #tpu.memory_space<hbm>>
    tpu.enqueue_dma source(%dma_start3A_4 : memref<20000xi32, #tpu.memory_space<hbm>>) target(%arg7 : memref<20000xi32, #tpu.memory_space<vmem>>) target_semaphore(%arg15 : memref<!tpu.dma_semaphore, #tpu.memory_space<semaphore_mem>>)
    %mul3A_5 = arith.constant 640 : i32
    %mul3A_6 = arith.muli %arg1, %mul3A_5 : i32
    %dma_start3A_7 = tpu.memref_slice %arg2[%mul3A_6] : memref<10240xf32, #tpu.memory_space<hbm>> -> memref<640xf32, #tpu.memory_space<hbm>>
    %dma_start3A_8 = tpu.memref_slice %arg2[%mul3A_6] : memref<10240xf32, #tpu.memory_space<hbm>> -> memref<640xf32, #tpu.memory_space<hbm>>
    tpu.enqueue_dma source(%dma_start3A_8 : memref<640xf32, #tpu.memory_space<hbm>>) target(%arg14 : memref<640xf32, #tpu.memory_space<vmem>>) target_semaphore(%arg15 : memref<!tpu.dma_semaphore, #tpu.memory_space<semaphore_mem>>)
    %broadcast_in_dim3A = arith.constant 0.000000e+00 : f32
    %broadcast_in_dim3A_9 = vector.broadcast %broadcast_in_dim3A : f32 to vector<16xf32>
    %parallel_loop3A = arith.constant 0 : i32
    %parallel_loop3A_10 = arith.constant 10240 : i32
    %parallel_loop3A_11 = arith.constant 16 : i32
    scf.for %parallel_loop3A_844 = %parallel_loop3A to %parallel_loop3A_10 step %parallel_loop3A_11  : i32 {
      %parallel_loop3A_845 = arith.index_cast %parallel_loop3A_844 : i32 to index
      %parallel_loop3A_846 = tpu.vector_load %arg10[%parallel_loop3A_845] {strides = array<i32>} : memref<10240xf32, #tpu.memory_space<vmem>>, vector<16xf32>,
      tpu.vector_store %arg10[%parallel_loop3A_845], %broadcast_in_dim3A_9 {strides = array<i32>} : memref<10240xf32, #tpu.memory_space<vmem>>, vector<16xf32>,
    } {sc.loop_unroll_factor = 8 : i64, sc.parallel_access}
    %dma_wait3A = tpu.memref_slice %arg3[%mul3A_0] : memref<640000xi32, #tpu.memory_space<hbm>> -> memref<20000xi32, #tpu.memory_space<hbm>>
    %dma_wait3A_12 = tpu.memref_slice %arg3[%mul3A_0] : memref<640000xi32, #tpu.memory_space<hbm>> -> memref<20000xi32, #tpu.memory_space<hbm>>
    tpu.wait_dma2 semaphore(%arg15 : memref<!tpu.dma_semaphore, #tpu.memory_space<semaphore_mem>>) src(%dma_wait3A_12 : memref<20000xi32, #tpu.memory_space<hbm>>) dst(%arg6 : memref<20000xi32, #tpu.memory_space<vmem>>)
    %dma_wait3A_13 = tpu.memref_slice %arg3[%add3A_2] : memref<640000xi32, #tpu.memory_space<hbm>> -> memref<20000xi32, #tpu.memory_space<hbm>>
    %dma_wait3A_14 = tpu.memref_slice %arg3[%add3A_2] : memref<640000xi32, #tpu.memory_space<hbm>> -> memref<20000xi32, #tpu.memory_space<hbm>>
    tpu.wait_dma2 semaphore(%arg15 : memref<!tpu.dma_semaphore, #tpu.memory_space<semaphore_mem>>) src(%dma_wait3A_14 : memref<20000xi32, #tpu.memory_space<hbm>>) dst(%arg7 : memref<20000xi32, #tpu.memory_space<vmem>>)
    %dma_wait3A_15 = tpu.memref_slice %arg2[%mul3A_6] : memref<10240xf32, #tpu.memory_space<hbm>> -> memref<640xf32, #tpu.memory_space<hbm>>
    %dma_wait3A_16 = tpu.memref_slice %arg2[%mul3A_6] : memref<10240xf32, #tpu.memory_space<hbm>> -> memref<640xf32, #tpu.memory_space<hbm>>
    tpu.wait_dma2 semaphore(%arg15 : memref<!tpu.dma_semaphore, #tpu.memory_space<semaphore_mem>>) src(%dma_wait3A_16 : memref<640xf32, #tpu.memory_space<hbm>>) dst(%arg14 : memref<640xf32, #tpu.memory_space<vmem>>)
    %broadcast_in_dim3A_17 = arith.constant 1.000000e+00 : f32
    %broadcast_in_dim3A_18 = vector.broadcast %broadcast_in_dim3A_17 : f32 to vector<16xf32>
    %parallel_loop3A_19 = arith.constant 0 : i32
    %parallel_loop3A_20 = arith.constant 20000 : i32
    %parallel_loop3A_21 = arith.constant 16 : i32
    scf.for %parallel_loop3A_844 = %parallel_loop3A_19 to %parallel_loop3A_20 step %parallel_loop3A_21  : i32 {
      %parallel_loop3A_845 = arith.index_cast %parallel_loop3A_844 : i32 to index
      %parallel_loop3A_846 = tpu.vector_load %arg6[%parallel_loop3A_845] {strides = array<i32>} : memref<20000xi32, #tpu.memory_space<vmem>>, vector<16xi32>,
      tpu.vector_store_idx %arg10[%parallel_loop3A_846], %broadcast_in_dim3A_18 {add = true} : memref<10240xf32, #tpu.memory_space<vmem>>[vector<16xi32>], vector<16xf32>,
    } {sc.loop_unroll_factor = 8 : i64, sc.parallel_access}
    %mul3A_22 = arith.constant 10240 : i32
    %mul3A_23 = arith.muli %arg1, %mul3A_22 : i32
    "tpu.region"() ({
      %run_scoped3A = tpu.sem_alloc : memref<!tpu.dma_semaphore, #tpu.memory_space<semaphore_mem>>
      %dma_start3A_844 = tpu.memref_slice %arg16[%mul3A_23] : memref<163840xf32, #tpu.memory_space<vmem_shared>> -> memref<10240xf32, #tpu.memory_space<vmem_shared>>
      %dma_start3A_845 = tpu.memref_slice %arg16[%mul3A_23] : memref<163840xf32, #tpu.memory_space<vmem_shared>> -> memref<10240xf32, #tpu.memory_space<vmem_shared>>
      tpu.enqueue_dma source(%arg10 : memref<10240xf32, #tpu.memory_space<vmem>>) target(%dma_start3A_845 : memref<10240xf32, #tpu.memory_space<vmem_shared>>) target_semaphore(%run_scoped3A : memref<!tpu.dma_semaphore, #tpu.memory_space<semaphore_mem>>)
      %dma_wait3A_846 = tpu.memref_slice %arg16[%mul3A_23] : memref<163840xf32, #tpu.memory_space<vmem_shared>> -> memref<10240xf32, #tpu.memory_space<vmem_shared>>
      %dma_wait3A_847 = tpu.memref_slice %arg16[%mul3A_23] : memref<163840xf32, #tpu.memory_space<vmem_shared>> -> memref<10240xf32, #tpu.memory_space<vmem_shared>>
      tpu.wait_dma2 semaphore(%run_scoped3A : memref<!tpu.dma_semaphore, #tpu.memory_space<semaphore_mem>>) src(%arg10 : memref<10240xf32, #tpu.memory_space<vmem>>) dst(%dma_wait3A_847 : memref<10240xf32, #tpu.memory_space<vmem_shared>>)
      tpu.yield
    }) : () -> ()
    %barrier3A = arith.constant 0 : index
    tpu.barrier barrier_id(%barrier3A)
    %mul3A_24 = arith.constant 640 : i32
    %mul3A_25 = arith.muli %arg1, %mul3A_24 : i32
    %add3A_26 = arith.constant 0 : i32
    %add3A_27 = arith.addi %add3A_26, %mul3A_25 : i32
    %dma_start3A_28 = arith.constant 0 : i32
    %dma_start3A_29 = tpu.memref_slice %arg11[%dma_start3A_28] : memref<10240xf32, #tpu.memory_space<vmem>> -> memref<640xf32, #tpu.memory_space<vmem>>
    %dma_start3A_30 = tpu.memref_slice %arg16[%add3A_27] : memref<163840xf32, #tpu.memory_space<vmem_shared>> -> memref<640xf32, #tpu.memory_space<vmem_shared>>
    %dma_start3A_31 = arith.constant 0 : i32
    %dma_start3A_32 = tpu.memref_slice %arg11[%dma_start3A_31] : memref<10240xf32, #tpu.memory_space<vmem>> -> memref<640xf32, #tpu.memory_space<vmem>>
    %dma_start3A_33 = tpu.memref_slice %arg16[%add3A_27] : memref<163840xf32, #tpu.memory_space<vmem_shared>> -> memref<640xf32, #tpu.memory_space<vmem_shared>>
    tpu.enqueue_dma source(%dma_start3A_33 : memref<640xf32, #tpu.memory_space<vmem_shared>>) target(%dma_start3A_32 : memref<640xf32, #tpu.memory_space<vmem>>) target_semaphore(%arg15 : memref<!tpu.dma_semaphore, #tpu.memory_space<semaphore_mem>>)
    %mul3A_34 = arith.constant 640 : i32
    %mul3A_35 = arith.muli %arg1, %mul3A_34 : i32
    %add3A_36 = arith.constant 10240 : i32
    %add3A_37 = arith.addi %add3A_36, %mul3A_35 : i32
    %dma_start3A_38 = arith.constant 640 : i32
    %dma_start3A_39 = tpu.memref_slice %arg11[%dma_start3A_38] : memref<10240xf32, #tpu.memory_space<vmem>> -> memref<640xf32, #tpu.memory_space<vmem>>
    %dma_start3A_40 = tpu.memref_slice %arg16[%add3A_37] : memref<163840xf32, #tpu.memory_space<vmem_shared>> -> memref<640xf32, #tpu.memory_space<vmem_shared>>
    %dma_start3A_41 = arith.constant 640 : i32
    %dma_start3A_42 = tpu.memref_slice %arg11[%dma_start3A_41] : memref<10240xf32, #tpu.memory_space<vmem>> -> memref<640xf32, #tpu.memory_space<vmem>>
    %dma_start3A_43 = tpu.memref_slice %arg16[%add3A_37] : memref<163840xf32, #tpu.memory_space<vmem_shared>> -> memref<640xf32, #tpu.memory_space<vmem_shared>>
    tpu.enqueue_dma source(%dma_start3A_43 : memref<640xf32, #tpu.memory_space<vmem_shared>>) target(%dma_start3A_42 : memref<640xf32, #tpu.memory_space<vmem>>) target_semaphore(%arg15 : memref<!tpu.dma_semaphore, #tpu.memory_space<semaphore_mem>>)
    %mul3A_44 = arith.constant 640 : i32
    %mul3A_45 = arith.muli %arg1, %mul3A_44 : i32
    %add3A_46 = arith.constant 20480 : i32
    %add3A_47 = arith.addi %add3A_46, %mul3A_45 : i32
    %dma_start3A_48 = arith.constant 1280 : i32
    %dma_start3A_49 = tpu.memref_slice %arg11[%dma_start3A_48] : memref<10240xf32, #tpu.memory_space<vmem>> -> memref<640xf32, #tpu.memory_space<vmem>>
    %dma_start3A_50 = tpu.memref_slice %arg16[%add3A_47] : memref<163840xf32, #tpu.memory_space<vmem_shared>> -> memref<640xf32, #tpu.memory_space<vmem_shared>>
    %dma_start3A_51 = arith.constant 1280 : i32
    %dma_start3A_52 = tpu.memref_slice %arg11[%dma_start3A_51] : memref<10240xf32, #tpu.memory_space<vmem>> -> memref<640xf32, #tpu.memory_space<vmem>>
    %dma_start3A_53 = tpu.memref_slice %arg16[%add3A_47] : memref<163840xf32, #tpu.memory_space<vmem_shared>> -> memref<640xf32, #tpu.memory_space<vmem_shared>>
    tpu.enqueue_dma source(%dma_start3A_53 : memref<640xf32, #tpu.memory_space<vmem_shared>>) target(%dma_start3A_52 : memref<640xf32, #tpu.memory_space<vmem>>) target_semaphore(%arg15 : memref<!tpu.dma_semaphore, #tpu.memory_space<semaphore_mem>>)
    %mul3A_54 = arith.constant 640 : i32
    %mul3A_55 = arith.muli %arg1, %mul3A_54 : i32
    %add3A_56 = arith.constant 30720 : i32
    %add3A_57 = arith.addi %add3A_56, %mul3A_55 : i32
    %dma_start3A_58 = arith.constant 1920 : i32
    %dma_start3A_59 = tpu.memref_slice %arg11[%dma_start3A_58] : memref<10240xf32, #tpu.memory_space<vmem>> -> memref<640xf32, #tpu.memory_space<vmem>>
    %dma_start3A_60 = tpu.memref_slice %arg16[%add3A_57] : memref<163840xf32, #tpu.memory_space<vmem_shared>> -> memref<640xf32, #tpu.memory_space<vmem_shared>>
    %dma_start3A_61 = arith.constant 1920 : i32
    %dma_start3A_62 = tpu.memref_slice %arg11[%dma_start3A_61] : memref<10240xf32, #tpu.memory_space<vmem>> -> memref<640xf32, #tpu.memory_space<vmem>>
    %dma_start3A_63 = tpu.memref_slice %arg16[%add3A_57] : memref<163840xf32, #tpu.memory_space<vmem_shared>> -> memref<640xf32, #tpu.memory_space<vmem_shared>>
    tpu.enqueue_dma source(%dma_start3A_63 : memref<640xf32, #tpu.memory_space<vmem_shared>>) target(%dma_start3A_62 : memref<640xf32, #tpu.memory_space<vmem>>) target_semaphore(%arg15 : memref<!tpu.dma_semaphore, #tpu.memory_space<semaphore_mem>>)
    %mul3A_64 = arith.constant 640 : i32
    %mul3A_65 = arith.muli %arg1, %mul3A_64 : i32
    %add3A_66 = arith.constant 40960 : i32
    %add3A_67 = arith.addi %add3A_66, %mul3A_65 : i32
    %dma_start3A_68 = arith.constant 2560 : i32
    %dma_start3A_69 = tpu.memref_slice %arg11[%dma_start3A_68] : memref<10240xf32, #tpu.memory_space<vmem>> -> memref<640xf32, #tpu.memory_space<vmem>>
    %dma_start3A_70 = tpu.memref_slice %arg16[%add3A_67] : memref<163840xf32, #tpu.memory_space<vmem_shared>> -> memref<640xf32, #tpu.memory_space<vmem_shared>>
    %dma_start3A_71 = arith.constant 2560 : i32
    %dma_start3A_72 = tpu.memref_slice %arg11[%dma_start3A_71] : memref<10240xf32, #tpu.memory_space<vmem>> -> memref<640xf32, #tpu.memory_space<vmem>>
    %dma_start3A_73 = tpu.memref_slice %arg16[%add3A_67] : memref<163840xf32, #tpu.memory_space<vmem_shared>> -> memref<640xf32, #tpu.memory_space<vmem_shared>>
    tpu.enqueue_dma source(%dma_start3A_73 : memref<640xf32, #tpu.memory_space<vmem_shared>>) target(%dma_start3A_72 : memref<640xf32, #tpu.memory_space<vmem>>) target_semaphore(%arg15 : memref<!tpu.dma_semaphore, #tpu.memory_space<semaphore_mem>>)
    %mul3A_74 = arith.constant 640 : i32
    %mul3A_75 = arith.muli %arg1, %mul3A_74 : i32
    %add3A_76 = arith.constant 51200 : i32
    %add3A_77 = arith.addi %add3A_76, %mul3A_75 : i32
    %dma_start3A_78 = arith.constant 3200 : i32
    %dma_start3A_79 = tpu.memref_slice %arg11[%dma_start3A_78] : memref<10240xf32, #tpu.memory_space<vmem>> -> memref<640xf32, #tpu.memory_space<vmem>>
    %dma_start3A_80 = tpu.memref_slice %arg16[%add3A_77] : memref<163840xf32, #tpu.memory_space<vmem_shared>> -> memref<640xf32, #tpu.memory_space<vmem_shared>>
    %dma_start3A_81 = arith.constant 3200 : i32
    %dma_start3A_82 = tpu.memref_slice %arg11[%dma_start3A_81] : memref<10240xf32, #tpu.memory_space<vmem>> -> memref<640xf32, #tpu.memory_space<vmem>>
    %dma_start3A_83 = tpu.memref_slice %arg16[%add3A_77] : memref<163840xf32, #tpu.memory_space<vmem_shared>> -> memref<640xf32, #tpu.memory_space<vmem_shared>>
    tpu.enqueue_dma source(%dma_start3A_83 : memref<640xf32, #tpu.memory_space<vmem_shared>>) target(%dma_start3A_82 : memref<640xf32, #tpu.memory_space<vmem>>) target_semaphore(%arg15 : memref<!tpu.dma_semaphore, #tpu.memory_space<semaphore_mem>>)
    %mul3A_84 = arith.constant 640 : i32
    %mul3A_85 = arith.muli %arg1, %mul3A_84 : i32
    %add3A_86 = arith.constant 61440 : i32
    %add3A_87 = arith.addi %add3A_86, %mul3A_85 : i32
    %dma_start3A_88 = arith.constant 3840 : i32
    %dma_start3A_89 = tpu.memref_slice %arg11[%dma_start3A_88] : memref<10240xf32, #tpu.memory_space<vmem>> -> memref<640xf32, #tpu.memory_space<vmem>>
    %dma_start3A_90 = tpu.memref_slice %arg16[%add3A_87] : memref<163840xf32, #tpu.memory_space<vmem_shared>> -> memref<640xf32, #tpu.memory_space<vmem_shared>>
    %dma_start3A_91 = arith.constant 3840 : i32
    %dma_start3A_92 = tpu.memref_slice %arg11[%dma_start3A_91] : memref<10240xf32, #tpu.memory_space<vmem>> -> memref<640xf32, #tpu.memory_space<vmem>>
    %dma_start3A_93 = tpu.memref_slice %arg16[%add3A_87] : memref<163840xf32, #tpu.memory_space<vmem_shared>> -> memref<640xf32, #tpu.memory_space<vmem_shared>>
    tpu.enqueue_dma source(%dma_start3A_93 : memref<640xf32, #tpu.memory_space<vmem_shared>>) target(%dma_start3A_92 : memref<640xf32, #tpu.memory_space<vmem>>) target_semaphore(%arg15 : memref<!tpu.dma_semaphore, #tpu.memory_space<semaphore_mem>>)
    %mul3A_94 = arith.constant 640 : i32
    %mul3A_95 = arith.muli %arg1, %mul3A_94 : i32
    %add3A_96 = arith.constant 71680 : i32
    %add3A_97 = arith.addi %add3A_96, %mul3A_95 : i32
    %dma_start3A_98 = arith.constant 4480 : i32
    %dma_start3A_99 = tpu.memref_slice %arg11[%dma_start3A_98] : memref<10240xf32, #tpu.memory_space<vmem>> -> memref<640xf32, #tpu.memory_space<vmem>>
    %dma_start3A_100 = tpu.memref_slice %arg16[%add3A_97] : memref<163840xf32, #tpu.memory_space<vmem_shared>> -> memref<640xf32, #tpu.memory_space<vmem_shared>>
    %dma_start3A_101 = arith.constant 4480 : i32
    %dma_start3A_102 = tpu.memref_slice %arg11[%dma_start3A_101] : memref<10240xf32, #tpu.memory_space<vmem>> -> memref<640xf32, #tpu.memory_space<vmem>>
    %dma_start3A_103 = tpu.memref_slice %arg16[%add3A_97] : memref<163840xf32, #tpu.memory_space<vmem_shared>> -> memref<640xf32, #tpu.memory_space<vmem_shared>>
    tpu.enqueue_dma source(%dma_start3A_103 : memref<640xf32, #tpu.memory_space<vmem_shared>>) target(%dma_start3A_102 : memref<640xf32, #tpu.memory_space<vmem>>) target_semaphore(%arg15 : memref<!tpu.dma_semaphore, #tpu.memory_space<semaphore_mem>>)
    %mul3A_104 = arith.constant 640 : i32
    %mul3A_105 = arith.muli %arg1, %mul3A_104 : i32
    %add3A_106 = arith.constant 81920 : i32
    %add3A_107 = arith.addi %add3A_106, %mul3A_105 : i32
    %dma_start3A_108 = arith.constant 5120 : i32
    %dma_start3A_109 = tpu.memref_slice %arg11[%dma_start3A_108] : memref<10240xf32, #tpu.memory_space<vmem>> -> memref<640xf32, #tpu.memory_space<vmem>>
    %dma_start3A_110 = tpu.memref_slice %arg16[%add3A_107] : memref<163840xf32, #tpu.memory_space<vmem_shared>> -> memref<640xf32, #tpu.memory_space<vmem_shared>>
    %dma_start3A_111 = arith.constant 5120 : i32
    %dma_start3A_112 = tpu.memref_slice %arg11[%dma_start3A_111] : memref<10240xf32, #tpu.memory_space<vmem>> -> memref<640xf32, #tpu.memory_space<vmem>>
    %dma_start3A_113 = tpu.memref_slice %arg16[%add3A_107] : memref<163840xf32, #tpu.memory_space<vmem_shared>> -> memref<640xf32, #tpu.memory_space<vmem_shared>>
    tpu.enqueue_dma source(%dma_start3A_113 : memref<640xf32, #tpu.memory_space<vmem_shared>>) target(%dma_start3A_112 : memref<640xf32, #tpu.memory_space<vmem>>) target_semaphore(%arg15 : memref<!tpu.dma_semaphore, #tpu.memory_space<semaphore_mem>>)
    %mul3A_114 = arith.constant 640 : i32
    %mul3A_115 = arith.muli %arg1, %mul3A_114 : i32
    %add3A_116 = arith.constant 92160 : i32
    %add3A_117 = arith.addi %add3A_116, %mul3A_115 : i32
    %dma_start3A_118 = arith.constant 5760 : i32
    %dma_start3A_119 = tpu.memref_slice %arg11[%dma_start3A_118] : memref<10240xf32, #tpu.memory_space<vmem>> -> memref<640xf32, #tpu.memory_space<vmem>>
    %dma_start3A_120 = tpu.memref_slice %arg16[%add3A_117] : memref<163840xf32, #tpu.memory_space<vmem_shared>> -> memref<640xf32, #tpu.memory_space<vmem_shared>>
    %dma_start3A_121 = arith.constant 5760 : i32
    %dma_start3A_122 = tpu.memref_slice %arg11[%dma_start3A_121] : memref<10240xf32, #tpu.memory_space<vmem>> -> memref<640xf32, #tpu.memory_space<vmem>>
    %dma_start3A_123 = tpu.memref_slice %arg16[%add3A_117] : memref<163840xf32, #tpu.memory_space<vmem_shared>> -> memref<640xf32, #tpu.memory_space<vmem_shared>>
    tpu.enqueue_dma source(%dma_start3A_123 : memref<640xf32, #tpu.memory_space<vmem_shared>>) target(%dma_start3A_122 : memref<640xf32, #tpu.memory_space<vmem>>) target_semaphore(%arg15 : memref<!tpu.dma_semaphore, #tpu.memory_space<semaphore_mem>>)
    %mul3A_124 = arith.constant 640 : i32
    %mul3A_125 = arith.muli %arg1, %mul3A_124 : i32
    %add3A_126 = arith.constant 102400 : i32
    %add3A_127 = arith.addi %add3A_126, %mul3A_125 : i32
    %dma_start3A_128 = arith.constant 6400 : i32
    %dma_start3A_129 = tpu.memref_slice %arg11[%dma_start3A_128] : memref<10240xf32, #tpu.memory_space<vmem>> -> memref<640xf32, #tpu.memory_space<vmem>>
    %dma_start3A_130 = tpu.memref_slice %arg16[%add3A_127] : memref<163840xf32, #tpu.memory_space<vmem_shared>> -> memref<640xf32, #tpu.memory_space<vmem_shared>>
    %dma_start3A_131 = arith.constant 6400 : i32
    %dma_start3A_132 = tpu.memref_slice %arg11[%dma_start3A_131] : memref<10240xf32, #tpu.memory_space<vmem>> -> memref<640xf32, #tpu.memory_space<vmem>>
    %dma_start3A_133 = tpu.memref_slice %arg16[%add3A_127] : memref<163840xf32, #tpu.memory_space<vmem_shared>> -> memref<640xf32, #tpu.memory_space<vmem_shared>>
    tpu.enqueue_dma source(%dma_start3A_133 : memref<640xf32, #tpu.memory_space<vmem_shared>>) target(%dma_start3A_132 : memref<640xf32, #tpu.memory_space<vmem>>) target_semaphore(%arg15 : memref<!tpu.dma_semaphore, #tpu.memory_space<semaphore_mem>>)
    %mul3A_134 = arith.constant 640 : i32
    %mul3A_135 = arith.muli %arg1, %mul3A_134 : i32
    %add3A_136 = arith.constant 112640 : i32
    %add3A_137 = arith.addi %add3A_136, %mul3A_135 : i32
    %dma_start3A_138 = arith.constant 7040 : i32
    %dma_start3A_139 = tpu.memref_slice %arg11[%dma_start3A_138] : memref<10240xf32, #tpu.memory_space<vmem>> -> memref<640xf32, #tpu.memory_space<vmem>>
    %dma_start3A_140 = tpu.memref_slice %arg16[%add3A_137] : memref<163840xf32, #tpu.memory_space<vmem_shared>> -> memref<640xf32, #tpu.memory_space<vmem_shared>>
    %dma_start3A_141 = arith.constant 7040 : i32
    %dma_start3A_142 = tpu.memref_slice %arg11[%dma_start3A_141] : memref<10240xf32, #tpu.memory_space<vmem>> -> memref<640xf32, #tpu.memory_space<vmem>>
    %dma_start3A_143 = tpu.memref_slice %arg16[%add3A_137] : memref<163840xf32, #tpu.memory_space<vmem_shared>> -> memref<640xf32, #tpu.memory_space<vmem_shared>>
    tpu.enqueue_dma source(%dma_start3A_143 : memref<640xf32, #tpu.memory_space<vmem_shared>>) target(%dma_start3A_142 : memref<640xf32, #tpu.memory_space<vmem>>) target_semaphore(%arg15 : memref<!tpu.dma_semaphore, #tpu.memory_space<semaphore_mem>>)
    %mul3A_144 = arith.constant 640 : i32
    %mul3A_145 = arith.muli %arg1, %mul3A_144 : i32
    %add3A_146 = arith.constant 122880 : i32
    %add3A_147 = arith.addi %add3A_146, %mul3A_145 : i32
    %dma_start3A_148 = arith.constant 7680 : i32
    %dma_start3A_149 = tpu.memref_slice %arg11[%dma_start3A_148] : memref<10240xf32, #tpu.memory_space<vmem>> -> memref<640xf32, #tpu.memory_space<vmem>>
    %dma_start3A_150 = tpu.memref_slice %arg16[%add3A_147] : memref<163840xf32, #tpu.memory_space<vmem_shared>> -> memref<640xf32, #tpu.memory_space<vmem_shared>>
    %dma_start3A_151 = arith.constant 7680 : i32
    %dma_start3A_152 = tpu.memref_slice %arg11[%dma_start3A_151] : memref<10240xf32, #tpu.memory_space<vmem>> -> memref<640xf32, #tpu.memory_space<vmem>>
    %dma_start3A_153 = tpu.memref_slice %arg16[%add3A_147] : memref<163840xf32, #tpu.memory_space<vmem_shared>> -> memref<640xf32, #tpu.memory_space<vmem_shared>>
    tpu.enqueue_dma source(%dma_start3A_153 : memref<640xf32, #tpu.memory_space<vmem_shared>>) target(%dma_start3A_152 : memref<640xf32, #tpu.memory_space<vmem>>) target_semaphore(%arg15 : memref<!tpu.dma_semaphore, #tpu.memory_space<semaphore_mem>>)
    %mul3A_154 = arith.constant 640 : i32
    %mul3A_155 = arith.muli %arg1, %mul3A_154 : i32
    %add3A_156 = arith.constant 133120 : i32
    %add3A_157 = arith.addi %add3A_156, %mul3A_155 : i32
    %dma_start3A_158 = arith.constant 8320 : i32
    %dma_start3A_159 = tpu.memref_slice %arg11[%dma_start3A_158] : memref<10240xf32, #tpu.memory_space<vmem>> -> memref<640xf32, #tpu.memory_space<vmem>>
    %dma_start3A_160 = tpu.memref_slice %arg16[%add3A_157] : memref<163840xf32, #tpu.memory_space<vmem_shared>> -> memref<640xf32, #tpu.memory_space<vmem_shared>>
    %dma_start3A_161 = arith.constant 8320 : i32
    %dma_start3A_162 = tpu.memref_slice %arg11[%dma_start3A_161] : memref<10240xf32, #tpu.memory_space<vmem>> -> memref<640xf32, #tpu.memory_space<vmem>>
    %dma_start3A_163 = tpu.memref_slice %arg16[%add3A_157] : memref<163840xf32, #tpu.memory_space<vmem_shared>> -> memref<640xf32, #tpu.memory_space<vmem_shared>>
    tpu.enqueue_dma source(%dma_start3A_163 : memref<640xf32, #tpu.memory_space<vmem_shared>>) target(%dma_start3A_162 : memref<640xf32, #tpu.memory_space<vmem>>) target_semaphore(%arg15 : memref<!tpu.dma_semaphore, #tpu.memory_space<semaphore_mem>>)
    %mul3A_164 = arith.constant 640 : i32
    %mul3A_165 = arith.muli %arg1, %mul3A_164 : i32
    %add3A_166 = arith.constant 143360 : i32
    %add3A_167 = arith.addi %add3A_166, %mul3A_165 : i32
    %dma_start3A_168 = arith.constant 8960 : i32
    %dma_start3A_169 = tpu.memref_slice %arg11[%dma_start3A_168] : memref<10240xf32, #tpu.memory_space<vmem>> -> memref<640xf32, #tpu.memory_space<vmem>>
    %dma_start3A_170 = tpu.memref_slice %arg16[%add3A_167] : memref<163840xf32, #tpu.memory_space<vmem_shared>> -> memref<640xf32, #tpu.memory_space<vmem_shared>>
    %dma_start3A_171 = arith.constant 8960 : i32
    %dma_start3A_172 = tpu.memref_slice %arg11[%dma_start3A_171] : memref<10240xf32, #tpu.memory_space<vmem>> -> memref<640xf32, #tpu.memory_space<vmem>>
    %dma_start3A_173 = tpu.memref_slice %arg16[%add3A_167] : memref<163840xf32, #tpu.memory_space<vmem_shared>> -> memref<640xf32, #tpu.memory_space<vmem_shared>>
    tpu.enqueue_dma source(%dma_start3A_173 : memref<640xf32, #tpu.memory_space<vmem_shared>>) target(%dma_start3A_172 : memref<640xf32, #tpu.memory_space<vmem>>) target_semaphore(%arg15 : memref<!tpu.dma_semaphore, #tpu.memory_space<semaphore_mem>>)
    %mul3A_174 = arith.constant 640 : i32
    %mul3A_175 = arith.muli %arg1, %mul3A_174 : i32
    %add3A_176 = arith.constant 153600 : i32
    %add3A_177 = arith.addi %add3A_176, %mul3A_175 : i32
    %dma_start3A_178 = arith.constant 9600 : i32
    %dma_start3A_179 = tpu.memref_slice %arg11[%dma_start3A_178] : memref<10240xf32, #tpu.memory_space<vmem>> -> memref<640xf32, #tpu.memory_space<vmem>>
    %dma_start3A_180 = tpu.memref_slice %arg16[%add3A_177] : memref<163840xf32, #tpu.memory_space<vmem_shared>> -> memref<640xf32, #tpu.memory_space<vmem_shared>>
    %dma_start3A_181 = arith.constant 9600 : i32
    %dma_start3A_182 = tpu.memref_slice %arg11[%dma_start3A_181] : memref<10240xf32, #tpu.memory_space<vmem>> -> memref<640xf32, #tpu.memory_space<vmem>>
    %dma_start3A_183 = tpu.memref_slice %arg16[%add3A_177] : memref<163840xf32, #tpu.memory_space<vmem_shared>> -> memref<640xf32, #tpu.memory_space<vmem_shared>>
    tpu.enqueue_dma source(%dma_start3A_183 : memref<640xf32, #tpu.memory_space<vmem_shared>>) target(%dma_start3A_182 : memref<640xf32, #tpu.memory_space<vmem>>) target_semaphore(%arg15 : memref<!tpu.dma_semaphore, #tpu.memory_space<semaphore_mem>>)
    %dma_wait3A_184 = arith.constant 0 : i32
    %dma_wait3A_185 = tpu.memref_slice %arg11[%dma_wait3A_184] : memref<10240xf32, #tpu.memory_space<vmem>> -> memref<640xf32, #tpu.memory_space<vmem>>
    %dma_wait3A_186 = tpu.memref_slice %arg16[%add3A_27] : memref<163840xf32, #tpu.memory_space<vmem_shared>> -> memref<640xf32, #tpu.memory_space<vmem_shared>>
    %dma_wait3A_187 = arith.constant 0 : i32
    %dma_wait3A_188 = tpu.memref_slice %arg11[%dma_wait3A_187] : memref<10240xf32, #tpu.memory_space<vmem>> -> memref<640xf32, #tpu.memory_space<vmem>>
    %dma_wait3A_189 = tpu.memref_slice %arg16[%add3A_27] : memref<163840xf32, #tpu.memory_space<vmem_shared>> -> memref<640xf32, #tpu.memory_space<vmem_shared>>
    tpu.wait_dma2 semaphore(%arg15 : memref<!tpu.dma_semaphore, #tpu.memory_space<semaphore_mem>>) src(%dma_wait3A_189 : memref<640xf32, #tpu.memory_space<vmem_shared>>) dst(%dma_wait3A_188 : memref<640xf32, #tpu.memory_space<vmem>>)
    %dma_wait3A_190 = arith.constant 640 : i32
    %dma_wait3A_191 = tpu.memref_slice %arg11[%dma_wait3A_190] : memref<10240xf32, #tpu.memory_space<vmem>> -> memref<640xf32, #tpu.memory_space<vmem>>
    %dma_wait3A_192 = tpu.memref_slice %arg16[%add3A_37] : memref<163840xf32, #tpu.memory_space<vmem_shared>> -> memref<640xf32, #tpu.memory_space<vmem_shared>>
    %dma_wait3A_193 = arith.constant 640 : i32
    %dma_wait3A_194 = tpu.memref_slice %arg11[%dma_wait3A_193] : memref<10240xf32, #tpu.memory_space<vmem>> -> memref<640xf32, #tpu.memory_space<vmem>>
    %dma_wait3A_195 = tpu.memref_slice %arg16[%add3A_37] : memref<163840xf32, #tpu.memory_space<vmem_shared>> -> memref<640xf32, #tpu.memory_space<vmem_shared>>
    tpu.wait_dma2 semaphore(%arg15 : memref<!tpu.dma_semaphore, #tpu.memory_space<semaphore_mem>>) src(%dma_wait3A_195 : memref<640xf32, #tpu.memory_space<vmem_shared>>) dst(%dma_wait3A_194 : memref<640xf32, #tpu.memory_space<vmem>>)
    %dma_wait3A_196 = arith.constant 1280 : i32
    %dma_wait3A_197 = tpu.memref_slice %arg11[%dma_wait3A_196] : memref<10240xf32, #tpu.memory_space<vmem>> -> memref<640xf32, #tpu.memory_space<vmem>>
    %dma_wait3A_198 = tpu.memref_slice %arg16[%add3A_47] : memref<163840xf32, #tpu.memory_space<vmem_shared>> -> memref<640xf32, #tpu.memory_space<vmem_shared>>
    %dma_wait3A_199 = arith.constant 1280 : i32
    %dma_wait3A_200 = tpu.memref_slice %arg11[%dma_wait3A_199] : memref<10240xf32, #tpu.memory_space<vmem>> -> memref<640xf32, #tpu.memory_space<vmem>>
    %dma_wait3A_201 = tpu.memref_slice %arg16[%add3A_47] : memref<163840xf32, #tpu.memory_space<vmem_shared>> -> memref<640xf32, #tpu.memory_space<vmem_shared>>
    tpu.wait_dma2 semaphore(%arg15 : memref<!tpu.dma_semaphore, #tpu.memory_space<semaphore_mem>>) src(%dma_wait3A_201 : memref<640xf32, #tpu.memory_space<vmem_shared>>) dst(%dma_wait3A_200 : memref<640xf32, #tpu.memory_space<vmem>>)
    %dma_wait3A_202 = arith.constant 1920 : i32
    %dma_wait3A_203 = tpu.memref_slice %arg11[%dma_wait3A_202] : memref<10240xf32, #tpu.memory_space<vmem>> -> memref<640xf32, #tpu.memory_space<vmem>>
    %dma_wait3A_204 = tpu.memref_slice %arg16[%add3A_57] : memref<163840xf32, #tpu.memory_space<vmem_shared>> -> memref<640xf32, #tpu.memory_space<vmem_shared>>
    %dma_wait3A_205 = arith.constant 1920 : i32
    %dma_wait3A_206 = tpu.memref_slice %arg11[%dma_wait3A_205] : memref<10240xf32, #tpu.memory_space<vmem>> -> memref<640xf32, #tpu.memory_space<vmem>>
    %dma_wait3A_207 = tpu.memref_slice %arg16[%add3A_57] : memref<163840xf32, #tpu.memory_space<vmem_shared>> -> memref<640xf32, #tpu.memory_space<vmem_shared>>
    tpu.wait_dma2 semaphore(%arg15 : memref<!tpu.dma_semaphore, #tpu.memory_space<semaphore_mem>>) src(%dma_wait3A_207 : memref<640xf32, #tpu.memory_space<vmem_shared>>) dst(%dma_wait3A_206 : memref<640xf32, #tpu.memory_space<vmem>>)
    %dma_wait3A_208 = arith.constant 2560 : i32
    %dma_wait3A_209 = tpu.memref_slice %arg11[%dma_wait3A_208] : memref<10240xf32, #tpu.memory_space<vmem>> -> memref<640xf32, #tpu.memory_space<vmem>>
    %dma_wait3A_210 = tpu.memref_slice %arg16[%add3A_67] : memref<163840xf32, #tpu.memory_space<vmem_shared>> -> memref<640xf32, #tpu.memory_space<vmem_shared>>
    %dma_wait3A_211 = arith.constant 2560 : i32
    %dma_wait3A_212 = tpu.memref_slice %arg11[%dma_wait3A_211] : memref<10240xf32, #tpu.memory_space<vmem>> -> memref<640xf32, #tpu.memory_space<vmem>>
    %dma_wait3A_213 = tpu.memref_slice %arg16[%add3A_67] : memref<163840xf32, #tpu.memory_space<vmem_shared>> -> memref<640xf32, #tpu.memory_space<vmem_shared>>
    tpu.wait_dma2 semaphore(%arg15 : memref<!tpu.dma_semaphore, #tpu.memory_space<semaphore_mem>>) src(%dma_wait3A_213 : memref<640xf32, #tpu.memory_space<vmem_shared>>) dst(%dma_wait3A_212 : memref<640xf32, #tpu.memory_space<vmem>>)
    %dma_wait3A_214 = arith.constant 3200 : i32
    %dma_wait3A_215 = tpu.memref_slice %arg11[%dma_wait3A_214] : memref<10240xf32, #tpu.memory_space<vmem>> -> memref<640xf32, #tpu.memory_space<vmem>>
    %dma_wait3A_216 = tpu.memref_slice %arg16[%add3A_77] : memref<163840xf32, #tpu.memory_space<vmem_shared>> -> memref<640xf32, #tpu.memory_space<vmem_shared>>
    %dma_wait3A_217 = arith.constant 3200 : i32
    %dma_wait3A_218 = tpu.memref_slice %arg11[%dma_wait3A_217] : memref<10240xf32, #tpu.memory_space<vmem>> -> memref<640xf32, #tpu.memory_space<vmem>>
    %dma_wait3A_219 = tpu.memref_slice %arg16[%add3A_77] : memref<163840xf32, #tpu.memory_space<vmem_shared>> -> memref<640xf32, #tpu.memory_space<vmem_shared>>
    tpu.wait_dma2 semaphore(%arg15 : memref<!tpu.dma_semaphore, #tpu.memory_space<semaphore_mem>>) src(%dma_wait3A_219 : memref<640xf32, #tpu.memory_space<vmem_shared>>) dst(%dma_wait3A_218 : memref<640xf32, #tpu.memory_space<vmem>>)
    %dma_wait3A_220 = arith.constant 3840 : i32
    %dma_wait3A_221 = tpu.memref_slice %arg11[%dma_wait3A_220] : memref<10240xf32, #tpu.memory_space<vmem>> -> memref<640xf32, #tpu.memory_space<vmem>>
    %dma_wait3A_222 = tpu.memref_slice %arg16[%add3A_87] : memref<163840xf32, #tpu.memory_space<vmem_shared>> -> memref<640xf32, #tpu.memory_space<vmem_shared>>
    %dma_wait3A_223 = arith.constant 3840 : i32
    %dma_wait3A_224 = tpu.memref_slice %arg11[%dma_wait3A_223] : memref<10240xf32, #tpu.memory_space<vmem>> -> memref<640xf32, #tpu.memory_space<vmem>>
    %dma_wait3A_225 = tpu.memref_slice %arg16[%add3A_87] : memref<163840xf32, #tpu.memory_space<vmem_shared>> -> memref<640xf32, #tpu.memory_space<vmem_shared>>
    tpu.wait_dma2 semaphore(%arg15 : memref<!tpu.dma_semaphore, #tpu.memory_space<semaphore_mem>>) src(%dma_wait3A_225 : memref<640xf32, #tpu.memory_space<vmem_shared>>) dst(%dma_wait3A_224 : memref<640xf32, #tpu.memory_space<vmem>>)
    %dma_wait3A_226 = arith.constant 4480 : i32
    %dma_wait3A_227 = tpu.memref_slice %arg11[%dma_wait3A_226] : memref<10240xf32, #tpu.memory_space<vmem>> -> memref<640xf32, #tpu.memory_space<vmem>>
    %dma_wait3A_228 = tpu.memref_slice %arg16[%add3A_97] : memref<163840xf32, #tpu.memory_space<vmem_shared>> -> memref<640xf32, #tpu.memory_space<vmem_shared>>
    %dma_wait3A_229 = arith.constant 4480 : i32
    %dma_wait3A_230 = tpu.memref_slice %arg11[%dma_wait3A_229] : memref<10240xf32, #tpu.memory_space<vmem>> -> memref<640xf32, #tpu.memory_space<vmem>>
    %dma_wait3A_231 = tpu.memref_slice %arg16[%add3A_97] : memref<163840xf32, #tpu.memory_space<vmem_shared>> -> memref<640xf32, #tpu.memory_space<vmem_shared>>
    tpu.wait_dma2 semaphore(%arg15 : memref<!tpu.dma_semaphore, #tpu.memory_space<semaphore_mem>>) src(%dma_wait3A_231 : memref<640xf32, #tpu.memory_space<vmem_shared>>) dst(%dma_wait3A_230 : memref<640xf32, #tpu.memory_space<vmem>>)
    %dma_wait3A_232 = arith.constant 5120 : i32
    %dma_wait3A_233 = tpu.memref_slice %arg11[%dma_wait3A_232] : memref<10240xf32, #tpu.memory_space<vmem>> -> memref<640xf32, #tpu.memory_space<vmem>>
    %dma_wait3A_234 = tpu.memref_slice %arg16[%add3A_107] : memref<163840xf32, #tpu.memory_space<vmem_shared>> -> memref<640xf32, #tpu.memory_space<vmem_shared>>
    %dma_wait3A_235 = arith.constant 5120 : i32
    %dma_wait3A_236 = tpu.memref_slice %arg11[%dma_wait3A_235] : memref<10240xf32, #tpu.memory_space<vmem>> -> memref<640xf32, #tpu.memory_space<vmem>>
    %dma_wait3A_237 = tpu.memref_slice %arg16[%add3A_107] : memref<163840xf32, #tpu.memory_space<vmem_shared>> -> memref<640xf32, #tpu.memory_space<vmem_shared>>
    tpu.wait_dma2 semaphore(%arg15 : memref<!tpu.dma_semaphore, #tpu.memory_space<semaphore_mem>>) src(%dma_wait3A_237 : memref<640xf32, #tpu.memory_space<vmem_shared>>) dst(%dma_wait3A_236 : memref<640xf32, #tpu.memory_space<vmem>>)
    %dma_wait3A_238 = arith.constant 5760 : i32
    %dma_wait3A_239 = tpu.memref_slice %arg11[%dma_wait3A_238] : memref<10240xf32, #tpu.memory_space<vmem>> -> memref<640xf32, #tpu.memory_space<vmem>>
    %dma_wait3A_240 = tpu.memref_slice %arg16[%add3A_117] : memref<163840xf32, #tpu.memory_space<vmem_shared>> -> memref<640xf32, #tpu.memory_space<vmem_shared>>
    %dma_wait3A_241 = arith.constant 5760 : i32
    %dma_wait3A_242 = tpu.memref_slice %arg11[%dma_wait3A_241] : memref<10240xf32, #tpu.memory_space<vmem>> -> memref<640xf32, #tpu.memory_space<vmem>>
    %dma_wait3A_243 = tpu.memref_slice %arg16[%add3A_117] : memref<163840xf32, #tpu.memory_space<vmem_shared>> -> memref<640xf32, #tpu.memory_space<vmem_shared>>
    tpu.wait_dma2 semaphore(%arg15 : memref<!tpu.dma_semaphore, #tpu.memory_space<semaphore_mem>>) src(%dma_wait3A_243 : memref<640xf32, #tpu.memory_space<vmem_shared>>) dst(%dma_wait3A_242 : memref<640xf32, #tpu.memory_space<vmem>>)
    %dma_wait3A_244 = arith.constant 6400 : i32
    %dma_wait3A_245 = tpu.memref_slice %arg11[%dma_wait3A_244] : memref<10240xf32, #tpu.memory_space<vmem>> -> memref<640xf32, #tpu.memory_space<vmem>>
    %dma_wait3A_246 = tpu.memref_slice %arg16[%add3A_127] : memref<163840xf32, #tpu.memory_space<vmem_shared>> -> memref<640xf32, #tpu.memory_space<vmem_shared>>
    %dma_wait3A_247 = arith.constant 6400 : i32
    %dma_wait3A_248 = tpu.memref_slice %arg11[%dma_wait3A_247] : memref<10240xf32, #tpu.memory_space<vmem>> -> memref<640xf32, #tpu.memory_space<vmem>>
    %dma_wait3A_249 = tpu.memref_slice %arg16[%add3A_127] : memref<163840xf32, #tpu.memory_space<vmem_shared>> -> memref<640xf32, #tpu.memory_space<vmem_shared>>
    tpu.wait_dma2 semaphore(%arg15 : memref<!tpu.dma_semaphore, #tpu.memory_space<semaphore_mem>>) src(%dma_wait3A_249 : memref<640xf32, #tpu.memory_space<vmem_shared>>) dst(%dma_wait3A_248 : memref<640xf32, #tpu.memory_space<vmem>>)
    %dma_wait3A_250 = arith.constant 7040 : i32
    %dma_wait3A_251 = tpu.memref_slice %arg11[%dma_wait3A_250] : memref<10240xf32, #tpu.memory_space<vmem>> -> memref<640xf32, #tpu.memory_space<vmem>>
    %dma_wait3A_252 = tpu.memref_slice %arg16[%add3A_137] : memref<163840xf32, #tpu.memory_space<vmem_shared>> -> memref<640xf32, #tpu.memory_space<vmem_shared>>
    %dma_wait3A_253 = arith.constant 7040 : i32
    %dma_wait3A_254 = tpu.memref_slice %arg11[%dma_wait3A_253] : memref<10240xf32, #tpu.memory_space<vmem>> -> memref<640xf32, #tpu.memory_space<vmem>>
    %dma_wait3A_255 = tpu.memref_slice %arg16[%add3A_137] : memref<163840xf32, #tpu.memory_space<vmem_shared>> -> memref<640xf32, #tpu.memory_space<vmem_shared>>
    tpu.wait_dma2 semaphore(%arg15 : memref<!tpu.dma_semaphore, #tpu.memory_space<semaphore_mem>>) src(%dma_wait3A_255 : memref<640xf32, #tpu.memory_space<vmem_shared>>) dst(%dma_wait3A_254 : memref<640xf32, #tpu.memory_space<vmem>>)
    %dma_wait3A_256 = arith.constant 7680 : i32
    %dma_wait3A_257 = tpu.memref_slice %arg11[%dma_wait3A_256] : memref<10240xf32, #tpu.memory_space<vmem>> -> memref<640xf32, #tpu.memory_space<vmem>>
    %dma_wait3A_258 = tpu.memref_slice %arg16[%add3A_147] : memref<163840xf32, #tpu.memory_space<vmem_shared>> -> memref<640xf32, #tpu.memory_space<vmem_shared>>
    %dma_wait3A_259 = arith.constant 7680 : i32
    %dma_wait3A_260 = tpu.memref_slice %arg11[%dma_wait3A_259] : memref<10240xf32, #tpu.memory_space<vmem>> -> memref<640xf32, #tpu.memory_space<vmem>>
    %dma_wait3A_261 = tpu.memref_slice %arg16[%add3A_147] : memref<163840xf32, #tpu.memory_space<vmem_shared>> -> memref<640xf32, #tpu.memory_space<vmem_shared>>
    tpu.wait_dma2 semaphore(%arg15 : memref<!tpu.dma_semaphore, #tpu.memory_space<semaphore_mem>>) src(%dma_wait3A_261 : memref<640xf32, #tpu.memory_space<vmem_shared>>) dst(%dma_wait3A_260 : memref<640xf32, #tpu.memory_space<vmem>>)
    %dma_wait3A_262 = arith.constant 8320 : i32
    %dma_wait3A_263 = tpu.memref_slice %arg11[%dma_wait3A_262] : memref<10240xf32, #tpu.memory_space<vmem>> -> memref<640xf32, #tpu.memory_space<vmem>>
    %dma_wait3A_264 = tpu.memref_slice %arg16[%add3A_157] : memref<163840xf32, #tpu.memory_space<vmem_shared>> -> memref<640xf32, #tpu.memory_space<vmem_shared>>
    %dma_wait3A_265 = arith.constant 8320 : i32
    %dma_wait3A_266 = tpu.memref_slice %arg11[%dma_wait3A_265] : memref<10240xf32, #tpu.memory_space<vmem>> -> memref<640xf32, #tpu.memory_space<vmem>>
    %dma_wait3A_267 = tpu.memref_slice %arg16[%add3A_157] : memref<163840xf32, #tpu.memory_space<vmem_shared>> -> memref<640xf32, #tpu.memory_space<vmem_shared>>
    tpu.wait_dma2 semaphore(%arg15 : memref<!tpu.dma_semaphore, #tpu.memory_space<semaphore_mem>>) src(%dma_wait3A_267 : memref<640xf32, #tpu.memory_space<vmem_shared>>) dst(%dma_wait3A_266 : memref<640xf32, #tpu.memory_space<vmem>>)
    %dma_wait3A_268 = arith.constant 8960 : i32
    %dma_wait3A_269 = tpu.memref_slice %arg11[%dma_wait3A_268] : memref<10240xf32, #tpu.memory_space<vmem>> -> memref<640xf32, #tpu.memory_space<vmem>>
    %dma_wait3A_270 = tpu.memref_slice %arg16[%add3A_167] : memref<163840xf32, #tpu.memory_space<vmem_shared>> -> memref<640xf32, #tpu.memory_space<vmem_shared>>
    %dma_wait3A_271 = arith.constant 8960 : i32
    %dma_wait3A_272 = tpu.memref_slice %arg11[%dma_wait3A_271] : memref<10240xf32, #tpu.memory_space<vmem>> -> memref<640xf32, #tpu.memory_space<vmem>>
    %dma_wait3A_273 = tpu.memref_slice %arg16[%add3A_167] : memref<163840xf32, #tpu.memory_space<vmem_shared>> -> memref<640xf32, #tpu.memory_space<vmem_shared>>
    tpu.wait_dma2 semaphore(%arg15 : memref<!tpu.dma_semaphore, #tpu.memory_space<semaphore_mem>>) src(%dma_wait3A_273 : memref<640xf32, #tpu.memory_space<vmem_shared>>) dst(%dma_wait3A_272 : memref<640xf32, #tpu.memory_space<vmem>>)
    %dma_wait3A_274 = arith.constant 9600 : i32
    %dma_wait3A_275 = tpu.memref_slice %arg11[%dma_wait3A_274] : memref<10240xf32, #tpu.memory_space<vmem>> -> memref<640xf32, #tpu.memory_space<vmem>>
    %dma_wait3A_276 = tpu.memref_slice %arg16[%add3A_177] : memref<163840xf32, #tpu.memory_space<vmem_shared>> -> memref<640xf32, #tpu.memory_space<vmem_shared>>
    %dma_wait3A_277 = arith.constant 9600 : i32
    %dma_wait3A_278 = tpu.memref_slice %arg11[%dma_wait3A_277] : memref<10240xf32, #tpu.memory_space<vmem>> -> memref<640xf32, #tpu.memory_space<vmem>>
    %dma_wait3A_279 = tpu.memref_slice %arg16[%add3A_177] : memref<163840xf32, #tpu.memory_space<vmem_shared>> -> memref<640xf32, #tpu.memory_space<vmem_shared>>
    tpu.wait_dma2 semaphore(%arg15 : memref<!tpu.dma_semaphore, #tpu.memory_space<semaphore_mem>>) src(%dma_wait3A_279 : memref<640xf32, #tpu.memory_space<vmem_shared>>) dst(%dma_wait3A_278 : memref<640xf32, #tpu.memory_space<vmem>>)
    %parallel_loop3A_280 = arith.constant 0 : i32
    %parallel_loop3A_281 = arith.constant 640 : i32
    %parallel_loop3A_282 = arith.constant 16 : i32
    scf.for %parallel_loop3A_844 = %parallel_loop3A_280 to %parallel_loop3A_281 step %parallel_loop3A_282  : i32 {
      %parallel_loop3A_845 = arith.index_cast %parallel_loop3A_844 : i32 to index
      %parallel_loop3A_846 = tpu.vector_load %arg11[%parallel_loop3A_845] {strides = array<i32>} : memref<10240xf32, #tpu.memory_space<vmem>>, vector<16xf32>,
      %parallel_loop3A_847 = arith.constant 640 : i32
      %parallel_loop3A_848 = arith.addi %parallel_loop3A_847, %parallel_loop3A_844 : i32
      %parallel_loop3A_849 = arith.index_cast %parallel_loop3A_848 : i32 to index
      %parallel_loop3A_850 = tpu.vector_load %arg11[%parallel_loop3A_849] {strides = array<i32>} : memref<10240xf32, #tpu.memory_space<vmem>>, vector<16xf32>,
      %parallel_loop3A_851 = arith.addf %parallel_loop3A_846, %parallel_loop3A_850 : vector<16xf32>
      %parallel_loop3A_852 = arith.constant 1280 : i32
      %parallel_loop3A_853 = arith.addi %parallel_loop3A_852, %parallel_loop3A_844 : i32
      %parallel_loop3A_854 = arith.index_cast %parallel_loop3A_853 : i32 to index
      %parallel_loop3A_855 = tpu.vector_load %arg11[%parallel_loop3A_854] {strides = array<i32>} : memref<10240xf32, #tpu.memory_space<vmem>>, vector<16xf32>,
      %parallel_loop3A_856 = arith.addf %parallel_loop3A_851, %parallel_loop3A_855 : vector<16xf32>
      %parallel_loop3A_857 = arith.constant 1920 : i32
      %parallel_loop3A_858 = arith.addi %parallel_loop3A_857, %parallel_loop3A_844 : i32
      %parallel_loop3A_859 = arith.index_cast %parallel_loop3A_858 : i32 to index
      %parallel_loop3A_860 = tpu.vector_load %arg11[%parallel_loop3A_859] {strides = array<i32>} : memref<10240xf32, #tpu.memory_space<vmem>>, vector<16xf32>,
      %parallel_loop3A_861 = arith.addf %parallel_loop3A_856, %parallel_loop3A_860 : vector<16xf32>
      %parallel_loop3A_862 = arith.constant 2560 : i32
      %parallel_loop3A_863 = arith.addi %parallel_loop3A_862, %parallel_loop3A_844 : i32
      %parallel_loop3A_864 = arith.index_cast %parallel_loop3A_863 : i32 to index
      %parallel_loop3A_865 = tpu.vector_load %arg11[%parallel_loop3A_864] {strides = array<i32>} : memref<10240xf32, #tpu.memory_space<vmem>>, vector<16xf32>,
      %parallel_loop3A_866 = arith.addf %parallel_loop3A_861, %parallel_loop3A_865 : vector<16xf32>
      %parallel_loop3A_867 = arith.constant 3200 : i32
      %parallel_loop3A_868 = arith.addi %parallel_loop3A_867, %parallel_loop3A_844 : i32
      %parallel_loop3A_869 = arith.index_cast %parallel_loop3A_868 : i32 to index
      %parallel_loop3A_870 = tpu.vector_load %arg11[%parallel_loop3A_869] {strides = array<i32>} : memref<10240xf32, #tpu.memory_space<vmem>>, vector<16xf32>,
      %parallel_loop3A_871 = arith.addf %parallel_loop3A_866, %parallel_loop3A_870 : vector<16xf32>
      %parallel_loop3A_872 = arith.constant 3840 : i32
      %parallel_loop3A_873 = arith.addi %parallel_loop3A_872, %parallel_loop3A_844 : i32
      %parallel_loop3A_874 = arith.index_cast %parallel_loop3A_873 : i32 to index
      %parallel_loop3A_875 = tpu.vector_load %arg11[%parallel_loop3A_874] {strides = array<i32>} : memref<10240xf32, #tpu.memory_space<vmem>>, vector<16xf32>,
      %parallel_loop3A_876 = arith.addf %parallel_loop3A_871, %parallel_loop3A_875 : vector<16xf32>
      %parallel_loop3A_877 = arith.constant 4480 : i32
      %parallel_loop3A_878 = arith.addi %parallel_loop3A_877, %parallel_loop3A_844 : i32
      %parallel_loop3A_879 = arith.index_cast %parallel_loop3A_878 : i32 to index
      %parallel_loop3A_880 = tpu.vector_load %arg11[%parallel_loop3A_879] {strides = array<i32>} : memref<10240xf32, #tpu.memory_space<vmem>>, vector<16xf32>,
      %parallel_loop3A_881 = arith.addf %parallel_loop3A_876, %parallel_loop3A_880 : vector<16xf32>
      %parallel_loop3A_882 = arith.constant 5120 : i32
      %parallel_loop3A_883 = arith.addi %parallel_loop3A_882, %parallel_loop3A_844 : i32
      %parallel_loop3A_884 = arith.index_cast %parallel_loop3A_883 : i32 to index
      %parallel_loop3A_885 = tpu.vector_load %arg11[%parallel_loop3A_884] {strides = array<i32>} : memref<10240xf32, #tpu.memory_space<vmem>>, vector<16xf32>,
      %parallel_loop3A_886 = arith.addf %parallel_loop3A_881, %parallel_loop3A_885 : vector<16xf32>
      %parallel_loop3A_887 = arith.constant 5760 : i32
      %parallel_loop3A_888 = arith.addi %parallel_loop3A_887, %parallel_loop3A_844 : i32
      %parallel_loop3A_889 = arith.index_cast %parallel_loop3A_888 : i32 to index
      %parallel_loop3A_890 = tpu.vector_load %arg11[%parallel_loop3A_889] {strides = array<i32>} : memref<10240xf32, #tpu.memory_space<vmem>>, vector<16xf32>,
      %parallel_loop3A_891 = arith.addf %parallel_loop3A_886, %parallel_loop3A_890 : vector<16xf32>
      %parallel_loop3A_892 = arith.constant 6400 : i32
      %parallel_loop3A_893 = arith.addi %parallel_loop3A_892, %parallel_loop3A_844 : i32
      %parallel_loop3A_894 = arith.index_cast %parallel_loop3A_893 : i32 to index
      %parallel_loop3A_895 = tpu.vector_load %arg11[%parallel_loop3A_894] {strides = array<i32>} : memref<10240xf32, #tpu.memory_space<vmem>>, vector<16xf32>,
      %parallel_loop3A_896 = arith.addf %parallel_loop3A_891, %parallel_loop3A_895 : vector<16xf32>
      %parallel_loop3A_897 = arith.constant 7040 : i32
      %parallel_loop3A_898 = arith.addi %parallel_loop3A_897, %parallel_loop3A_844 : i32
      %parallel_loop3A_899 = arith.index_cast %parallel_loop3A_898 : i32 to index
      %parallel_loop3A_900 = tpu.vector_load %arg11[%parallel_loop3A_899] {strides = array<i32>} : memref<10240xf32, #tpu.memory_space<vmem>>, vector<16xf32>,
      %parallel_loop3A_901 = arith.addf %parallel_loop3A_896, %parallel_loop3A_900 : vector<16xf32>
      %parallel_loop3A_902 = arith.constant 7680 : i32
      %parallel_loop3A_903 = arith.addi %parallel_loop3A_902, %parallel_loop3A_844 : i32
      %parallel_loop3A_904 = arith.index_cast %parallel_loop3A_903 : i32 to index
      %parallel_loop3A_905 = tpu.vector_load %arg11[%parallel_loop3A_904] {strides = array<i32>} : memref<10240xf32, #tpu.memory_space<vmem>>, vector<16xf32>,
      %parallel_loop3A_906 = arith.addf %parallel_loop3A_901, %parallel_loop3A_905 : vector<16xf32>
      %parallel_loop3A_907 = arith.constant 8320 : i32
      %parallel_loop3A_908 = arith.addi %parallel_loop3A_907, %parallel_loop3A_844 : i32
      %parallel_loop3A_909 = arith.index_cast %parallel_loop3A_908 : i32 to index
      %parallel_loop3A_910 = tpu.vector_load %arg11[%parallel_loop3A_909] {strides = array<i32>} : memref<10240xf32, #tpu.memory_space<vmem>>, vector<16xf32>,
      %parallel_loop3A_911 = arith.addf %parallel_loop3A_906, %parallel_loop3A_910 : vector<16xf32>
      %parallel_loop3A_912 = arith.constant 8960 : i32
      %parallel_loop3A_913 = arith.addi %parallel_loop3A_912, %parallel_loop3A_844 : i32
      %parallel_loop3A_914 = arith.index_cast %parallel_loop3A_913 : i32 to index
      %parallel_loop3A_915 = tpu.vector_load %arg11[%parallel_loop3A_914] {strides = array<i32>} : memref<10240xf32, #tpu.memory_space<vmem>>, vector<16xf32>,
      %parallel_loop3A_916 = arith.addf %parallel_loop3A_911, %parallel_loop3A_915 : vector<16xf32>
      %parallel_loop3A_917 = arith.constant 9600 : i32
      %parallel_loop3A_918 = arith.addi %parallel_loop3A_917, %parallel_loop3A_844 : i32
      %parallel_loop3A_919 = arith.index_cast %parallel_loop3A_918 : i32 to index
      %parallel_loop3A_920 = tpu.vector_load %arg11[%parallel_loop3A_919] {strides = array<i32>} : memref<10240xf32, #tpu.memory_space<vmem>>, vector<16xf32>,
      %parallel_loop3A_921 = arith.addf %parallel_loop3A_916, %parallel_loop3A_920 : vector<16xf32>
      %parallel_loop3A_922 = arith.index_cast %parallel_loop3A_844 : i32 to index
      %parallel_loop3A_923 = tpu.vector_load %arg12[%parallel_loop3A_922] {strides = array<i32>} : memref<640xf32, #tpu.memory_space<vmem>>, vector<16xf32>,
      tpu.vector_store %arg12[%parallel_loop3A_922], %parallel_loop3A_921 {strides = array<i32>} : memref<640xf32, #tpu.memory_space<vmem>>, vector<16xf32>,
    } {sc.loop_unroll_factor = 4 : i64, sc.parallel_access}
    %parallel_loop3A_283 = arith.constant 0 : i32
    %parallel_loop3A_284 = arith.constant 640 : i32
    %parallel_loop3A_285 = arith.constant 16 : i32
    scf.for %parallel_loop3A_844 = %parallel_loop3A_283 to %parallel_loop3A_284 step %parallel_loop3A_285  : i32 {
      %parallel_loop3A_845 = arith.index_cast %parallel_loop3A_844 : i32 to index
      %parallel_loop3A_846 = tpu.vector_load %arg12[%parallel_loop3A_845] {strides = array<i32>} : memref<640xf32, #tpu.memory_space<vmem>>, vector<16xf32>,
      %parallel_loop3A_847 = vector.bitcast %parallel_loop3A_846 : vector<16xf32> to vector<16xi32>
      %parallel_loop3A_848 = arith.constant 1 : i32
      %parallel_loop3A_849 = vector.broadcast %parallel_loop3A_848 : i32 to vector<16xi32>
      %parallel_loop3A_850 = arith.shrui %parallel_loop3A_847, %parallel_loop3A_849 : vector<16xi32>
      %parallel_loop3A_851 = arith.constant 1597463007 : i32
      %parallel_loop3A_852 = vector.broadcast %parallel_loop3A_851 : i32 to vector<16xi32>
      %parallel_loop3A_853 = arith.subi %parallel_loop3A_852, %parallel_loop3A_850 : vector<16xi32>
      %parallel_loop3A_854 = vector.bitcast %parallel_loop3A_853 : vector<16xi32> to vector<16xf32>
      %parallel_loop3A_855 = arith.constant 5.000000e-01 : f32
      %parallel_loop3A_856 = vector.broadcast %parallel_loop3A_855 : f32 to vector<16xf32>
      %parallel_loop3A_857 = arith.mulf %parallel_loop3A_856, %parallel_loop3A_846 : vector<16xf32>
      %parallel_loop3A_858 = arith.mulf %parallel_loop3A_857, %parallel_loop3A_854 : vector<16xf32>
      %parallel_loop3A_859 = arith.mulf %parallel_loop3A_858, %parallel_loop3A_854 : vector<16xf32>
      %parallel_loop3A_860 = arith.constant 1.500000e+00 : f32
      %parallel_loop3A_861 = vector.broadcast %parallel_loop3A_860 : f32 to vector<16xf32>
      %parallel_loop3A_862 = arith.subf %parallel_loop3A_861, %parallel_loop3A_859 : vector<16xf32>
      %parallel_loop3A_863 = arith.mulf %parallel_loop3A_854, %parallel_loop3A_862 : vector<16xf32>
      %parallel_loop3A_864 = arith.constant 5.000000e-01 : f32
      %parallel_loop3A_865 = vector.broadcast %parallel_loop3A_864 : f32 to vector<16xf32>
      %parallel_loop3A_866 = arith.mulf %parallel_loop3A_865, %parallel_loop3A_846 : vector<16xf32>
      %parallel_loop3A_867 = arith.mulf %parallel_loop3A_866, %parallel_loop3A_863 : vector<16xf32>
      %parallel_loop3A_868 = arith.mulf %parallel_loop3A_867, %parallel_loop3A_863 : vector<16xf32>
      %parallel_loop3A_869 = arith.constant 1.500000e+00 : f32
      %parallel_loop3A_870 = vector.broadcast %parallel_loop3A_869 : f32 to vector<16xf32>
      %parallel_loop3A_871 = arith.subf %parallel_loop3A_870, %parallel_loop3A_868 : vector<16xf32>
      %parallel_loop3A_872 = arith.mulf %parallel_loop3A_863, %parallel_loop3A_871 : vector<16xf32>
      %parallel_loop3A_873 = arith.constant 5.000000e-01 : f32
      %parallel_loop3A_874 = vector.broadcast %parallel_loop3A_873 : f32 to vector<16xf32>
      %parallel_loop3A_875 = arith.mulf %parallel_loop3A_874, %parallel_loop3A_846 : vector<16xf32>
      %parallel_loop3A_876 = arith.mulf %parallel_loop3A_875, %parallel_loop3A_872 : vector<16xf32>
      %parallel_loop3A_877 = arith.mulf %parallel_loop3A_876, %parallel_loop3A_872 : vector<16xf32>
      %parallel_loop3A_878 = arith.constant 1.500000e+00 : f32
      %parallel_loop3A_879 = vector.broadcast %parallel_loop3A_878 : f32 to vector<16xf32>
      %parallel_loop3A_880 = arith.subf %parallel_loop3A_879, %parallel_loop3A_877 : vector<16xf32>
      %parallel_loop3A_881 = arith.mulf %parallel_loop3A_872, %parallel_loop3A_880 : vector<16xf32>
      %parallel_loop3A_882 = arith.constant 0.000000e+00 : f32
      %parallel_loop3A_883 = vector.broadcast %parallel_loop3A_882 : f32 to vector<16xf32>
      %parallel_loop3A_884 = arith.cmpf ogt, %parallel_loop3A_846, %parallel_loop3A_883 : vector<16xf32>
      %parallel_loop3A_885 = arith.constant 0.000000e+00 : f32
      %parallel_loop3A_886 = vector.broadcast %parallel_loop3A_885 : f32 to vector<16xf32>
      %parallel_loop3A_887 = arith.select %parallel_loop3A_884, %parallel_loop3A_881, %parallel_loop3A_886 : vector<16xi1>, vector<16xf32>
      %parallel_loop3A_888 = arith.index_cast %parallel_loop3A_844 : i32 to index
      %parallel_loop3A_889 = tpu.vector_load %arg13[%parallel_loop3A_888] {strides = array<i32>} : memref<640xf32, #tpu.memory_space<vmem>>, vector<16xf32>,
      tpu.vector_store %arg13[%parallel_loop3A_888], %parallel_loop3A_887 {strides = array<i32>} : memref<640xf32, #tpu.memory_space<vmem>>, vector<16xf32>,
      %parallel_loop3A_890 = arith.index_cast %parallel_loop3A_844 : i32 to index
      %parallel_loop3A_891 = tpu.vector_load %arg14[%parallel_loop3A_890] {strides = array<i32>} : memref<640xf32, #tpu.memory_space<vmem>>, vector<16xf32>,
      %parallel_loop3A_892 = arith.mulf %parallel_loop3A_887, %parallel_loop3A_891 : vector<16xf32>
      %parallel_loop3A_893 = arith.index_cast %parallel_loop3A_844 : i32 to index
      %parallel_loop3A_894 = tpu.vector_load %arg12[%parallel_loop3A_893] {strides = array<i32>} : memref<640xf32, #tpu.memory_space<vmem>>, vector<16xf32>,
      tpu.vector_store %arg12[%parallel_loop3A_893], %parallel_loop3A_892 {strides = array<i32>} : memref<640xf32, #tpu.memory_space<vmem>>, vector<16xf32>,
    } {sc.loop_unroll_factor = 4 : i64, sc.parallel_access}
    %mul3A_286 = arith.constant 640 : i32
    %mul3A_287 = arith.muli %arg1, %mul3A_286 : i32
    "tpu.region"() ({
      %run_scoped3A = tpu.sem_alloc : memref<!tpu.dma_semaphore, #tpu.memory_space<semaphore_mem>>
      %dma_start3A_844 = tpu.memref_slice %arg18[%mul3A_287] : memref<10240xf32, #tpu.memory_space<vmem_shared>> -> memref<640xf32, #tpu.memory_space<vmem_shared>>
      %dma_start3A_845 = tpu.memref_slice %arg18[%mul3A_287] : memref<10240xf32, #tpu.memory_space<vmem_shared>> -> memref<640xf32, #tpu.memory_space<vmem_shared>>
      tpu.enqueue_dma source(%arg13 : memref<640xf32, #tpu.memory_space<vmem>>) target(%dma_start3A_845 : memref<640xf32, #tpu.memory_space<vmem_shared>>) target_semaphore(%run_scoped3A : memref<!tpu.dma_semaphore, #tpu.memory_space<semaphore_mem>>)
      %dma_wait3A_846 = tpu.memref_slice %arg18[%mul3A_287] : memref<10240xf32, #tpu.memory_space<vmem_shared>> -> memref<640xf32, #tpu.memory_space<vmem_shared>>
      %dma_wait3A_847 = tpu.memref_slice %arg18[%mul3A_287] : memref<10240xf32, #tpu.memory_space<vmem_shared>> -> memref<640xf32, #tpu.memory_space<vmem_shared>>
      tpu.wait_dma2 semaphore(%run_scoped3A : memref<!tpu.dma_semaphore, #tpu.memory_space<semaphore_mem>>) src(%arg13 : memref<640xf32, #tpu.memory_space<vmem>>) dst(%dma_wait3A_847 : memref<640xf32, #tpu.memory_space<vmem_shared>>)
      tpu.yield
    }) : () -> ()
    %mul3A_288 = arith.constant 640 : i32
    %mul3A_289 = arith.muli %arg1, %mul3A_288 : i32
    "tpu.region"() ({
      %run_scoped3A = tpu.sem_alloc : memref<!tpu.dma_semaphore, #tpu.memory_space<semaphore_mem>>
      %dma_start3A_844 = tpu.memref_slice %arg17[%mul3A_289] : memref<10240xf32, #tpu.memory_space<vmem_shared>> -> memref<640xf32, #tpu.memory_space<vmem_shared>>
      %dma_start3A_845 = tpu.memref_slice %arg17[%mul3A_289] : memref<10240xf32, #tpu.memory_space<vmem_shared>> -> memref<640xf32, #tpu.memory_space<vmem_shared>>
      tpu.enqueue_dma source(%arg12 : memref<640xf32, #tpu.memory_space<vmem>>) target(%dma_start3A_845 : memref<640xf32, #tpu.memory_space<vmem_shared>>) target_semaphore(%run_scoped3A : memref<!tpu.dma_semaphore, #tpu.memory_space<semaphore_mem>>)
      %dma_wait3A_846 = tpu.memref_slice %arg17[%mul3A_289] : memref<10240xf32, #tpu.memory_space<vmem_shared>> -> memref<640xf32, #tpu.memory_space<vmem_shared>>
      %dma_wait3A_847 = tpu.memref_slice %arg17[%mul3A_289] : memref<10240xf32, #tpu.memory_space<vmem_shared>> -> memref<640xf32, #tpu.memory_space<vmem_shared>>
      tpu.wait_dma2 semaphore(%run_scoped3A : memref<!tpu.dma_semaphore, #tpu.memory_space<semaphore_mem>>) src(%arg12 : memref<640xf32, #tpu.memory_space<vmem>>) dst(%dma_wait3A_847 : memref<640xf32, #tpu.memory_space<vmem_shared>>)
      tpu.yield
    }) : () -> ()
    %barrier3A_290 = arith.constant 0 : index
    tpu.barrier barrier_id(%barrier3A_290)
    tpu.enqueue_dma source(%arg18 : memref<10240xf32, #tpu.memory_space<vmem_shared>>) target(%arg8 : memref<10240xf32, #tpu.memory_space<vmem>>) target_semaphore(%arg15 : memref<!tpu.dma_semaphore, #tpu.memory_space<semaphore_mem>>)
    tpu.enqueue_dma source(%arg17 : memref<10240xf32, #tpu.memory_space<vmem_shared>>) target(%arg9 : memref<10240xf32, #tpu.memory_space<vmem>>) target_semaphore(%arg15 : memref<!tpu.dma_semaphore, #tpu.memory_space<semaphore_mem>>)
    %parallel_loop3A_291 = arith.constant 0 : i32
    %parallel_loop3A_292 = arith.constant 10240 : i32
    %parallel_loop3A_293 = arith.constant 16 : i32
    scf.for %parallel_loop3A_844 = %parallel_loop3A_291 to %parallel_loop3A_292 step %parallel_loop3A_293  : i32 {
      %parallel_loop3A_845 = arith.index_cast %parallel_loop3A_844 : i32 to index
      %parallel_loop3A_846 = tpu.vector_load %arg10[%parallel_loop3A_845] {strides = array<i32>} : memref<10240xf32, #tpu.memory_space<vmem>>, vector<16xf32>,
      tpu.vector_store %arg10[%parallel_loop3A_845], %broadcast_in_dim3A_9 {strides = array<i32>} : memref<10240xf32, #tpu.memory_space<vmem>>, vector<16xf32>,
    } {sc.loop_unroll_factor = 8 : i64, sc.parallel_access}
    tpu.wait_dma2 semaphore(%arg15 : memref<!tpu.dma_semaphore, #tpu.memory_space<semaphore_mem>>) src(%arg18 : memref<10240xf32, #tpu.memory_space<vmem_shared>>) dst(%arg8 : memref<10240xf32, #tpu.memory_space<vmem>>)
    tpu.wait_dma2 semaphore(%arg15 : memref<!tpu.dma_semaphore, #tpu.memory_space<semaphore_mem>>) src(%arg17 : memref<10240xf32, #tpu.memory_space<vmem_shared>>) dst(%arg9 : memref<10240xf32, #tpu.memory_space<vmem>>)
    %parallel_loop3A_294 = arith.constant 0 : i32
    %parallel_loop3A_295 = arith.constant 20000 : i32
    %parallel_loop3A_296 = arith.constant 16 : i32
    scf.for %parallel_loop3A_844 = %parallel_loop3A_294 to %parallel_loop3A_295 step %parallel_loop3A_296  : i32 {
      %parallel_loop3A_845 = arith.index_cast %parallel_loop3A_844 : i32 to index
      %parallel_loop3A_846 = tpu.vector_load %arg6[%parallel_loop3A_845] {strides = array<i32>} : memref<20000xi32, #tpu.memory_space<vmem>>, vector<16xi32>,
      %parallel_loop3A_847 = arith.index_cast %parallel_loop3A_844 : i32 to index
      %parallel_loop3A_848 = tpu.vector_load %arg7[%parallel_loop3A_847] {strides = array<i32>} : memref<20000xi32, #tpu.memory_space<vmem>>, vector<16xi32>,
      %parallel_loop3A_849 = tpu.vector_load_idx %arg9[%parallel_loop3A_846] : memref<10240xf32, #tpu.memory_space<vmem>>[vector<16xi32>], vector<16xf32>,
      %parallel_loop3A_850 = tpu.vector_load_idx %arg8[%parallel_loop3A_848] : memref<10240xf32, #tpu.memory_space<vmem>>[vector<16xi32>], vector<16xf32>,
      %parallel_loop3A_851 = arith.mulf %parallel_loop3A_849, %parallel_loop3A_850 : vector<16xf32>
      tpu.vector_store_idx %arg10[%parallel_loop3A_848], %parallel_loop3A_851 {add = true} : memref<10240xf32, #tpu.memory_space<vmem>>[vector<16xi32>], vector<16xf32>,
    } {sc.loop_unroll_factor = 16 : i64, sc.parallel_access}
    %mul3A_297 = arith.constant 10240 : i32
    %mul3A_298 = arith.muli %arg1, %mul3A_297 : i32
    "tpu.region"() ({
      %run_scoped3A = tpu.sem_alloc : memref<!tpu.dma_semaphore, #tpu.memory_space<semaphore_mem>>
      %dma_start3A_844 = tpu.memref_slice %arg16[%mul3A_298] : memref<163840xf32, #tpu.memory_space<vmem_shared>> -> memref<10240xf32, #tpu.memory_space<vmem_shared>>
      %dma_start3A_845 = tpu.memref_slice %arg16[%mul3A_298] : memref<163840xf32, #tpu.memory_space<vmem_shared>> -> memref<10240xf32, #tpu.memory_space<vmem_shared>>
      tpu.enqueue_dma source(%arg10 : memref<10240xf32, #tpu.memory_space<vmem>>) target(%dma_start3A_845 : memref<10240xf32, #tpu.memory_space<vmem_shared>>) target_semaphore(%run_scoped3A : memref<!tpu.dma_semaphore, #tpu.memory_space<semaphore_mem>>)
      %dma_wait3A_846 = tpu.memref_slice %arg16[%mul3A_298] : memref<163840xf32, #tpu.memory_space<vmem_shared>> -> memref<10240xf32, #tpu.memory_space<vmem_shared>>
      %dma_wait3A_847 = tpu.memref_slice %arg16[%mul3A_298] : memref<163840xf32, #tpu.memory_space<vmem_shared>> -> memref<10240xf32, #tpu.memory_space<vmem_shared>>
      tpu.wait_dma2 semaphore(%run_scoped3A : memref<!tpu.dma_semaphore, #tpu.memory_space<semaphore_mem>>) src(%arg10 : memref<10240xf32, #tpu.memory_space<vmem>>) dst(%dma_wait3A_847 : memref<10240xf32, #tpu.memory_space<vmem_shared>>)
      tpu.yield
    }) : () -> ()
    %barrier3A_299 = arith.constant 0 : index
    tpu.barrier barrier_id(%barrier3A_299)
    %mul3A_300 = arith.constant 640 : i32
    %mul3A_301 = arith.muli %arg1, %mul3A_300 : i32
    %add3A_302 = arith.constant 0 : i32
    %add3A_303 = arith.addi %add3A_302, %mul3A_301 : i32
    %dma_start3A_304 = arith.constant 0 : i32
    %dma_start3A_305 = tpu.memref_slice %arg11[%dma_start3A_304] : memref<10240xf32, #tpu.memory_space<vmem>> -> memref<640xf32, #tpu.memory_space<vmem>>
    %dma_start3A_306 = tpu.memref_slice %arg16[%add3A_303] : memref<163840xf32, #tpu.memory_space<vmem_shared>> -> memref<640xf32, #tpu.memory_space<vmem_shared>>
    %dma_start3A_307 = arith.constant 0 : i32
    %dma_start3A_308 = tpu.memref_slice %arg11[%dma_start3A_307] : memref<10240xf32, #tpu.memory_space<vmem>> -> memref<640xf32, #tpu.memory_space<vmem>>
    %dma_start3A_309 = tpu.memref_slice %arg16[%add3A_303] : memref<163840xf32, #tpu.memory_space<vmem_shared>> -> memref<640xf32, #tpu.memory_space<vmem_shared>>
    tpu.enqueue_dma source(%dma_start3A_309 : memref<640xf32, #tpu.memory_space<vmem_shared>>) target(%dma_start3A_308 : memref<640xf32, #tpu.memory_space<vmem>>) target_semaphore(%arg15 : memref<!tpu.dma_semaphore, #tpu.memory_space<semaphore_mem>>)
    %mul3A_310 = arith.constant 640 : i32
    %mul3A_311 = arith.muli %arg1, %mul3A_310 : i32
    %add3A_312 = arith.constant 10240 : i32
    %add3A_313 = arith.addi %add3A_312, %mul3A_311 : i32
    %dma_start3A_314 = arith.constant 640 : i32
    %dma_start3A_315 = tpu.memref_slice %arg11[%dma_start3A_314] : memref<10240xf32, #tpu.memory_space<vmem>> -> memref<640xf32, #tpu.memory_space<vmem>>
    %dma_start3A_316 = tpu.memref_slice %arg16[%add3A_313] : memref<163840xf32, #tpu.memory_space<vmem_shared>> -> memref<640xf32, #tpu.memory_space<vmem_shared>>
    %dma_start3A_317 = arith.constant 640 : i32
    %dma_start3A_318 = tpu.memref_slice %arg11[%dma_start3A_317] : memref<10240xf32, #tpu.memory_space<vmem>> -> memref<640xf32, #tpu.memory_space<vmem>>
    %dma_start3A_319 = tpu.memref_slice %arg16[%add3A_313] : memref<163840xf32, #tpu.memory_space<vmem_shared>> -> memref<640xf32, #tpu.memory_space<vmem_shared>>
    tpu.enqueue_dma source(%dma_start3A_319 : memref<640xf32, #tpu.memory_space<vmem_shared>>) target(%dma_start3A_318 : memref<640xf32, #tpu.memory_space<vmem>>) target_semaphore(%arg15 : memref<!tpu.dma_semaphore, #tpu.memory_space<semaphore_mem>>)
    %mul3A_320 = arith.constant 640 : i32
    %mul3A_321 = arith.muli %arg1, %mul3A_320 : i32
    %add3A_322 = arith.constant 20480 : i32
    %add3A_323 = arith.addi %add3A_322, %mul3A_321 : i32
    %dma_start3A_324 = arith.constant 1280 : i32
    %dma_start3A_325 = tpu.memref_slice %arg11[%dma_start3A_324] : memref<10240xf32, #tpu.memory_space<vmem>> -> memref<640xf32, #tpu.memory_space<vmem>>
    %dma_start3A_326 = tpu.memref_slice %arg16[%add3A_323] : memref<163840xf32, #tpu.memory_space<vmem_shared>> -> memref<640xf32, #tpu.memory_space<vmem_shared>>
    %dma_start3A_327 = arith.constant 1280 : i32
    %dma_start3A_328 = tpu.memref_slice %arg11[%dma_start3A_327] : memref<10240xf32, #tpu.memory_space<vmem>> -> memref<640xf32, #tpu.memory_space<vmem>>
    %dma_start3A_329 = tpu.memref_slice %arg16[%add3A_323] : memref<163840xf32, #tpu.memory_space<vmem_shared>> -> memref<640xf32, #tpu.memory_space<vmem_shared>>
    tpu.enqueue_dma source(%dma_start3A_329 : memref<640xf32, #tpu.memory_space<vmem_shared>>) target(%dma_start3A_328 : memref<640xf32, #tpu.memory_space<vmem>>) target_semaphore(%arg15 : memref<!tpu.dma_semaphore, #tpu.memory_space<semaphore_mem>>)
    %mul3A_330 = arith.constant 640 : i32
    %mul3A_331 = arith.muli %arg1, %mul3A_330 : i32
    %add3A_332 = arith.constant 30720 : i32
    %add3A_333 = arith.addi %add3A_332, %mul3A_331 : i32
    %dma_start3A_334 = arith.constant 1920 : i32
    %dma_start3A_335 = tpu.memref_slice %arg11[%dma_start3A_334] : memref<10240xf32, #tpu.memory_space<vmem>> -> memref<640xf32, #tpu.memory_space<vmem>>
    %dma_start3A_336 = tpu.memref_slice %arg16[%add3A_333] : memref<163840xf32, #tpu.memory_space<vmem_shared>> -> memref<640xf32, #tpu.memory_space<vmem_shared>>
    %dma_start3A_337 = arith.constant 1920 : i32
    %dma_start3A_338 = tpu.memref_slice %arg11[%dma_start3A_337] : memref<10240xf32, #tpu.memory_space<vmem>> -> memref<640xf32, #tpu.memory_space<vmem>>
    %dma_start3A_339 = tpu.memref_slice %arg16[%add3A_333] : memref<163840xf32, #tpu.memory_space<vmem_shared>> -> memref<640xf32, #tpu.memory_space<vmem_shared>>
    tpu.enqueue_dma source(%dma_start3A_339 : memref<640xf32, #tpu.memory_space<vmem_shared>>) target(%dma_start3A_338 : memref<640xf32, #tpu.memory_space<vmem>>) target_semaphore(%arg15 : memref<!tpu.dma_semaphore, #tpu.memory_space<semaphore_mem>>)
    %mul3A_340 = arith.constant 640 : i32
    %mul3A_341 = arith.muli %arg1, %mul3A_340 : i32
    %add3A_342 = arith.constant 40960 : i32
    %add3A_343 = arith.addi %add3A_342, %mul3A_341 : i32
    %dma_start3A_344 = arith.constant 2560 : i32
    %dma_start3A_345 = tpu.memref_slice %arg11[%dma_start3A_344] : memref<10240xf32, #tpu.memory_space<vmem>> -> memref<640xf32, #tpu.memory_space<vmem>>
    %dma_start3A_346 = tpu.memref_slice %arg16[%add3A_343] : memref<163840xf32, #tpu.memory_space<vmem_shared>> -> memref<640xf32, #tpu.memory_space<vmem_shared>>
    %dma_start3A_347 = arith.constant 2560 : i32
    %dma_start3A_348 = tpu.memref_slice %arg11[%dma_start3A_347] : memref<10240xf32, #tpu.memory_space<vmem>> -> memref<640xf32, #tpu.memory_space<vmem>>
    %dma_start3A_349 = tpu.memref_slice %arg16[%add3A_343] : memref<163840xf32, #tpu.memory_space<vmem_shared>> -> memref<640xf32, #tpu.memory_space<vmem_shared>>
    tpu.enqueue_dma source(%dma_start3A_349 : memref<640xf32, #tpu.memory_space<vmem_shared>>) target(%dma_start3A_348 : memref<640xf32, #tpu.memory_space<vmem>>) target_semaphore(%arg15 : memref<!tpu.dma_semaphore, #tpu.memory_space<semaphore_mem>>)
    %mul3A_350 = arith.constant 640 : i32
    %mul3A_351 = arith.muli %arg1, %mul3A_350 : i32
    %add3A_352 = arith.constant 51200 : i32
    %add3A_353 = arith.addi %add3A_352, %mul3A_351 : i32
    %dma_start3A_354 = arith.constant 3200 : i32
    %dma_start3A_355 = tpu.memref_slice %arg11[%dma_start3A_354] : memref<10240xf32, #tpu.memory_space<vmem>> -> memref<640xf32, #tpu.memory_space<vmem>>
    %dma_start3A_356 = tpu.memref_slice %arg16[%add3A_353] : memref<163840xf32, #tpu.memory_space<vmem_shared>> -> memref<640xf32, #tpu.memory_space<vmem_shared>>
    %dma_start3A_357 = arith.constant 3200 : i32
    %dma_start3A_358 = tpu.memref_slice %arg11[%dma_start3A_357] : memref<10240xf32, #tpu.memory_space<vmem>> -> memref<640xf32, #tpu.memory_space<vmem>>
    %dma_start3A_359 = tpu.memref_slice %arg16[%add3A_353] : memref<163840xf32, #tpu.memory_space<vmem_shared>> -> memref<640xf32, #tpu.memory_space<vmem_shared>>
    tpu.enqueue_dma source(%dma_start3A_359 : memref<640xf32, #tpu.memory_space<vmem_shared>>) target(%dma_start3A_358 : memref<640xf32, #tpu.memory_space<vmem>>) target_semaphore(%arg15 : memref<!tpu.dma_semaphore, #tpu.memory_space<semaphore_mem>>)
    %mul3A_360 = arith.constant 640 : i32
    %mul3A_361 = arith.muli %arg1, %mul3A_360 : i32
    %add3A_362 = arith.constant 61440 : i32
    %add3A_363 = arith.addi %add3A_362, %mul3A_361 : i32
    %dma_start3A_364 = arith.constant 3840 : i32
    %dma_start3A_365 = tpu.memref_slice %arg11[%dma_start3A_364] : memref<10240xf32, #tpu.memory_space<vmem>> -> memref<640xf32, #tpu.memory_space<vmem>>
    %dma_start3A_366 = tpu.memref_slice %arg16[%add3A_363] : memref<163840xf32, #tpu.memory_space<vmem_shared>> -> memref<640xf32, #tpu.memory_space<vmem_shared>>
    %dma_start3A_367 = arith.constant 3840 : i32
    %dma_start3A_368 = tpu.memref_slice %arg11[%dma_start3A_367] : memref<10240xf32, #tpu.memory_space<vmem>> -> memref<640xf32, #tpu.memory_space<vmem>>
    %dma_start3A_369 = tpu.memref_slice %arg16[%add3A_363] : memref<163840xf32, #tpu.memory_space<vmem_shared>> -> memref<640xf32, #tpu.memory_space<vmem_shared>>
    tpu.enqueue_dma source(%dma_start3A_369 : memref<640xf32, #tpu.memory_space<vmem_shared>>) target(%dma_start3A_368 : memref<640xf32, #tpu.memory_space<vmem>>) target_semaphore(%arg15 : memref<!tpu.dma_semaphore, #tpu.memory_space<semaphore_mem>>)
    %mul3A_370 = arith.constant 640 : i32
    %mul3A_371 = arith.muli %arg1, %mul3A_370 : i32
    %add3A_372 = arith.constant 71680 : i32
    %add3A_373 = arith.addi %add3A_372, %mul3A_371 : i32
    %dma_start3A_374 = arith.constant 4480 : i32
    %dma_start3A_375 = tpu.memref_slice %arg11[%dma_start3A_374] : memref<10240xf32, #tpu.memory_space<vmem>> -> memref<640xf32, #tpu.memory_space<vmem>>
    %dma_start3A_376 = tpu.memref_slice %arg16[%add3A_373] : memref<163840xf32, #tpu.memory_space<vmem_shared>> -> memref<640xf32, #tpu.memory_space<vmem_shared>>
    %dma_start3A_377 = arith.constant 4480 : i32
    %dma_start3A_378 = tpu.memref_slice %arg11[%dma_start3A_377] : memref<10240xf32, #tpu.memory_space<vmem>> -> memref<640xf32, #tpu.memory_space<vmem>>
    %dma_start3A_379 = tpu.memref_slice %arg16[%add3A_373] : memref<163840xf32, #tpu.memory_space<vmem_shared>> -> memref<640xf32, #tpu.memory_space<vmem_shared>>
    tpu.enqueue_dma source(%dma_start3A_379 : memref<640xf32, #tpu.memory_space<vmem_shared>>) target(%dma_start3A_378 : memref<640xf32, #tpu.memory_space<vmem>>) target_semaphore(%arg15 : memref<!tpu.dma_semaphore, #tpu.memory_space<semaphore_mem>>)
    %mul3A_380 = arith.constant 640 : i32
    %mul3A_381 = arith.muli %arg1, %mul3A_380 : i32
    %add3A_382 = arith.constant 81920 : i32
    %add3A_383 = arith.addi %add3A_382, %mul3A_381 : i32
    %dma_start3A_384 = arith.constant 5120 : i32
    %dma_start3A_385 = tpu.memref_slice %arg11[%dma_start3A_384] : memref<10240xf32, #tpu.memory_space<vmem>> -> memref<640xf32, #tpu.memory_space<vmem>>
    %dma_start3A_386 = tpu.memref_slice %arg16[%add3A_383] : memref<163840xf32, #tpu.memory_space<vmem_shared>> -> memref<640xf32, #tpu.memory_space<vmem_shared>>
    %dma_start3A_387 = arith.constant 5120 : i32
    %dma_start3A_388 = tpu.memref_slice %arg11[%dma_start3A_387] : memref<10240xf32, #tpu.memory_space<vmem>> -> memref<640xf32, #tpu.memory_space<vmem>>
    %dma_start3A_389 = tpu.memref_slice %arg16[%add3A_383] : memref<163840xf32, #tpu.memory_space<vmem_shared>> -> memref<640xf32, #tpu.memory_space<vmem_shared>>
    tpu.enqueue_dma source(%dma_start3A_389 : memref<640xf32, #tpu.memory_space<vmem_shared>>) target(%dma_start3A_388 : memref<640xf32, #tpu.memory_space<vmem>>) target_semaphore(%arg15 : memref<!tpu.dma_semaphore, #tpu.memory_space<semaphore_mem>>)
    %mul3A_390 = arith.constant 640 : i32
    %mul3A_391 = arith.muli %arg1, %mul3A_390 : i32
    %add3A_392 = arith.constant 92160 : i32
    %add3A_393 = arith.addi %add3A_392, %mul3A_391 : i32
    %dma_start3A_394 = arith.constant 5760 : i32
    %dma_start3A_395 = tpu.memref_slice %arg11[%dma_start3A_394] : memref<10240xf32, #tpu.memory_space<vmem>> -> memref<640xf32, #tpu.memory_space<vmem>>
    %dma_start3A_396 = tpu.memref_slice %arg16[%add3A_393] : memref<163840xf32, #tpu.memory_space<vmem_shared>> -> memref<640xf32, #tpu.memory_space<vmem_shared>>
    %dma_start3A_397 = arith.constant 5760 : i32
    %dma_start3A_398 = tpu.memref_slice %arg11[%dma_start3A_397] : memref<10240xf32, #tpu.memory_space<vmem>> -> memref<640xf32, #tpu.memory_space<vmem>>
    %dma_start3A_399 = tpu.memref_slice %arg16[%add3A_393] : memref<163840xf32, #tpu.memory_space<vmem_shared>> -> memref<640xf32, #tpu.memory_space<vmem_shared>>
    tpu.enqueue_dma source(%dma_start3A_399 : memref<640xf32, #tpu.memory_space<vmem_shared>>) target(%dma_start3A_398 : memref<640xf32, #tpu.memory_space<vmem>>) target_semaphore(%arg15 : memref<!tpu.dma_semaphore, #tpu.memory_space<semaphore_mem>>)
    %mul3A_400 = arith.constant 640 : i32
    %mul3A_401 = arith.muli %arg1, %mul3A_400 : i32
    %add3A_402 = arith.constant 102400 : i32
    %add3A_403 = arith.addi %add3A_402, %mul3A_401 : i32
    %dma_start3A_404 = arith.constant 6400 : i32
    %dma_start3A_405 = tpu.memref_slice %arg11[%dma_start3A_404] : memref<10240xf32, #tpu.memory_space<vmem>> -> memref<640xf32, #tpu.memory_space<vmem>>
    %dma_start3A_406 = tpu.memref_slice %arg16[%add3A_403] : memref<163840xf32, #tpu.memory_space<vmem_shared>> -> memref<640xf32, #tpu.memory_space<vmem_shared>>
    %dma_start3A_407 = arith.constant 6400 : i32
    %dma_start3A_408 = tpu.memref_slice %arg11[%dma_start3A_407] : memref<10240xf32, #tpu.memory_space<vmem>> -> memref<640xf32, #tpu.memory_space<vmem>>
    %dma_start3A_409 = tpu.memref_slice %arg16[%add3A_403] : memref<163840xf32, #tpu.memory_space<vmem_shared>> -> memref<640xf32, #tpu.memory_space<vmem_shared>>
    tpu.enqueue_dma source(%dma_start3A_409 : memref<640xf32, #tpu.memory_space<vmem_shared>>) target(%dma_start3A_408 : memref<640xf32, #tpu.memory_space<vmem>>) target_semaphore(%arg15 : memref<!tpu.dma_semaphore, #tpu.memory_space<semaphore_mem>>)
    %mul3A_410 = arith.constant 640 : i32
    %mul3A_411 = arith.muli %arg1, %mul3A_410 : i32
    %add3A_412 = arith.constant 112640 : i32
    %add3A_413 = arith.addi %add3A_412, %mul3A_411 : i32
    %dma_start3A_414 = arith.constant 7040 : i32
    %dma_start3A_415 = tpu.memref_slice %arg11[%dma_start3A_414] : memref<10240xf32, #tpu.memory_space<vmem>> -> memref<640xf32, #tpu.memory_space<vmem>>
    %dma_start3A_416 = tpu.memref_slice %arg16[%add3A_413] : memref<163840xf32, #tpu.memory_space<vmem_shared>> -> memref<640xf32, #tpu.memory_space<vmem_shared>>
    %dma_start3A_417 = arith.constant 7040 : i32
    %dma_start3A_418 = tpu.memref_slice %arg11[%dma_start3A_417] : memref<10240xf32, #tpu.memory_space<vmem>> -> memref<640xf32, #tpu.memory_space<vmem>>
    %dma_start3A_419 = tpu.memref_slice %arg16[%add3A_413] : memref<163840xf32, #tpu.memory_space<vmem_shared>> -> memref<640xf32, #tpu.memory_space<vmem_shared>>
    tpu.enqueue_dma source(%dma_start3A_419 : memref<640xf32, #tpu.memory_space<vmem_shared>>) target(%dma_start3A_418 : memref<640xf32, #tpu.memory_space<vmem>>) target_semaphore(%arg15 : memref<!tpu.dma_semaphore, #tpu.memory_space<semaphore_mem>>)
    %mul3A_420 = arith.constant 640 : i32
    %mul3A_421 = arith.muli %arg1, %mul3A_420 : i32
    %add3A_422 = arith.constant 122880 : i32
    %add3A_423 = arith.addi %add3A_422, %mul3A_421 : i32
    %dma_start3A_424 = arith.constant 7680 : i32
    %dma_start3A_425 = tpu.memref_slice %arg11[%dma_start3A_424] : memref<10240xf32, #tpu.memory_space<vmem>> -> memref<640xf32, #tpu.memory_space<vmem>>
    %dma_start3A_426 = tpu.memref_slice %arg16[%add3A_423] : memref<163840xf32, #tpu.memory_space<vmem_shared>> -> memref<640xf32, #tpu.memory_space<vmem_shared>>
    %dma_start3A_427 = arith.constant 7680 : i32
    %dma_start3A_428 = tpu.memref_slice %arg11[%dma_start3A_427] : memref<10240xf32, #tpu.memory_space<vmem>> -> memref<640xf32, #tpu.memory_space<vmem>>
    %dma_start3A_429 = tpu.memref_slice %arg16[%add3A_423] : memref<163840xf32, #tpu.memory_space<vmem_shared>> -> memref<640xf32, #tpu.memory_space<vmem_shared>>
    tpu.enqueue_dma source(%dma_start3A_429 : memref<640xf32, #tpu.memory_space<vmem_shared>>) target(%dma_start3A_428 : memref<640xf32, #tpu.memory_space<vmem>>) target_semaphore(%arg15 : memref<!tpu.dma_semaphore, #tpu.memory_space<semaphore_mem>>)
    %mul3A_430 = arith.constant 640 : i32
    %mul3A_431 = arith.muli %arg1, %mul3A_430 : i32
    %add3A_432 = arith.constant 133120 : i32
    %add3A_433 = arith.addi %add3A_432, %mul3A_431 : i32
    %dma_start3A_434 = arith.constant 8320 : i32
    %dma_start3A_435 = tpu.memref_slice %arg11[%dma_start3A_434] : memref<10240xf32, #tpu.memory_space<vmem>> -> memref<640xf32, #tpu.memory_space<vmem>>
    %dma_start3A_436 = tpu.memref_slice %arg16[%add3A_433] : memref<163840xf32, #tpu.memory_space<vmem_shared>> -> memref<640xf32, #tpu.memory_space<vmem_shared>>
    %dma_start3A_437 = arith.constant 8320 : i32
    %dma_start3A_438 = tpu.memref_slice %arg11[%dma_start3A_437] : memref<10240xf32, #tpu.memory_space<vmem>> -> memref<640xf32, #tpu.memory_space<vmem>>
    %dma_start3A_439 = tpu.memref_slice %arg16[%add3A_433] : memref<163840xf32, #tpu.memory_space<vmem_shared>> -> memref<640xf32, #tpu.memory_space<vmem_shared>>
    tpu.enqueue_dma source(%dma_start3A_439 : memref<640xf32, #tpu.memory_space<vmem_shared>>) target(%dma_start3A_438 : memref<640xf32, #tpu.memory_space<vmem>>) target_semaphore(%arg15 : memref<!tpu.dma_semaphore, #tpu.memory_space<semaphore_mem>>)
    %mul3A_440 = arith.constant 640 : i32
    %mul3A_441 = arith.muli %arg1, %mul3A_440 : i32
    %add3A_442 = arith.constant 143360 : i32
    %add3A_443 = arith.addi %add3A_442, %mul3A_441 : i32
    %dma_start3A_444 = arith.constant 8960 : i32
    %dma_start3A_445 = tpu.memref_slice %arg11[%dma_start3A_444] : memref<10240xf32, #tpu.memory_space<vmem>> -> memref<640xf32, #tpu.memory_space<vmem>>
    %dma_start3A_446 = tpu.memref_slice %arg16[%add3A_443] : memref<163840xf32, #tpu.memory_space<vmem_shared>> -> memref<640xf32, #tpu.memory_space<vmem_shared>>
    %dma_start3A_447 = arith.constant 8960 : i32
    %dma_start3A_448 = tpu.memref_slice %arg11[%dma_start3A_447] : memref<10240xf32, #tpu.memory_space<vmem>> -> memref<640xf32, #tpu.memory_space<vmem>>
    %dma_start3A_449 = tpu.memref_slice %arg16[%add3A_443] : memref<163840xf32, #tpu.memory_space<vmem_shared>> -> memref<640xf32, #tpu.memory_space<vmem_shared>>
    tpu.enqueue_dma source(%dma_start3A_449 : memref<640xf32, #tpu.memory_space<vmem_shared>>) target(%dma_start3A_448 : memref<640xf32, #tpu.memory_space<vmem>>) target_semaphore(%arg15 : memref<!tpu.dma_semaphore, #tpu.memory_space<semaphore_mem>>)
    %mul3A_450 = arith.constant 640 : i32
    %mul3A_451 = arith.muli %arg1, %mul3A_450 : i32
    %add3A_452 = arith.constant 153600 : i32
    %add3A_453 = arith.addi %add3A_452, %mul3A_451 : i32
    %dma_start3A_454 = arith.constant 9600 : i32
    %dma_start3A_455 = tpu.memref_slice %arg11[%dma_start3A_454] : memref<10240xf32, #tpu.memory_space<vmem>> -> memref<640xf32, #tpu.memory_space<vmem>>
    %dma_start3A_456 = tpu.memref_slice %arg16[%add3A_453] : memref<163840xf32, #tpu.memory_space<vmem_shared>> -> memref<640xf32, #tpu.memory_space<vmem_shared>>
    %dma_start3A_457 = arith.constant 9600 : i32
    %dma_start3A_458 = tpu.memref_slice %arg11[%dma_start3A_457] : memref<10240xf32, #tpu.memory_space<vmem>> -> memref<640xf32, #tpu.memory_space<vmem>>
    %dma_start3A_459 = tpu.memref_slice %arg16[%add3A_453] : memref<163840xf32, #tpu.memory_space<vmem_shared>> -> memref<640xf32, #tpu.memory_space<vmem_shared>>
    tpu.enqueue_dma source(%dma_start3A_459 : memref<640xf32, #tpu.memory_space<vmem_shared>>) target(%dma_start3A_458 : memref<640xf32, #tpu.memory_space<vmem>>) target_semaphore(%arg15 : memref<!tpu.dma_semaphore, #tpu.memory_space<semaphore_mem>>)
    %dma_wait3A_460 = arith.constant 0 : i32
    %dma_wait3A_461 = tpu.memref_slice %arg11[%dma_wait3A_460] : memref<10240xf32, #tpu.memory_space<vmem>> -> memref<640xf32, #tpu.memory_space<vmem>>
    %dma_wait3A_462 = tpu.memref_slice %arg16[%add3A_303] : memref<163840xf32, #tpu.memory_space<vmem_shared>> -> memref<640xf32, #tpu.memory_space<vmem_shared>>
    %dma_wait3A_463 = arith.constant 0 : i32
    %dma_wait3A_464 = tpu.memref_slice %arg11[%dma_wait3A_463] : memref<10240xf32, #tpu.memory_space<vmem>> -> memref<640xf32, #tpu.memory_space<vmem>>
    %dma_wait3A_465 = tpu.memref_slice %arg16[%add3A_303] : memref<163840xf32, #tpu.memory_space<vmem_shared>> -> memref<640xf32, #tpu.memory_space<vmem_shared>>
    tpu.wait_dma2 semaphore(%arg15 : memref<!tpu.dma_semaphore, #tpu.memory_space<semaphore_mem>>) src(%dma_wait3A_465 : memref<640xf32, #tpu.memory_space<vmem_shared>>) dst(%dma_wait3A_464 : memref<640xf32, #tpu.memory_space<vmem>>)
    %dma_wait3A_466 = arith.constant 640 : i32
    %dma_wait3A_467 = tpu.memref_slice %arg11[%dma_wait3A_466] : memref<10240xf32, #tpu.memory_space<vmem>> -> memref<640xf32, #tpu.memory_space<vmem>>
    %dma_wait3A_468 = tpu.memref_slice %arg16[%add3A_313] : memref<163840xf32, #tpu.memory_space<vmem_shared>> -> memref<640xf32, #tpu.memory_space<vmem_shared>>
    %dma_wait3A_469 = arith.constant 640 : i32
    %dma_wait3A_470 = tpu.memref_slice %arg11[%dma_wait3A_469] : memref<10240xf32, #tpu.memory_space<vmem>> -> memref<640xf32, #tpu.memory_space<vmem>>
    %dma_wait3A_471 = tpu.memref_slice %arg16[%add3A_313] : memref<163840xf32, #tpu.memory_space<vmem_shared>> -> memref<640xf32, #tpu.memory_space<vmem_shared>>
    tpu.wait_dma2 semaphore(%arg15 : memref<!tpu.dma_semaphore, #tpu.memory_space<semaphore_mem>>) src(%dma_wait3A_471 : memref<640xf32, #tpu.memory_space<vmem_shared>>) dst(%dma_wait3A_470 : memref<640xf32, #tpu.memory_space<vmem>>)
    %dma_wait3A_472 = arith.constant 1280 : i32
    %dma_wait3A_473 = tpu.memref_slice %arg11[%dma_wait3A_472] : memref<10240xf32, #tpu.memory_space<vmem>> -> memref<640xf32, #tpu.memory_space<vmem>>
    %dma_wait3A_474 = tpu.memref_slice %arg16[%add3A_323] : memref<163840xf32, #tpu.memory_space<vmem_shared>> -> memref<640xf32, #tpu.memory_space<vmem_shared>>
    %dma_wait3A_475 = arith.constant 1280 : i32
    %dma_wait3A_476 = tpu.memref_slice %arg11[%dma_wait3A_475] : memref<10240xf32, #tpu.memory_space<vmem>> -> memref<640xf32, #tpu.memory_space<vmem>>
    %dma_wait3A_477 = tpu.memref_slice %arg16[%add3A_323] : memref<163840xf32, #tpu.memory_space<vmem_shared>> -> memref<640xf32, #tpu.memory_space<vmem_shared>>
    tpu.wait_dma2 semaphore(%arg15 : memref<!tpu.dma_semaphore, #tpu.memory_space<semaphore_mem>>) src(%dma_wait3A_477 : memref<640xf32, #tpu.memory_space<vmem_shared>>) dst(%dma_wait3A_476 : memref<640xf32, #tpu.memory_space<vmem>>)
    %dma_wait3A_478 = arith.constant 1920 : i32
    %dma_wait3A_479 = tpu.memref_slice %arg11[%dma_wait3A_478] : memref<10240xf32, #tpu.memory_space<vmem>> -> memref<640xf32, #tpu.memory_space<vmem>>
    %dma_wait3A_480 = tpu.memref_slice %arg16[%add3A_333] : memref<163840xf32, #tpu.memory_space<vmem_shared>> -> memref<640xf32, #tpu.memory_space<vmem_shared>>
    %dma_wait3A_481 = arith.constant 1920 : i32
    %dma_wait3A_482 = tpu.memref_slice %arg11[%dma_wait3A_481] : memref<10240xf32, #tpu.memory_space<vmem>> -> memref<640xf32, #tpu.memory_space<vmem>>
    %dma_wait3A_483 = tpu.memref_slice %arg16[%add3A_333] : memref<163840xf32, #tpu.memory_space<vmem_shared>> -> memref<640xf32, #tpu.memory_space<vmem_shared>>
    tpu.wait_dma2 semaphore(%arg15 : memref<!tpu.dma_semaphore, #tpu.memory_space<semaphore_mem>>) src(%dma_wait3A_483 : memref<640xf32, #tpu.memory_space<vmem_shared>>) dst(%dma_wait3A_482 : memref<640xf32, #tpu.memory_space<vmem>>)
    %dma_wait3A_484 = arith.constant 2560 : i32
    %dma_wait3A_485 = tpu.memref_slice %arg11[%dma_wait3A_484] : memref<10240xf32, #tpu.memory_space<vmem>> -> memref<640xf32, #tpu.memory_space<vmem>>
    %dma_wait3A_486 = tpu.memref_slice %arg16[%add3A_343] : memref<163840xf32, #tpu.memory_space<vmem_shared>> -> memref<640xf32, #tpu.memory_space<vmem_shared>>
    %dma_wait3A_487 = arith.constant 2560 : i32
    %dma_wait3A_488 = tpu.memref_slice %arg11[%dma_wait3A_487] : memref<10240xf32, #tpu.memory_space<vmem>> -> memref<640xf32, #tpu.memory_space<vmem>>
    %dma_wait3A_489 = tpu.memref_slice %arg16[%add3A_343] : memref<163840xf32, #tpu.memory_space<vmem_shared>> -> memref<640xf32, #tpu.memory_space<vmem_shared>>
    tpu.wait_dma2 semaphore(%arg15 : memref<!tpu.dma_semaphore, #tpu.memory_space<semaphore_mem>>) src(%dma_wait3A_489 : memref<640xf32, #tpu.memory_space<vmem_shared>>) dst(%dma_wait3A_488 : memref<640xf32, #tpu.memory_space<vmem>>)
    %dma_wait3A_490 = arith.constant 3200 : i32
    %dma_wait3A_491 = tpu.memref_slice %arg11[%dma_wait3A_490] : memref<10240xf32, #tpu.memory_space<vmem>> -> memref<640xf32, #tpu.memory_space<vmem>>
    %dma_wait3A_492 = tpu.memref_slice %arg16[%add3A_353] : memref<163840xf32, #tpu.memory_space<vmem_shared>> -> memref<640xf32, #tpu.memory_space<vmem_shared>>
    %dma_wait3A_493 = arith.constant 3200 : i32
    %dma_wait3A_494 = tpu.memref_slice %arg11[%dma_wait3A_493] : memref<10240xf32, #tpu.memory_space<vmem>> -> memref<640xf32, #tpu.memory_space<vmem>>
    %dma_wait3A_495 = tpu.memref_slice %arg16[%add3A_353] : memref<163840xf32, #tpu.memory_space<vmem_shared>> -> memref<640xf32, #tpu.memory_space<vmem_shared>>
    tpu.wait_dma2 semaphore(%arg15 : memref<!tpu.dma_semaphore, #tpu.memory_space<semaphore_mem>>) src(%dma_wait3A_495 : memref<640xf32, #tpu.memory_space<vmem_shared>>) dst(%dma_wait3A_494 : memref<640xf32, #tpu.memory_space<vmem>>)
    %dma_wait3A_496 = arith.constant 3840 : i32
    %dma_wait3A_497 = tpu.memref_slice %arg11[%dma_wait3A_496] : memref<10240xf32, #tpu.memory_space<vmem>> -> memref<640xf32, #tpu.memory_space<vmem>>
    %dma_wait3A_498 = tpu.memref_slice %arg16[%add3A_363] : memref<163840xf32, #tpu.memory_space<vmem_shared>> -> memref<640xf32, #tpu.memory_space<vmem_shared>>
    %dma_wait3A_499 = arith.constant 3840 : i32
    %dma_wait3A_500 = tpu.memref_slice %arg11[%dma_wait3A_499] : memref<10240xf32, #tpu.memory_space<vmem>> -> memref<640xf32, #tpu.memory_space<vmem>>
    %dma_wait3A_501 = tpu.memref_slice %arg16[%add3A_363] : memref<163840xf32, #tpu.memory_space<vmem_shared>> -> memref<640xf32, #tpu.memory_space<vmem_shared>>
    tpu.wait_dma2 semaphore(%arg15 : memref<!tpu.dma_semaphore, #tpu.memory_space<semaphore_mem>>) src(%dma_wait3A_501 : memref<640xf32, #tpu.memory_space<vmem_shared>>) dst(%dma_wait3A_500 : memref<640xf32, #tpu.memory_space<vmem>>)
    %dma_wait3A_502 = arith.constant 4480 : i32
    %dma_wait3A_503 = tpu.memref_slice %arg11[%dma_wait3A_502] : memref<10240xf32, #tpu.memory_space<vmem>> -> memref<640xf32, #tpu.memory_space<vmem>>
    %dma_wait3A_504 = tpu.memref_slice %arg16[%add3A_373] : memref<163840xf32, #tpu.memory_space<vmem_shared>> -> memref<640xf32, #tpu.memory_space<vmem_shared>>
    %dma_wait3A_505 = arith.constant 4480 : i32
    %dma_wait3A_506 = tpu.memref_slice %arg11[%dma_wait3A_505] : memref<10240xf32, #tpu.memory_space<vmem>> -> memref<640xf32, #tpu.memory_space<vmem>>
    %dma_wait3A_507 = tpu.memref_slice %arg16[%add3A_373] : memref<163840xf32, #tpu.memory_space<vmem_shared>> -> memref<640xf32, #tpu.memory_space<vmem_shared>>
    tpu.wait_dma2 semaphore(%arg15 : memref<!tpu.dma_semaphore, #tpu.memory_space<semaphore_mem>>) src(%dma_wait3A_507 : memref<640xf32, #tpu.memory_space<vmem_shared>>) dst(%dma_wait3A_506 : memref<640xf32, #tpu.memory_space<vmem>>)
    %dma_wait3A_508 = arith.constant 5120 : i32
    %dma_wait3A_509 = tpu.memref_slice %arg11[%dma_wait3A_508] : memref<10240xf32, #tpu.memory_space<vmem>> -> memref<640xf32, #tpu.memory_space<vmem>>
    %dma_wait3A_510 = tpu.memref_slice %arg16[%add3A_383] : memref<163840xf32, #tpu.memory_space<vmem_shared>> -> memref<640xf32, #tpu.memory_space<vmem_shared>>
    %dma_wait3A_511 = arith.constant 5120 : i32
    %dma_wait3A_512 = tpu.memref_slice %arg11[%dma_wait3A_511] : memref<10240xf32, #tpu.memory_space<vmem>> -> memref<640xf32, #tpu.memory_space<vmem>>
    %dma_wait3A_513 = tpu.memref_slice %arg16[%add3A_383] : memref<163840xf32, #tpu.memory_space<vmem_shared>> -> memref<640xf32, #tpu.memory_space<vmem_shared>>
    tpu.wait_dma2 semaphore(%arg15 : memref<!tpu.dma_semaphore, #tpu.memory_space<semaphore_mem>>) src(%dma_wait3A_513 : memref<640xf32, #tpu.memory_space<vmem_shared>>) dst(%dma_wait3A_512 : memref<640xf32, #tpu.memory_space<vmem>>)
    %dma_wait3A_514 = arith.constant 5760 : i32
    %dma_wait3A_515 = tpu.memref_slice %arg11[%dma_wait3A_514] : memref<10240xf32, #tpu.memory_space<vmem>> -> memref<640xf32, #tpu.memory_space<vmem>>
    %dma_wait3A_516 = tpu.memref_slice %arg16[%add3A_393] : memref<163840xf32, #tpu.memory_space<vmem_shared>> -> memref<640xf32, #tpu.memory_space<vmem_shared>>
    %dma_wait3A_517 = arith.constant 5760 : i32
    %dma_wait3A_518 = tpu.memref_slice %arg11[%dma_wait3A_517] : memref<10240xf32, #tpu.memory_space<vmem>> -> memref<640xf32, #tpu.memory_space<vmem>>
    %dma_wait3A_519 = tpu.memref_slice %arg16[%add3A_393] : memref<163840xf32, #tpu.memory_space<vmem_shared>> -> memref<640xf32, #tpu.memory_space<vmem_shared>>
    tpu.wait_dma2 semaphore(%arg15 : memref<!tpu.dma_semaphore, #tpu.memory_space<semaphore_mem>>) src(%dma_wait3A_519 : memref<640xf32, #tpu.memory_space<vmem_shared>>) dst(%dma_wait3A_518 : memref<640xf32, #tpu.memory_space<vmem>>)
    %dma_wait3A_520 = arith.constant 6400 : i32
    %dma_wait3A_521 = tpu.memref_slice %arg11[%dma_wait3A_520] : memref<10240xf32, #tpu.memory_space<vmem>> -> memref<640xf32, #tpu.memory_space<vmem>>
    %dma_wait3A_522 = tpu.memref_slice %arg16[%add3A_403] : memref<163840xf32, #tpu.memory_space<vmem_shared>> -> memref<640xf32, #tpu.memory_space<vmem_shared>>
    %dma_wait3A_523 = arith.constant 6400 : i32
    %dma_wait3A_524 = tpu.memref_slice %arg11[%dma_wait3A_523] : memref<10240xf32, #tpu.memory_space<vmem>> -> memref<640xf32, #tpu.memory_space<vmem>>
    %dma_wait3A_525 = tpu.memref_slice %arg16[%add3A_403] : memref<163840xf32, #tpu.memory_space<vmem_shared>> -> memref<640xf32, #tpu.memory_space<vmem_shared>>
    tpu.wait_dma2 semaphore(%arg15 : memref<!tpu.dma_semaphore, #tpu.memory_space<semaphore_mem>>) src(%dma_wait3A_525 : memref<640xf32, #tpu.memory_space<vmem_shared>>) dst(%dma_wait3A_524 : memref<640xf32, #tpu.memory_space<vmem>>)
    %dma_wait3A_526 = arith.constant 7040 : i32
    %dma_wait3A_527 = tpu.memref_slice %arg11[%dma_wait3A_526] : memref<10240xf32, #tpu.memory_space<vmem>> -> memref<640xf32, #tpu.memory_space<vmem>>
    %dma_wait3A_528 = tpu.memref_slice %arg16[%add3A_413] : memref<163840xf32, #tpu.memory_space<vmem_shared>> -> memref<640xf32, #tpu.memory_space<vmem_shared>>
    %dma_wait3A_529 = arith.constant 7040 : i32
    %dma_wait3A_530 = tpu.memref_slice %arg11[%dma_wait3A_529] : memref<10240xf32, #tpu.memory_space<vmem>> -> memref<640xf32, #tpu.memory_space<vmem>>
    %dma_wait3A_531 = tpu.memref_slice %arg16[%add3A_413] : memref<163840xf32, #tpu.memory_space<vmem_shared>> -> memref<640xf32, #tpu.memory_space<vmem_shared>>
    tpu.wait_dma2 semaphore(%arg15 : memref<!tpu.dma_semaphore, #tpu.memory_space<semaphore_mem>>) src(%dma_wait3A_531 : memref<640xf32, #tpu.memory_space<vmem_shared>>) dst(%dma_wait3A_530 : memref<640xf32, #tpu.memory_space<vmem>>)
    %dma_wait3A_532 = arith.constant 7680 : i32
    %dma_wait3A_533 = tpu.memref_slice %arg11[%dma_wait3A_532] : memref<10240xf32, #tpu.memory_space<vmem>> -> memref<640xf32, #tpu.memory_space<vmem>>
    %dma_wait3A_534 = tpu.memref_slice %arg16[%add3A_423] : memref<163840xf32, #tpu.memory_space<vmem_shared>> -> memref<640xf32, #tpu.memory_space<vmem_shared>>
    %dma_wait3A_535 = arith.constant 7680 : i32
    %dma_wait3A_536 = tpu.memref_slice %arg11[%dma_wait3A_535] : memref<10240xf32, #tpu.memory_space<vmem>> -> memref<640xf32, #tpu.memory_space<vmem>>
    %dma_wait3A_537 = tpu.memref_slice %arg16[%add3A_423] : memref<163840xf32, #tpu.memory_space<vmem_shared>> -> memref<640xf32, #tpu.memory_space<vmem_shared>>
    tpu.wait_dma2 semaphore(%arg15 : memref<!tpu.dma_semaphore, #tpu.memory_space<semaphore_mem>>) src(%dma_wait3A_537 : memref<640xf32, #tpu.memory_space<vmem_shared>>) dst(%dma_wait3A_536 : memref<640xf32, #tpu.memory_space<vmem>>)
    %dma_wait3A_538 = arith.constant 8320 : i32
    %dma_wait3A_539 = tpu.memref_slice %arg11[%dma_wait3A_538] : memref<10240xf32, #tpu.memory_space<vmem>> -> memref<640xf32, #tpu.memory_space<vmem>>
    %dma_wait3A_540 = tpu.memref_slice %arg16[%add3A_433] : memref<163840xf32, #tpu.memory_space<vmem_shared>> -> memref<640xf32, #tpu.memory_space<vmem_shared>>
    %dma_wait3A_541 = arith.constant 8320 : i32
    %dma_wait3A_542 = tpu.memref_slice %arg11[%dma_wait3A_541] : memref<10240xf32, #tpu.memory_space<vmem>> -> memref<640xf32, #tpu.memory_space<vmem>>
    %dma_wait3A_543 = tpu.memref_slice %arg16[%add3A_433] : memref<163840xf32, #tpu.memory_space<vmem_shared>> -> memref<640xf32, #tpu.memory_space<vmem_shared>>
    tpu.wait_dma2 semaphore(%arg15 : memref<!tpu.dma_semaphore, #tpu.memory_space<semaphore_mem>>) src(%dma_wait3A_543 : memref<640xf32, #tpu.memory_space<vmem_shared>>) dst(%dma_wait3A_542 : memref<640xf32, #tpu.memory_space<vmem>>)
    %dma_wait3A_544 = arith.constant 8960 : i32
    %dma_wait3A_545 = tpu.memref_slice %arg11[%dma_wait3A_544] : memref<10240xf32, #tpu.memory_space<vmem>> -> memref<640xf32, #tpu.memory_space<vmem>>
    %dma_wait3A_546 = tpu.memref_slice %arg16[%add3A_443] : memref<163840xf32, #tpu.memory_space<vmem_shared>> -> memref<640xf32, #tpu.memory_space<vmem_shared>>
    %dma_wait3A_547 = arith.constant 8960 : i32
    %dma_wait3A_548 = tpu.memref_slice %arg11[%dma_wait3A_547] : memref<10240xf32, #tpu.memory_space<vmem>> -> memref<640xf32, #tpu.memory_space<vmem>>
    %dma_wait3A_549 = tpu.memref_slice %arg16[%add3A_443] : memref<163840xf32, #tpu.memory_space<vmem_shared>> -> memref<640xf32, #tpu.memory_space<vmem_shared>>
    tpu.wait_dma2 semaphore(%arg15 : memref<!tpu.dma_semaphore, #tpu.memory_space<semaphore_mem>>) src(%dma_wait3A_549 : memref<640xf32, #tpu.memory_space<vmem_shared>>) dst(%dma_wait3A_548 : memref<640xf32, #tpu.memory_space<vmem>>)
    %dma_wait3A_550 = arith.constant 9600 : i32
    %dma_wait3A_551 = tpu.memref_slice %arg11[%dma_wait3A_550] : memref<10240xf32, #tpu.memory_space<vmem>> -> memref<640xf32, #tpu.memory_space<vmem>>
    %dma_wait3A_552 = tpu.memref_slice %arg16[%add3A_453] : memref<163840xf32, #tpu.memory_space<vmem_shared>> -> memref<640xf32, #tpu.memory_space<vmem_shared>>
    %dma_wait3A_553 = arith.constant 9600 : i32
    %dma_wait3A_554 = tpu.memref_slice %arg11[%dma_wait3A_553] : memref<10240xf32, #tpu.memory_space<vmem>> -> memref<640xf32, #tpu.memory_space<vmem>>
    %dma_wait3A_555 = tpu.memref_slice %arg16[%add3A_453] : memref<163840xf32, #tpu.memory_space<vmem_shared>> -> memref<640xf32, #tpu.memory_space<vmem_shared>>
    tpu.wait_dma2 semaphore(%arg15 : memref<!tpu.dma_semaphore, #tpu.memory_space<semaphore_mem>>) src(%dma_wait3A_555 : memref<640xf32, #tpu.memory_space<vmem_shared>>) dst(%dma_wait3A_554 : memref<640xf32, #tpu.memory_space<vmem>>)
    %parallel_loop3A_556 = arith.constant 0 : i32
    %parallel_loop3A_557 = arith.constant 640 : i32
    %parallel_loop3A_558 = arith.constant 16 : i32
    scf.for %parallel_loop3A_844 = %parallel_loop3A_556 to %parallel_loop3A_557 step %parallel_loop3A_558  : i32 {
      %parallel_loop3A_845 = arith.index_cast %parallel_loop3A_844 : i32 to index
      %parallel_loop3A_846 = tpu.vector_load %arg11[%parallel_loop3A_845] {strides = array<i32>} : memref<10240xf32, #tpu.memory_space<vmem>>, vector<16xf32>,
      %parallel_loop3A_847 = arith.constant 640 : i32
      %parallel_loop3A_848 = arith.addi %parallel_loop3A_847, %parallel_loop3A_844 : i32
      %parallel_loop3A_849 = arith.index_cast %parallel_loop3A_848 : i32 to index
      %parallel_loop3A_850 = tpu.vector_load %arg11[%parallel_loop3A_849] {strides = array<i32>} : memref<10240xf32, #tpu.memory_space<vmem>>, vector<16xf32>,
      %parallel_loop3A_851 = arith.addf %parallel_loop3A_846, %parallel_loop3A_850 : vector<16xf32>
      %parallel_loop3A_852 = arith.constant 1280 : i32
      %parallel_loop3A_853 = arith.addi %parallel_loop3A_852, %parallel_loop3A_844 : i32
      %parallel_loop3A_854 = arith.index_cast %parallel_loop3A_853 : i32 to index
      %parallel_loop3A_855 = tpu.vector_load %arg11[%parallel_loop3A_854] {strides = array<i32>} : memref<10240xf32, #tpu.memory_space<vmem>>, vector<16xf32>,
      %parallel_loop3A_856 = arith.addf %parallel_loop3A_851, %parallel_loop3A_855 : vector<16xf32>
      %parallel_loop3A_857 = arith.constant 1920 : i32
      %parallel_loop3A_858 = arith.addi %parallel_loop3A_857, %parallel_loop3A_844 : i32
      %parallel_loop3A_859 = arith.index_cast %parallel_loop3A_858 : i32 to index
      %parallel_loop3A_860 = tpu.vector_load %arg11[%parallel_loop3A_859] {strides = array<i32>} : memref<10240xf32, #tpu.memory_space<vmem>>, vector<16xf32>,
      %parallel_loop3A_861 = arith.addf %parallel_loop3A_856, %parallel_loop3A_860 : vector<16xf32>
      %parallel_loop3A_862 = arith.constant 2560 : i32
      %parallel_loop3A_863 = arith.addi %parallel_loop3A_862, %parallel_loop3A_844 : i32
      %parallel_loop3A_864 = arith.index_cast %parallel_loop3A_863 : i32 to index
      %parallel_loop3A_865 = tpu.vector_load %arg11[%parallel_loop3A_864] {strides = array<i32>} : memref<10240xf32, #tpu.memory_space<vmem>>, vector<16xf32>,
      %parallel_loop3A_866 = arith.addf %parallel_loop3A_861, %parallel_loop3A_865 : vector<16xf32>
      %parallel_loop3A_867 = arith.constant 3200 : i32
      %parallel_loop3A_868 = arith.addi %parallel_loop3A_867, %parallel_loop3A_844 : i32
      %parallel_loop3A_869 = arith.index_cast %parallel_loop3A_868 : i32 to index
      %parallel_loop3A_870 = tpu.vector_load %arg11[%parallel_loop3A_869] {strides = array<i32>} : memref<10240xf32, #tpu.memory_space<vmem>>, vector<16xf32>,
      %parallel_loop3A_871 = arith.addf %parallel_loop3A_866, %parallel_loop3A_870 : vector<16xf32>
      %parallel_loop3A_872 = arith.constant 3840 : i32
      %parallel_loop3A_873 = arith.addi %parallel_loop3A_872, %parallel_loop3A_844 : i32
      %parallel_loop3A_874 = arith.index_cast %parallel_loop3A_873 : i32 to index
      %parallel_loop3A_875 = tpu.vector_load %arg11[%parallel_loop3A_874] {strides = array<i32>} : memref<10240xf32, #tpu.memory_space<vmem>>, vector<16xf32>,
      %parallel_loop3A_876 = arith.addf %parallel_loop3A_871, %parallel_loop3A_875 : vector<16xf32>
      %parallel_loop3A_877 = arith.constant 4480 : i32
      %parallel_loop3A_878 = arith.addi %parallel_loop3A_877, %parallel_loop3A_844 : i32
      %parallel_loop3A_879 = arith.index_cast %parallel_loop3A_878 : i32 to index
      %parallel_loop3A_880 = tpu.vector_load %arg11[%parallel_loop3A_879] {strides = array<i32>} : memref<10240xf32, #tpu.memory_space<vmem>>, vector<16xf32>,
      %parallel_loop3A_881 = arith.addf %parallel_loop3A_876, %parallel_loop3A_880 : vector<16xf32>
      %parallel_loop3A_882 = arith.constant 5120 : i32
      %parallel_loop3A_883 = arith.addi %parallel_loop3A_882, %parallel_loop3A_844 : i32
      %parallel_loop3A_884 = arith.index_cast %parallel_loop3A_883 : i32 to index
      %parallel_loop3A_885 = tpu.vector_load %arg11[%parallel_loop3A_884] {strides = array<i32>} : memref<10240xf32, #tpu.memory_space<vmem>>, vector<16xf32>,
      %parallel_loop3A_886 = arith.addf %parallel_loop3A_881, %parallel_loop3A_885 : vector<16xf32>
      %parallel_loop3A_887 = arith.constant 5760 : i32
      %parallel_loop3A_888 = arith.addi %parallel_loop3A_887, %parallel_loop3A_844 : i32
      %parallel_loop3A_889 = arith.index_cast %parallel_loop3A_888 : i32 to index
      %parallel_loop3A_890 = tpu.vector_load %arg11[%parallel_loop3A_889] {strides = array<i32>} : memref<10240xf32, #tpu.memory_space<vmem>>, vector<16xf32>,
      %parallel_loop3A_891 = arith.addf %parallel_loop3A_886, %parallel_loop3A_890 : vector<16xf32>
      %parallel_loop3A_892 = arith.constant 6400 : i32
      %parallel_loop3A_893 = arith.addi %parallel_loop3A_892, %parallel_loop3A_844 : i32
      %parallel_loop3A_894 = arith.index_cast %parallel_loop3A_893 : i32 to index
      %parallel_loop3A_895 = tpu.vector_load %arg11[%parallel_loop3A_894] {strides = array<i32>} : memref<10240xf32, #tpu.memory_space<vmem>>, vector<16xf32>,
      %parallel_loop3A_896 = arith.addf %parallel_loop3A_891, %parallel_loop3A_895 : vector<16xf32>
      %parallel_loop3A_897 = arith.constant 7040 : i32
      %parallel_loop3A_898 = arith.addi %parallel_loop3A_897, %parallel_loop3A_844 : i32
      %parallel_loop3A_899 = arith.index_cast %parallel_loop3A_898 : i32 to index
      %parallel_loop3A_900 = tpu.vector_load %arg11[%parallel_loop3A_899] {strides = array<i32>} : memref<10240xf32, #tpu.memory_space<vmem>>, vector<16xf32>,
      %parallel_loop3A_901 = arith.addf %parallel_loop3A_896, %parallel_loop3A_900 : vector<16xf32>
      %parallel_loop3A_902 = arith.constant 7680 : i32
      %parallel_loop3A_903 = arith.addi %parallel_loop3A_902, %parallel_loop3A_844 : i32
      %parallel_loop3A_904 = arith.index_cast %parallel_loop3A_903 : i32 to index
      %parallel_loop3A_905 = tpu.vector_load %arg11[%parallel_loop3A_904] {strides = array<i32>} : memref<10240xf32, #tpu.memory_space<vmem>>, vector<16xf32>,
      %parallel_loop3A_906 = arith.addf %parallel_loop3A_901, %parallel_loop3A_905 : vector<16xf32>
      %parallel_loop3A_907 = arith.constant 8320 : i32
      %parallel_loop3A_908 = arith.addi %parallel_loop3A_907, %parallel_loop3A_844 : i32
      %parallel_loop3A_909 = arith.index_cast %parallel_loop3A_908 : i32 to index
      %parallel_loop3A_910 = tpu.vector_load %arg11[%parallel_loop3A_909] {strides = array<i32>} : memref<10240xf32, #tpu.memory_space<vmem>>, vector<16xf32>,
      %parallel_loop3A_911 = arith.addf %parallel_loop3A_906, %parallel_loop3A_910 : vector<16xf32>
      %parallel_loop3A_912 = arith.constant 8960 : i32
      %parallel_loop3A_913 = arith.addi %parallel_loop3A_912, %parallel_loop3A_844 : i32
      %parallel_loop3A_914 = arith.index_cast %parallel_loop3A_913 : i32 to index
      %parallel_loop3A_915 = tpu.vector_load %arg11[%parallel_loop3A_914] {strides = array<i32>} : memref<10240xf32, #tpu.memory_space<vmem>>, vector<16xf32>,
      %parallel_loop3A_916 = arith.addf %parallel_loop3A_911, %parallel_loop3A_915 : vector<16xf32>
      %parallel_loop3A_917 = arith.constant 9600 : i32
      %parallel_loop3A_918 = arith.addi %parallel_loop3A_917, %parallel_loop3A_844 : i32
      %parallel_loop3A_919 = arith.index_cast %parallel_loop3A_918 : i32 to index
      %parallel_loop3A_920 = tpu.vector_load %arg11[%parallel_loop3A_919] {strides = array<i32>} : memref<10240xf32, #tpu.memory_space<vmem>>, vector<16xf32>,
      %parallel_loop3A_921 = arith.addf %parallel_loop3A_916, %parallel_loop3A_920 : vector<16xf32>
      %parallel_loop3A_922 = arith.index_cast %parallel_loop3A_844 : i32 to index
      %parallel_loop3A_923 = tpu.vector_load %arg12[%parallel_loop3A_922] {strides = array<i32>} : memref<640xf32, #tpu.memory_space<vmem>>, vector<16xf32>,
      tpu.vector_store %arg12[%parallel_loop3A_922], %parallel_loop3A_921 {strides = array<i32>} : memref<640xf32, #tpu.memory_space<vmem>>, vector<16xf32>,
    } {sc.loop_unroll_factor = 4 : i64, sc.parallel_access}
    %parallel_loop3A_559 = arith.constant 0 : i32
    %parallel_loop3A_560 = arith.constant 640 : i32
    %parallel_loop3A_561 = arith.constant 16 : i32
    scf.for %parallel_loop3A_844 = %parallel_loop3A_559 to %parallel_loop3A_560 step %parallel_loop3A_561  : i32 {
      %parallel_loop3A_845 = arith.index_cast %parallel_loop3A_844 : i32 to index
      %parallel_loop3A_846 = tpu.vector_load %arg12[%parallel_loop3A_845] {strides = array<i32>} : memref<640xf32, #tpu.memory_space<vmem>>, vector<16xf32>,
      %parallel_loop3A_847 = arith.constant 0.000000e+00 : f32
      %parallel_loop3A_848 = vector.broadcast %parallel_loop3A_847 : f32 to vector<16xf32>
      %parallel_loop3A_849 = arith.subf %parallel_loop3A_848, %parallel_loop3A_846 : vector<16xf32>
      %parallel_loop3A_850 = arith.index_cast %parallel_loop3A_844 : i32 to index
      %parallel_loop3A_851 = tpu.vector_load %arg12[%parallel_loop3A_850] {strides = array<i32>} : memref<640xf32, #tpu.memory_space<vmem>>, vector<16xf32>,
      tpu.vector_store %arg12[%parallel_loop3A_850], %parallel_loop3A_849 {strides = array<i32>} : memref<640xf32, #tpu.memory_space<vmem>>, vector<16xf32>,
      %parallel_loop3A_852 = arith.index_cast %parallel_loop3A_844 : i32 to index
      %parallel_loop3A_853 = tpu.vector_load %arg13[%parallel_loop3A_852] {strides = array<i32>} : memref<640xf32, #tpu.memory_space<vmem>>, vector<16xf32>,
      %parallel_loop3A_854 = arith.mulf %parallel_loop3A_853, %parallel_loop3A_849 : vector<16xf32>
      %parallel_loop3A_855 = arith.index_cast %parallel_loop3A_844 : i32 to index
      %parallel_loop3A_856 = tpu.vector_load %arg13[%parallel_loop3A_855] {strides = array<i32>} : memref<640xf32, #tpu.memory_space<vmem>>, vector<16xf32>,
      tpu.vector_store %arg13[%parallel_loop3A_855], %parallel_loop3A_854 {strides = array<i32>} : memref<640xf32, #tpu.memory_space<vmem>>, vector<16xf32>,
    } {sc.loop_unroll_factor = 4 : i64, sc.parallel_access}
    %mul3A_562 = arith.constant 640 : i32
    %mul3A_563 = arith.muli %arg1, %mul3A_562 : i32
    %dma_start3A_564 = tpu.memref_slice %arg4[%mul3A_563] : memref<10240xf32, #tpu.memory_space<hbm>> -> memref<640xf32, #tpu.memory_space<hbm>>
    %dma_start3A_565 = tpu.memref_slice %arg4[%mul3A_563] : memref<10240xf32, #tpu.memory_space<hbm>> -> memref<640xf32, #tpu.memory_space<hbm>>
    tpu.enqueue_dma source(%arg12 : memref<640xf32, #tpu.memory_space<vmem>>) target(%dma_start3A_565 : memref<640xf32, #tpu.memory_space<hbm>>) target_semaphore(%arg15 : memref<!tpu.dma_semaphore, #tpu.memory_space<semaphore_mem>>)
    %mul3A_566 = arith.constant 640 : i32
    %mul3A_567 = arith.muli %arg1, %mul3A_566 : i32
    "tpu.region"() ({
      %run_scoped3A = tpu.sem_alloc : memref<!tpu.dma_semaphore, #tpu.memory_space<semaphore_mem>>
      %dma_start3A_844 = tpu.memref_slice %arg17[%mul3A_567] : memref<10240xf32, #tpu.memory_space<vmem_shared>> -> memref<640xf32, #tpu.memory_space<vmem_shared>>
      %dma_start3A_845 = tpu.memref_slice %arg17[%mul3A_567] : memref<10240xf32, #tpu.memory_space<vmem_shared>> -> memref<640xf32, #tpu.memory_space<vmem_shared>>
      tpu.enqueue_dma source(%arg13 : memref<640xf32, #tpu.memory_space<vmem>>) target(%dma_start3A_845 : memref<640xf32, #tpu.memory_space<vmem_shared>>) target_semaphore(%run_scoped3A : memref<!tpu.dma_semaphore, #tpu.memory_space<semaphore_mem>>)
      %dma_wait3A_846 = tpu.memref_slice %arg17[%mul3A_567] : memref<10240xf32, #tpu.memory_space<vmem_shared>> -> memref<640xf32, #tpu.memory_space<vmem_shared>>
      %dma_wait3A_847 = tpu.memref_slice %arg17[%mul3A_567] : memref<10240xf32, #tpu.memory_space<vmem_shared>> -> memref<640xf32, #tpu.memory_space<vmem_shared>>
      tpu.wait_dma2 semaphore(%run_scoped3A : memref<!tpu.dma_semaphore, #tpu.memory_space<semaphore_mem>>) src(%arg13 : memref<640xf32, #tpu.memory_space<vmem>>) dst(%dma_wait3A_847 : memref<640xf32, #tpu.memory_space<vmem_shared>>)
      tpu.yield
    }) : () -> ()
    %barrier3A_568 = arith.constant 0 : index
    tpu.barrier barrier_id(%barrier3A_568)
    tpu.enqueue_dma source(%arg17 : memref<10240xf32, #tpu.memory_space<vmem_shared>>) target(%arg9 : memref<10240xf32, #tpu.memory_space<vmem>>) target_semaphore(%arg15 : memref<!tpu.dma_semaphore, #tpu.memory_space<semaphore_mem>>)
    %parallel_loop3A_569 = arith.constant 0 : i32
    %parallel_loop3A_570 = arith.constant 10240 : i32
    %parallel_loop3A_571 = arith.constant 16 : i32
    scf.for %parallel_loop3A_844 = %parallel_loop3A_569 to %parallel_loop3A_570 step %parallel_loop3A_571  : i32 {
      %parallel_loop3A_845 = arith.index_cast %parallel_loop3A_844 : i32 to index
      %parallel_loop3A_846 = tpu.vector_load %arg10[%parallel_loop3A_845] {strides = array<i32>} : memref<10240xf32, #tpu.memory_space<vmem>>, vector<16xf32>,
      tpu.vector_store %arg10[%parallel_loop3A_845], %broadcast_in_dim3A_9 {strides = array<i32>} : memref<10240xf32, #tpu.memory_space<vmem>>, vector<16xf32>,
    } {sc.loop_unroll_factor = 8 : i64, sc.parallel_access}
    %dma_wait3A_572 = tpu.memref_slice %arg4[%mul3A_563] : memref<10240xf32, #tpu.memory_space<hbm>> -> memref<640xf32, #tpu.memory_space<hbm>>
    %dma_wait3A_573 = tpu.memref_slice %arg4[%mul3A_563] : memref<10240xf32, #tpu.memory_space<hbm>> -> memref<640xf32, #tpu.memory_space<hbm>>
    tpu.wait_dma2 semaphore(%arg15 : memref<!tpu.dma_semaphore, #tpu.memory_space<semaphore_mem>>) src(%arg12 : memref<640xf32, #tpu.memory_space<vmem>>) dst(%dma_wait3A_573 : memref<640xf32, #tpu.memory_space<hbm>>)
    tpu.wait_dma2 semaphore(%arg15 : memref<!tpu.dma_semaphore, #tpu.memory_space<semaphore_mem>>) src(%arg17 : memref<10240xf32, #tpu.memory_space<vmem_shared>>) dst(%arg9 : memref<10240xf32, #tpu.memory_space<vmem>>)
    %parallel_loop3A_574 = arith.constant 0 : i32
    %parallel_loop3A_575 = arith.constant 20000 : i32
    %parallel_loop3A_576 = arith.constant 16 : i32
    scf.for %parallel_loop3A_844 = %parallel_loop3A_574 to %parallel_loop3A_575 step %parallel_loop3A_576  : i32 {
      %parallel_loop3A_845 = arith.index_cast %parallel_loop3A_844 : i32 to index
      %parallel_loop3A_846 = tpu.vector_load %arg6[%parallel_loop3A_845] {strides = array<i32>} : memref<20000xi32, #tpu.memory_space<vmem>>, vector<16xi32>,
      %parallel_loop3A_847 = arith.index_cast %parallel_loop3A_844 : i32 to index
      %parallel_loop3A_848 = tpu.vector_load %arg7[%parallel_loop3A_847] {strides = array<i32>} : memref<20000xi32, #tpu.memory_space<vmem>>, vector<16xi32>,
      %parallel_loop3A_849 = tpu.vector_load_idx %arg9[%parallel_loop3A_846] : memref<10240xf32, #tpu.memory_space<vmem>>[vector<16xi32>], vector<16xf32>,
      %parallel_loop3A_850 = tpu.vector_load_idx %arg8[%parallel_loop3A_848] : memref<10240xf32, #tpu.memory_space<vmem>>[vector<16xi32>], vector<16xf32>,
      %parallel_loop3A_851 = arith.mulf %parallel_loop3A_849, %parallel_loop3A_850 : vector<16xf32>
      tpu.vector_store_idx %arg10[%parallel_loop3A_848], %parallel_loop3A_851 {add = true} : memref<10240xf32, #tpu.memory_space<vmem>>[vector<16xi32>], vector<16xf32>,
    } {sc.loop_unroll_factor = 16 : i64, sc.parallel_access}
    %mul3A_577 = arith.constant 10240 : i32
    %mul3A_578 = arith.muli %arg1, %mul3A_577 : i32
    "tpu.region"() ({
      %run_scoped3A = tpu.sem_alloc : memref<!tpu.dma_semaphore, #tpu.memory_space<semaphore_mem>>
      %dma_start3A_844 = tpu.memref_slice %arg16[%mul3A_578] : memref<163840xf32, #tpu.memory_space<vmem_shared>> -> memref<10240xf32, #tpu.memory_space<vmem_shared>>
      %dma_start3A_845 = tpu.memref_slice %arg16[%mul3A_578] : memref<163840xf32, #tpu.memory_space<vmem_shared>> -> memref<10240xf32, #tpu.memory_space<vmem_shared>>
      tpu.enqueue_dma source(%arg10 : memref<10240xf32, #tpu.memory_space<vmem>>) target(%dma_start3A_845 : memref<10240xf32, #tpu.memory_space<vmem_shared>>) target_semaphore(%run_scoped3A : memref<!tpu.dma_semaphore, #tpu.memory_space<semaphore_mem>>)
      %dma_wait3A_846 = tpu.memref_slice %arg16[%mul3A_578] : memref<163840xf32, #tpu.memory_space<vmem_shared>> -> memref<10240xf32, #tpu.memory_space<vmem_shared>>
      %dma_wait3A_847 = tpu.memref_slice %arg16[%mul3A_578] : memref<163840xf32, #tpu.memory_space<vmem_shared>> -> memref<10240xf32, #tpu.memory_space<vmem_shared>>
      tpu.wait_dma2 semaphore(%run_scoped3A : memref<!tpu.dma_semaphore, #tpu.memory_space<semaphore_mem>>) src(%arg10 : memref<10240xf32, #tpu.memory_space<vmem>>) dst(%dma_wait3A_847 : memref<10240xf32, #tpu.memory_space<vmem_shared>>)
      tpu.yield
    }) : () -> ()
    %barrier3A_579 = arith.constant 0 : index
    tpu.barrier barrier_id(%barrier3A_579)
    %mul3A_580 = arith.constant 640 : i32
    %mul3A_581 = arith.muli %arg1, %mul3A_580 : i32
    %add3A_582 = arith.constant 0 : i32
    %add3A_583 = arith.addi %add3A_582, %mul3A_581 : i32
    %dma_start3A_584 = arith.constant 0 : i32
    %dma_start3A_585 = tpu.memref_slice %arg11[%dma_start3A_584] : memref<10240xf32, #tpu.memory_space<vmem>> -> memref<640xf32, #tpu.memory_space<vmem>>
    %dma_start3A_586 = tpu.memref_slice %arg16[%add3A_583] : memref<163840xf32, #tpu.memory_space<vmem_shared>> -> memref<640xf32, #tpu.memory_space<vmem_shared>>
    %dma_start3A_587 = arith.constant 0 : i32
    %dma_start3A_588 = tpu.memref_slice %arg11[%dma_start3A_587] : memref<10240xf32, #tpu.memory_space<vmem>> -> memref<640xf32, #tpu.memory_space<vmem>>
    %dma_start3A_589 = tpu.memref_slice %arg16[%add3A_583] : memref<163840xf32, #tpu.memory_space<vmem_shared>> -> memref<640xf32, #tpu.memory_space<vmem_shared>>
    tpu.enqueue_dma source(%dma_start3A_589 : memref<640xf32, #tpu.memory_space<vmem_shared>>) target(%dma_start3A_588 : memref<640xf32, #tpu.memory_space<vmem>>) target_semaphore(%arg15 : memref<!tpu.dma_semaphore, #tpu.memory_space<semaphore_mem>>)
    %mul3A_590 = arith.constant 640 : i32
    %mul3A_591 = arith.muli %arg1, %mul3A_590 : i32
    %add3A_592 = arith.constant 10240 : i32
    %add3A_593 = arith.addi %add3A_592, %mul3A_591 : i32
    %dma_start3A_594 = arith.constant 640 : i32
    %dma_start3A_595 = tpu.memref_slice %arg11[%dma_start3A_594] : memref<10240xf32, #tpu.memory_space<vmem>> -> memref<640xf32, #tpu.memory_space<vmem>>
    %dma_start3A_596 = tpu.memref_slice %arg16[%add3A_593] : memref<163840xf32, #tpu.memory_space<vmem_shared>> -> memref<640xf32, #tpu.memory_space<vmem_shared>>
    %dma_start3A_597 = arith.constant 640 : i32
    %dma_start3A_598 = tpu.memref_slice %arg11[%dma_start3A_597] : memref<10240xf32, #tpu.memory_space<vmem>> -> memref<640xf32, #tpu.memory_space<vmem>>
    %dma_start3A_599 = tpu.memref_slice %arg16[%add3A_593] : memref<163840xf32, #tpu.memory_space<vmem_shared>> -> memref<640xf32, #tpu.memory_space<vmem_shared>>
    tpu.enqueue_dma source(%dma_start3A_599 : memref<640xf32, #tpu.memory_space<vmem_shared>>) target(%dma_start3A_598 : memref<640xf32, #tpu.memory_space<vmem>>) target_semaphore(%arg15 : memref<!tpu.dma_semaphore, #tpu.memory_space<semaphore_mem>>)
    %mul3A_600 = arith.constant 640 : i32
    %mul3A_601 = arith.muli %arg1, %mul3A_600 : i32
    %add3A_602 = arith.constant 20480 : i32
    %add3A_603 = arith.addi %add3A_602, %mul3A_601 : i32
    %dma_start3A_604 = arith.constant 1280 : i32
    %dma_start3A_605 = tpu.memref_slice %arg11[%dma_start3A_604] : memref<10240xf32, #tpu.memory_space<vmem>> -> memref<640xf32, #tpu.memory_space<vmem>>
    %dma_start3A_606 = tpu.memref_slice %arg16[%add3A_603] : memref<163840xf32, #tpu.memory_space<vmem_shared>> -> memref<640xf32, #tpu.memory_space<vmem_shared>>
    %dma_start3A_607 = arith.constant 1280 : i32
    %dma_start3A_608 = tpu.memref_slice %arg11[%dma_start3A_607] : memref<10240xf32, #tpu.memory_space<vmem>> -> memref<640xf32, #tpu.memory_space<vmem>>
    %dma_start3A_609 = tpu.memref_slice %arg16[%add3A_603] : memref<163840xf32, #tpu.memory_space<vmem_shared>> -> memref<640xf32, #tpu.memory_space<vmem_shared>>
    tpu.enqueue_dma source(%dma_start3A_609 : memref<640xf32, #tpu.memory_space<vmem_shared>>) target(%dma_start3A_608 : memref<640xf32, #tpu.memory_space<vmem>>) target_semaphore(%arg15 : memref<!tpu.dma_semaphore, #tpu.memory_space<semaphore_mem>>)
    %mul3A_610 = arith.constant 640 : i32
    %mul3A_611 = arith.muli %arg1, %mul3A_610 : i32
    %add3A_612 = arith.constant 30720 : i32
    %add3A_613 = arith.addi %add3A_612, %mul3A_611 : i32
    %dma_start3A_614 = arith.constant 1920 : i32
    %dma_start3A_615 = tpu.memref_slice %arg11[%dma_start3A_614] : memref<10240xf32, #tpu.memory_space<vmem>> -> memref<640xf32, #tpu.memory_space<vmem>>
    %dma_start3A_616 = tpu.memref_slice %arg16[%add3A_613] : memref<163840xf32, #tpu.memory_space<vmem_shared>> -> memref<640xf32, #tpu.memory_space<vmem_shared>>
    %dma_start3A_617 = arith.constant 1920 : i32
    %dma_start3A_618 = tpu.memref_slice %arg11[%dma_start3A_617] : memref<10240xf32, #tpu.memory_space<vmem>> -> memref<640xf32, #tpu.memory_space<vmem>>
    %dma_start3A_619 = tpu.memref_slice %arg16[%add3A_613] : memref<163840xf32, #tpu.memory_space<vmem_shared>> -> memref<640xf32, #tpu.memory_space<vmem_shared>>
    tpu.enqueue_dma source(%dma_start3A_619 : memref<640xf32, #tpu.memory_space<vmem_shared>>) target(%dma_start3A_618 : memref<640xf32, #tpu.memory_space<vmem>>) target_semaphore(%arg15 : memref<!tpu.dma_semaphore, #tpu.memory_space<semaphore_mem>>)
    %mul3A_620 = arith.constant 640 : i32
    %mul3A_621 = arith.muli %arg1, %mul3A_620 : i32
    %add3A_622 = arith.constant 40960 : i32
    %add3A_623 = arith.addi %add3A_622, %mul3A_621 : i32
    %dma_start3A_624 = arith.constant 2560 : i32
    %dma_start3A_625 = tpu.memref_slice %arg11[%dma_start3A_624] : memref<10240xf32, #tpu.memory_space<vmem>> -> memref<640xf32, #tpu.memory_space<vmem>>
    %dma_start3A_626 = tpu.memref_slice %arg16[%add3A_623] : memref<163840xf32, #tpu.memory_space<vmem_shared>> -> memref<640xf32, #tpu.memory_space<vmem_shared>>
    %dma_start3A_627 = arith.constant 2560 : i32
    %dma_start3A_628 = tpu.memref_slice %arg11[%dma_start3A_627] : memref<10240xf32, #tpu.memory_space<vmem>> -> memref<640xf32, #tpu.memory_space<vmem>>
    %dma_start3A_629 = tpu.memref_slice %arg16[%add3A_623] : memref<163840xf32, #tpu.memory_space<vmem_shared>> -> memref<640xf32, #tpu.memory_space<vmem_shared>>
    tpu.enqueue_dma source(%dma_start3A_629 : memref<640xf32, #tpu.memory_space<vmem_shared>>) target(%dma_start3A_628 : memref<640xf32, #tpu.memory_space<vmem>>) target_semaphore(%arg15 : memref<!tpu.dma_semaphore, #tpu.memory_space<semaphore_mem>>)
    %mul3A_630 = arith.constant 640 : i32
    %mul3A_631 = arith.muli %arg1, %mul3A_630 : i32
    %add3A_632 = arith.constant 51200 : i32
    %add3A_633 = arith.addi %add3A_632, %mul3A_631 : i32
    %dma_start3A_634 = arith.constant 3200 : i32
    %dma_start3A_635 = tpu.memref_slice %arg11[%dma_start3A_634] : memref<10240xf32, #tpu.memory_space<vmem>> -> memref<640xf32, #tpu.memory_space<vmem>>
    %dma_start3A_636 = tpu.memref_slice %arg16[%add3A_633] : memref<163840xf32, #tpu.memory_space<vmem_shared>> -> memref<640xf32, #tpu.memory_space<vmem_shared>>
    %dma_start3A_637 = arith.constant 3200 : i32
    %dma_start3A_638 = tpu.memref_slice %arg11[%dma_start3A_637] : memref<10240xf32, #tpu.memory_space<vmem>> -> memref<640xf32, #tpu.memory_space<vmem>>
    %dma_start3A_639 = tpu.memref_slice %arg16[%add3A_633] : memref<163840xf32, #tpu.memory_space<vmem_shared>> -> memref<640xf32, #tpu.memory_space<vmem_shared>>
    tpu.enqueue_dma source(%dma_start3A_639 : memref<640xf32, #tpu.memory_space<vmem_shared>>) target(%dma_start3A_638 : memref<640xf32, #tpu.memory_space<vmem>>) target_semaphore(%arg15 : memref<!tpu.dma_semaphore, #tpu.memory_space<semaphore_mem>>)
    %mul3A_640 = arith.constant 640 : i32
    %mul3A_641 = arith.muli %arg1, %mul3A_640 : i32
    %add3A_642 = arith.constant 61440 : i32
    %add3A_643 = arith.addi %add3A_642, %mul3A_641 : i32
    %dma_start3A_644 = arith.constant 3840 : i32
    %dma_start3A_645 = tpu.memref_slice %arg11[%dma_start3A_644] : memref<10240xf32, #tpu.memory_space<vmem>> -> memref<640xf32, #tpu.memory_space<vmem>>
    %dma_start3A_646 = tpu.memref_slice %arg16[%add3A_643] : memref<163840xf32, #tpu.memory_space<vmem_shared>> -> memref<640xf32, #tpu.memory_space<vmem_shared>>
    %dma_start3A_647 = arith.constant 3840 : i32
    %dma_start3A_648 = tpu.memref_slice %arg11[%dma_start3A_647] : memref<10240xf32, #tpu.memory_space<vmem>> -> memref<640xf32, #tpu.memory_space<vmem>>
    %dma_start3A_649 = tpu.memref_slice %arg16[%add3A_643] : memref<163840xf32, #tpu.memory_space<vmem_shared>> -> memref<640xf32, #tpu.memory_space<vmem_shared>>
    tpu.enqueue_dma source(%dma_start3A_649 : memref<640xf32, #tpu.memory_space<vmem_shared>>) target(%dma_start3A_648 : memref<640xf32, #tpu.memory_space<vmem>>) target_semaphore(%arg15 : memref<!tpu.dma_semaphore, #tpu.memory_space<semaphore_mem>>)
    %mul3A_650 = arith.constant 640 : i32
    %mul3A_651 = arith.muli %arg1, %mul3A_650 : i32
    %add3A_652 = arith.constant 71680 : i32
    %add3A_653 = arith.addi %add3A_652, %mul3A_651 : i32
    %dma_start3A_654 = arith.constant 4480 : i32
    %dma_start3A_655 = tpu.memref_slice %arg11[%dma_start3A_654] : memref<10240xf32, #tpu.memory_space<vmem>> -> memref<640xf32, #tpu.memory_space<vmem>>
    %dma_start3A_656 = tpu.memref_slice %arg16[%add3A_653] : memref<163840xf32, #tpu.memory_space<vmem_shared>> -> memref<640xf32, #tpu.memory_space<vmem_shared>>
    %dma_start3A_657 = arith.constant 4480 : i32
    %dma_start3A_658 = tpu.memref_slice %arg11[%dma_start3A_657] : memref<10240xf32, #tpu.memory_space<vmem>> -> memref<640xf32, #tpu.memory_space<vmem>>
    %dma_start3A_659 = tpu.memref_slice %arg16[%add3A_653] : memref<163840xf32, #tpu.memory_space<vmem_shared>> -> memref<640xf32, #tpu.memory_space<vmem_shared>>
    tpu.enqueue_dma source(%dma_start3A_659 : memref<640xf32, #tpu.memory_space<vmem_shared>>) target(%dma_start3A_658 : memref<640xf32, #tpu.memory_space<vmem>>) target_semaphore(%arg15 : memref<!tpu.dma_semaphore, #tpu.memory_space<semaphore_mem>>)
    %mul3A_660 = arith.constant 640 : i32
    %mul3A_661 = arith.muli %arg1, %mul3A_660 : i32
    %add3A_662 = arith.constant 81920 : i32
    %add3A_663 = arith.addi %add3A_662, %mul3A_661 : i32
    %dma_start3A_664 = arith.constant 5120 : i32
    %dma_start3A_665 = tpu.memref_slice %arg11[%dma_start3A_664] : memref<10240xf32, #tpu.memory_space<vmem>> -> memref<640xf32, #tpu.memory_space<vmem>>
    %dma_start3A_666 = tpu.memref_slice %arg16[%add3A_663] : memref<163840xf32, #tpu.memory_space<vmem_shared>> -> memref<640xf32, #tpu.memory_space<vmem_shared>>
    %dma_start3A_667 = arith.constant 5120 : i32
    %dma_start3A_668 = tpu.memref_slice %arg11[%dma_start3A_667] : memref<10240xf32, #tpu.memory_space<vmem>> -> memref<640xf32, #tpu.memory_space<vmem>>
    %dma_start3A_669 = tpu.memref_slice %arg16[%add3A_663] : memref<163840xf32, #tpu.memory_space<vmem_shared>> -> memref<640xf32, #tpu.memory_space<vmem_shared>>
    tpu.enqueue_dma source(%dma_start3A_669 : memref<640xf32, #tpu.memory_space<vmem_shared>>) target(%dma_start3A_668 : memref<640xf32, #tpu.memory_space<vmem>>) target_semaphore(%arg15 : memref<!tpu.dma_semaphore, #tpu.memory_space<semaphore_mem>>)
    %mul3A_670 = arith.constant 640 : i32
    %mul3A_671 = arith.muli %arg1, %mul3A_670 : i32
    %add3A_672 = arith.constant 92160 : i32
    %add3A_673 = arith.addi %add3A_672, %mul3A_671 : i32
    %dma_start3A_674 = arith.constant 5760 : i32
    %dma_start3A_675 = tpu.memref_slice %arg11[%dma_start3A_674] : memref<10240xf32, #tpu.memory_space<vmem>> -> memref<640xf32, #tpu.memory_space<vmem>>
    %dma_start3A_676 = tpu.memref_slice %arg16[%add3A_673] : memref<163840xf32, #tpu.memory_space<vmem_shared>> -> memref<640xf32, #tpu.memory_space<vmem_shared>>
    %dma_start3A_677 = arith.constant 5760 : i32
    %dma_start3A_678 = tpu.memref_slice %arg11[%dma_start3A_677] : memref<10240xf32, #tpu.memory_space<vmem>> -> memref<640xf32, #tpu.memory_space<vmem>>
    %dma_start3A_679 = tpu.memref_slice %arg16[%add3A_673] : memref<163840xf32, #tpu.memory_space<vmem_shared>> -> memref<640xf32, #tpu.memory_space<vmem_shared>>
    tpu.enqueue_dma source(%dma_start3A_679 : memref<640xf32, #tpu.memory_space<vmem_shared>>) target(%dma_start3A_678 : memref<640xf32, #tpu.memory_space<vmem>>) target_semaphore(%arg15 : memref<!tpu.dma_semaphore, #tpu.memory_space<semaphore_mem>>)
    %mul3A_680 = arith.constant 640 : i32
    %mul3A_681 = arith.muli %arg1, %mul3A_680 : i32
    %add3A_682 = arith.constant 102400 : i32
    %add3A_683 = arith.addi %add3A_682, %mul3A_681 : i32
    %dma_start3A_684 = arith.constant 6400 : i32
    %dma_start3A_685 = tpu.memref_slice %arg11[%dma_start3A_684] : memref<10240xf32, #tpu.memory_space<vmem>> -> memref<640xf32, #tpu.memory_space<vmem>>
    %dma_start3A_686 = tpu.memref_slice %arg16[%add3A_683] : memref<163840xf32, #tpu.memory_space<vmem_shared>> -> memref<640xf32, #tpu.memory_space<vmem_shared>>
    %dma_start3A_687 = arith.constant 6400 : i32
    %dma_start3A_688 = tpu.memref_slice %arg11[%dma_start3A_687] : memref<10240xf32, #tpu.memory_space<vmem>> -> memref<640xf32, #tpu.memory_space<vmem>>
    %dma_start3A_689 = tpu.memref_slice %arg16[%add3A_683] : memref<163840xf32, #tpu.memory_space<vmem_shared>> -> memref<640xf32, #tpu.memory_space<vmem_shared>>
    tpu.enqueue_dma source(%dma_start3A_689 : memref<640xf32, #tpu.memory_space<vmem_shared>>) target(%dma_start3A_688 : memref<640xf32, #tpu.memory_space<vmem>>) target_semaphore(%arg15 : memref<!tpu.dma_semaphore, #tpu.memory_space<semaphore_mem>>)
    %mul3A_690 = arith.constant 640 : i32
    %mul3A_691 = arith.muli %arg1, %mul3A_690 : i32
    %add3A_692 = arith.constant 112640 : i32
    %add3A_693 = arith.addi %add3A_692, %mul3A_691 : i32
    %dma_start3A_694 = arith.constant 7040 : i32
    %dma_start3A_695 = tpu.memref_slice %arg11[%dma_start3A_694] : memref<10240xf32, #tpu.memory_space<vmem>> -> memref<640xf32, #tpu.memory_space<vmem>>
    %dma_start3A_696 = tpu.memref_slice %arg16[%add3A_693] : memref<163840xf32, #tpu.memory_space<vmem_shared>> -> memref<640xf32, #tpu.memory_space<vmem_shared>>
    %dma_start3A_697 = arith.constant 7040 : i32
    %dma_start3A_698 = tpu.memref_slice %arg11[%dma_start3A_697] : memref<10240xf32, #tpu.memory_space<vmem>> -> memref<640xf32, #tpu.memory_space<vmem>>
    %dma_start3A_699 = tpu.memref_slice %arg16[%add3A_693] : memref<163840xf32, #tpu.memory_space<vmem_shared>> -> memref<640xf32, #tpu.memory_space<vmem_shared>>
    tpu.enqueue_dma source(%dma_start3A_699 : memref<640xf32, #tpu.memory_space<vmem_shared>>) target(%dma_start3A_698 : memref<640xf32, #tpu.memory_space<vmem>>) target_semaphore(%arg15 : memref<!tpu.dma_semaphore, #tpu.memory_space<semaphore_mem>>)
    %mul3A_700 = arith.constant 640 : i32
    %mul3A_701 = arith.muli %arg1, %mul3A_700 : i32
    %add3A_702 = arith.constant 122880 : i32
    %add3A_703 = arith.addi %add3A_702, %mul3A_701 : i32
    %dma_start3A_704 = arith.constant 7680 : i32
    %dma_start3A_705 = tpu.memref_slice %arg11[%dma_start3A_704] : memref<10240xf32, #tpu.memory_space<vmem>> -> memref<640xf32, #tpu.memory_space<vmem>>
    %dma_start3A_706 = tpu.memref_slice %arg16[%add3A_703] : memref<163840xf32, #tpu.memory_space<vmem_shared>> -> memref<640xf32, #tpu.memory_space<vmem_shared>>
    %dma_start3A_707 = arith.constant 7680 : i32
    %dma_start3A_708 = tpu.memref_slice %arg11[%dma_start3A_707] : memref<10240xf32, #tpu.memory_space<vmem>> -> memref<640xf32, #tpu.memory_space<vmem>>
    %dma_start3A_709 = tpu.memref_slice %arg16[%add3A_703] : memref<163840xf32, #tpu.memory_space<vmem_shared>> -> memref<640xf32, #tpu.memory_space<vmem_shared>>
    tpu.enqueue_dma source(%dma_start3A_709 : memref<640xf32, #tpu.memory_space<vmem_shared>>) target(%dma_start3A_708 : memref<640xf32, #tpu.memory_space<vmem>>) target_semaphore(%arg15 : memref<!tpu.dma_semaphore, #tpu.memory_space<semaphore_mem>>)
    %mul3A_710 = arith.constant 640 : i32
    %mul3A_711 = arith.muli %arg1, %mul3A_710 : i32
    %add3A_712 = arith.constant 133120 : i32
    %add3A_713 = arith.addi %add3A_712, %mul3A_711 : i32
    %dma_start3A_714 = arith.constant 8320 : i32
    %dma_start3A_715 = tpu.memref_slice %arg11[%dma_start3A_714] : memref<10240xf32, #tpu.memory_space<vmem>> -> memref<640xf32, #tpu.memory_space<vmem>>
    %dma_start3A_716 = tpu.memref_slice %arg16[%add3A_713] : memref<163840xf32, #tpu.memory_space<vmem_shared>> -> memref<640xf32, #tpu.memory_space<vmem_shared>>
    %dma_start3A_717 = arith.constant 8320 : i32
    %dma_start3A_718 = tpu.memref_slice %arg11[%dma_start3A_717] : memref<10240xf32, #tpu.memory_space<vmem>> -> memref<640xf32, #tpu.memory_space<vmem>>
    %dma_start3A_719 = tpu.memref_slice %arg16[%add3A_713] : memref<163840xf32, #tpu.memory_space<vmem_shared>> -> memref<640xf32, #tpu.memory_space<vmem_shared>>
    tpu.enqueue_dma source(%dma_start3A_719 : memref<640xf32, #tpu.memory_space<vmem_shared>>) target(%dma_start3A_718 : memref<640xf32, #tpu.memory_space<vmem>>) target_semaphore(%arg15 : memref<!tpu.dma_semaphore, #tpu.memory_space<semaphore_mem>>)
    %mul3A_720 = arith.constant 640 : i32
    %mul3A_721 = arith.muli %arg1, %mul3A_720 : i32
    %add3A_722 = arith.constant 143360 : i32
    %add3A_723 = arith.addi %add3A_722, %mul3A_721 : i32
    %dma_start3A_724 = arith.constant 8960 : i32
    %dma_start3A_725 = tpu.memref_slice %arg11[%dma_start3A_724] : memref<10240xf32, #tpu.memory_space<vmem>> -> memref<640xf32, #tpu.memory_space<vmem>>
    %dma_start3A_726 = tpu.memref_slice %arg16[%add3A_723] : memref<163840xf32, #tpu.memory_space<vmem_shared>> -> memref<640xf32, #tpu.memory_space<vmem_shared>>
    %dma_start3A_727 = arith.constant 8960 : i32
    %dma_start3A_728 = tpu.memref_slice %arg11[%dma_start3A_727] : memref<10240xf32, #tpu.memory_space<vmem>> -> memref<640xf32, #tpu.memory_space<vmem>>
    %dma_start3A_729 = tpu.memref_slice %arg16[%add3A_723] : memref<163840xf32, #tpu.memory_space<vmem_shared>> -> memref<640xf32, #tpu.memory_space<vmem_shared>>
    tpu.enqueue_dma source(%dma_start3A_729 : memref<640xf32, #tpu.memory_space<vmem_shared>>) target(%dma_start3A_728 : memref<640xf32, #tpu.memory_space<vmem>>) target_semaphore(%arg15 : memref<!tpu.dma_semaphore, #tpu.memory_space<semaphore_mem>>)
    %mul3A_730 = arith.constant 640 : i32
    %mul3A_731 = arith.muli %arg1, %mul3A_730 : i32
    %add3A_732 = arith.constant 153600 : i32
    %add3A_733 = arith.addi %add3A_732, %mul3A_731 : i32
    %dma_start3A_734 = arith.constant 9600 : i32
    %dma_start3A_735 = tpu.memref_slice %arg11[%dma_start3A_734] : memref<10240xf32, #tpu.memory_space<vmem>> -> memref<640xf32, #tpu.memory_space<vmem>>
    %dma_start3A_736 = tpu.memref_slice %arg16[%add3A_733] : memref<163840xf32, #tpu.memory_space<vmem_shared>> -> memref<640xf32, #tpu.memory_space<vmem_shared>>
    %dma_start3A_737 = arith.constant 9600 : i32
    %dma_start3A_738 = tpu.memref_slice %arg11[%dma_start3A_737] : memref<10240xf32, #tpu.memory_space<vmem>> -> memref<640xf32, #tpu.memory_space<vmem>>
    %dma_start3A_739 = tpu.memref_slice %arg16[%add3A_733] : memref<163840xf32, #tpu.memory_space<vmem_shared>> -> memref<640xf32, #tpu.memory_space<vmem_shared>>
    tpu.enqueue_dma source(%dma_start3A_739 : memref<640xf32, #tpu.memory_space<vmem_shared>>) target(%dma_start3A_738 : memref<640xf32, #tpu.memory_space<vmem>>) target_semaphore(%arg15 : memref<!tpu.dma_semaphore, #tpu.memory_space<semaphore_mem>>)
    %dma_wait3A_740 = arith.constant 0 : i32
    %dma_wait3A_741 = tpu.memref_slice %arg11[%dma_wait3A_740] : memref<10240xf32, #tpu.memory_space<vmem>> -> memref<640xf32, #tpu.memory_space<vmem>>
    %dma_wait3A_742 = tpu.memref_slice %arg16[%add3A_583] : memref<163840xf32, #tpu.memory_space<vmem_shared>> -> memref<640xf32, #tpu.memory_space<vmem_shared>>
    %dma_wait3A_743 = arith.constant 0 : i32
    %dma_wait3A_744 = tpu.memref_slice %arg11[%dma_wait3A_743] : memref<10240xf32, #tpu.memory_space<vmem>> -> memref<640xf32, #tpu.memory_space<vmem>>
    %dma_wait3A_745 = tpu.memref_slice %arg16[%add3A_583] : memref<163840xf32, #tpu.memory_space<vmem_shared>> -> memref<640xf32, #tpu.memory_space<vmem_shared>>
    tpu.wait_dma2 semaphore(%arg15 : memref<!tpu.dma_semaphore, #tpu.memory_space<semaphore_mem>>) src(%dma_wait3A_745 : memref<640xf32, #tpu.memory_space<vmem_shared>>) dst(%dma_wait3A_744 : memref<640xf32, #tpu.memory_space<vmem>>)
    %dma_wait3A_746 = arith.constant 640 : i32
    %dma_wait3A_747 = tpu.memref_slice %arg11[%dma_wait3A_746] : memref<10240xf32, #tpu.memory_space<vmem>> -> memref<640xf32, #tpu.memory_space<vmem>>
    %dma_wait3A_748 = tpu.memref_slice %arg16[%add3A_593] : memref<163840xf32, #tpu.memory_space<vmem_shared>> -> memref<640xf32, #tpu.memory_space<vmem_shared>>
    %dma_wait3A_749 = arith.constant 640 : i32
    %dma_wait3A_750 = tpu.memref_slice %arg11[%dma_wait3A_749] : memref<10240xf32, #tpu.memory_space<vmem>> -> memref<640xf32, #tpu.memory_space<vmem>>
    %dma_wait3A_751 = tpu.memref_slice %arg16[%add3A_593] : memref<163840xf32, #tpu.memory_space<vmem_shared>> -> memref<640xf32, #tpu.memory_space<vmem_shared>>
    tpu.wait_dma2 semaphore(%arg15 : memref<!tpu.dma_semaphore, #tpu.memory_space<semaphore_mem>>) src(%dma_wait3A_751 : memref<640xf32, #tpu.memory_space<vmem_shared>>) dst(%dma_wait3A_750 : memref<640xf32, #tpu.memory_space<vmem>>)
    %dma_wait3A_752 = arith.constant 1280 : i32
    %dma_wait3A_753 = tpu.memref_slice %arg11[%dma_wait3A_752] : memref<10240xf32, #tpu.memory_space<vmem>> -> memref<640xf32, #tpu.memory_space<vmem>>
    %dma_wait3A_754 = tpu.memref_slice %arg16[%add3A_603] : memref<163840xf32, #tpu.memory_space<vmem_shared>> -> memref<640xf32, #tpu.memory_space<vmem_shared>>
    %dma_wait3A_755 = arith.constant 1280 : i32
    %dma_wait3A_756 = tpu.memref_slice %arg11[%dma_wait3A_755] : memref<10240xf32, #tpu.memory_space<vmem>> -> memref<640xf32, #tpu.memory_space<vmem>>
    %dma_wait3A_757 = tpu.memref_slice %arg16[%add3A_603] : memref<163840xf32, #tpu.memory_space<vmem_shared>> -> memref<640xf32, #tpu.memory_space<vmem_shared>>
    tpu.wait_dma2 semaphore(%arg15 : memref<!tpu.dma_semaphore, #tpu.memory_space<semaphore_mem>>) src(%dma_wait3A_757 : memref<640xf32, #tpu.memory_space<vmem_shared>>) dst(%dma_wait3A_756 : memref<640xf32, #tpu.memory_space<vmem>>)
    %dma_wait3A_758 = arith.constant 1920 : i32
    %dma_wait3A_759 = tpu.memref_slice %arg11[%dma_wait3A_758] : memref<10240xf32, #tpu.memory_space<vmem>> -> memref<640xf32, #tpu.memory_space<vmem>>
    %dma_wait3A_760 = tpu.memref_slice %arg16[%add3A_613] : memref<163840xf32, #tpu.memory_space<vmem_shared>> -> memref<640xf32, #tpu.memory_space<vmem_shared>>
    %dma_wait3A_761 = arith.constant 1920 : i32
    %dma_wait3A_762 = tpu.memref_slice %arg11[%dma_wait3A_761] : memref<10240xf32, #tpu.memory_space<vmem>> -> memref<640xf32, #tpu.memory_space<vmem>>
    %dma_wait3A_763 = tpu.memref_slice %arg16[%add3A_613] : memref<163840xf32, #tpu.memory_space<vmem_shared>> -> memref<640xf32, #tpu.memory_space<vmem_shared>>
    tpu.wait_dma2 semaphore(%arg15 : memref<!tpu.dma_semaphore, #tpu.memory_space<semaphore_mem>>) src(%dma_wait3A_763 : memref<640xf32, #tpu.memory_space<vmem_shared>>) dst(%dma_wait3A_762 : memref<640xf32, #tpu.memory_space<vmem>>)
    %dma_wait3A_764 = arith.constant 2560 : i32
    %dma_wait3A_765 = tpu.memref_slice %arg11[%dma_wait3A_764] : memref<10240xf32, #tpu.memory_space<vmem>> -> memref<640xf32, #tpu.memory_space<vmem>>
    %dma_wait3A_766 = tpu.memref_slice %arg16[%add3A_623] : memref<163840xf32, #tpu.memory_space<vmem_shared>> -> memref<640xf32, #tpu.memory_space<vmem_shared>>
    %dma_wait3A_767 = arith.constant 2560 : i32
    %dma_wait3A_768 = tpu.memref_slice %arg11[%dma_wait3A_767] : memref<10240xf32, #tpu.memory_space<vmem>> -> memref<640xf32, #tpu.memory_space<vmem>>
    %dma_wait3A_769 = tpu.memref_slice %arg16[%add3A_623] : memref<163840xf32, #tpu.memory_space<vmem_shared>> -> memref<640xf32, #tpu.memory_space<vmem_shared>>
    tpu.wait_dma2 semaphore(%arg15 : memref<!tpu.dma_semaphore, #tpu.memory_space<semaphore_mem>>) src(%dma_wait3A_769 : memref<640xf32, #tpu.memory_space<vmem_shared>>) dst(%dma_wait3A_768 : memref<640xf32, #tpu.memory_space<vmem>>)
    %dma_wait3A_770 = arith.constant 3200 : i32
    %dma_wait3A_771 = tpu.memref_slice %arg11[%dma_wait3A_770] : memref<10240xf32, #tpu.memory_space<vmem>> -> memref<640xf32, #tpu.memory_space<vmem>>
    %dma_wait3A_772 = tpu.memref_slice %arg16[%add3A_633] : memref<163840xf32, #tpu.memory_space<vmem_shared>> -> memref<640xf32, #tpu.memory_space<vmem_shared>>
    %dma_wait3A_773 = arith.constant 3200 : i32
    %dma_wait3A_774 = tpu.memref_slice %arg11[%dma_wait3A_773] : memref<10240xf32, #tpu.memory_space<vmem>> -> memref<640xf32, #tpu.memory_space<vmem>>
    %dma_wait3A_775 = tpu.memref_slice %arg16[%add3A_633] : memref<163840xf32, #tpu.memory_space<vmem_shared>> -> memref<640xf32, #tpu.memory_space<vmem_shared>>
    tpu.wait_dma2 semaphore(%arg15 : memref<!tpu.dma_semaphore, #tpu.memory_space<semaphore_mem>>) src(%dma_wait3A_775 : memref<640xf32, #tpu.memory_space<vmem_shared>>) dst(%dma_wait3A_774 : memref<640xf32, #tpu.memory_space<vmem>>)
    %dma_wait3A_776 = arith.constant 3840 : i32
    %dma_wait3A_777 = tpu.memref_slice %arg11[%dma_wait3A_776] : memref<10240xf32, #tpu.memory_space<vmem>> -> memref<640xf32, #tpu.memory_space<vmem>>
    %dma_wait3A_778 = tpu.memref_slice %arg16[%add3A_643] : memref<163840xf32, #tpu.memory_space<vmem_shared>> -> memref<640xf32, #tpu.memory_space<vmem_shared>>
    %dma_wait3A_779 = arith.constant 3840 : i32
    %dma_wait3A_780 = tpu.memref_slice %arg11[%dma_wait3A_779] : memref<10240xf32, #tpu.memory_space<vmem>> -> memref<640xf32, #tpu.memory_space<vmem>>
    %dma_wait3A_781 = tpu.memref_slice %arg16[%add3A_643] : memref<163840xf32, #tpu.memory_space<vmem_shared>> -> memref<640xf32, #tpu.memory_space<vmem_shared>>
    tpu.wait_dma2 semaphore(%arg15 : memref<!tpu.dma_semaphore, #tpu.memory_space<semaphore_mem>>) src(%dma_wait3A_781 : memref<640xf32, #tpu.memory_space<vmem_shared>>) dst(%dma_wait3A_780 : memref<640xf32, #tpu.memory_space<vmem>>)
    %dma_wait3A_782 = arith.constant 4480 : i32
    %dma_wait3A_783 = tpu.memref_slice %arg11[%dma_wait3A_782] : memref<10240xf32, #tpu.memory_space<vmem>> -> memref<640xf32, #tpu.memory_space<vmem>>
    %dma_wait3A_784 = tpu.memref_slice %arg16[%add3A_653] : memref<163840xf32, #tpu.memory_space<vmem_shared>> -> memref<640xf32, #tpu.memory_space<vmem_shared>>
    %dma_wait3A_785 = arith.constant 4480 : i32
    %dma_wait3A_786 = tpu.memref_slice %arg11[%dma_wait3A_785] : memref<10240xf32, #tpu.memory_space<vmem>> -> memref<640xf32, #tpu.memory_space<vmem>>
    %dma_wait3A_787 = tpu.memref_slice %arg16[%add3A_653] : memref<163840xf32, #tpu.memory_space<vmem_shared>> -> memref<640xf32, #tpu.memory_space<vmem_shared>>
    tpu.wait_dma2 semaphore(%arg15 : memref<!tpu.dma_semaphore, #tpu.memory_space<semaphore_mem>>) src(%dma_wait3A_787 : memref<640xf32, #tpu.memory_space<vmem_shared>>) dst(%dma_wait3A_786 : memref<640xf32, #tpu.memory_space<vmem>>)
    %dma_wait3A_788 = arith.constant 5120 : i32
    %dma_wait3A_789 = tpu.memref_slice %arg11[%dma_wait3A_788] : memref<10240xf32, #tpu.memory_space<vmem>> -> memref<640xf32, #tpu.memory_space<vmem>>
    %dma_wait3A_790 = tpu.memref_slice %arg16[%add3A_663] : memref<163840xf32, #tpu.memory_space<vmem_shared>> -> memref<640xf32, #tpu.memory_space<vmem_shared>>
    %dma_wait3A_791 = arith.constant 5120 : i32
    %dma_wait3A_792 = tpu.memref_slice %arg11[%dma_wait3A_791] : memref<10240xf32, #tpu.memory_space<vmem>> -> memref<640xf32, #tpu.memory_space<vmem>>
    %dma_wait3A_793 = tpu.memref_slice %arg16[%add3A_663] : memref<163840xf32, #tpu.memory_space<vmem_shared>> -> memref<640xf32, #tpu.memory_space<vmem_shared>>
    tpu.wait_dma2 semaphore(%arg15 : memref<!tpu.dma_semaphore, #tpu.memory_space<semaphore_mem>>) src(%dma_wait3A_793 : memref<640xf32, #tpu.memory_space<vmem_shared>>) dst(%dma_wait3A_792 : memref<640xf32, #tpu.memory_space<vmem>>)
    %dma_wait3A_794 = arith.constant 5760 : i32
    %dma_wait3A_795 = tpu.memref_slice %arg11[%dma_wait3A_794] : memref<10240xf32, #tpu.memory_space<vmem>> -> memref<640xf32, #tpu.memory_space<vmem>>
    %dma_wait3A_796 = tpu.memref_slice %arg16[%add3A_673] : memref<163840xf32, #tpu.memory_space<vmem_shared>> -> memref<640xf32, #tpu.memory_space<vmem_shared>>
    %dma_wait3A_797 = arith.constant 5760 : i32
    %dma_wait3A_798 = tpu.memref_slice %arg11[%dma_wait3A_797] : memref<10240xf32, #tpu.memory_space<vmem>> -> memref<640xf32, #tpu.memory_space<vmem>>
    %dma_wait3A_799 = tpu.memref_slice %arg16[%add3A_673] : memref<163840xf32, #tpu.memory_space<vmem_shared>> -> memref<640xf32, #tpu.memory_space<vmem_shared>>
    tpu.wait_dma2 semaphore(%arg15 : memref<!tpu.dma_semaphore, #tpu.memory_space<semaphore_mem>>) src(%dma_wait3A_799 : memref<640xf32, #tpu.memory_space<vmem_shared>>) dst(%dma_wait3A_798 : memref<640xf32, #tpu.memory_space<vmem>>)
    %dma_wait3A_800 = arith.constant 6400 : i32
    %dma_wait3A_801 = tpu.memref_slice %arg11[%dma_wait3A_800] : memref<10240xf32, #tpu.memory_space<vmem>> -> memref<640xf32, #tpu.memory_space<vmem>>
    %dma_wait3A_802 = tpu.memref_slice %arg16[%add3A_683] : memref<163840xf32, #tpu.memory_space<vmem_shared>> -> memref<640xf32, #tpu.memory_space<vmem_shared>>
    %dma_wait3A_803 = arith.constant 6400 : i32
    %dma_wait3A_804 = tpu.memref_slice %arg11[%dma_wait3A_803] : memref<10240xf32, #tpu.memory_space<vmem>> -> memref<640xf32, #tpu.memory_space<vmem>>
    %dma_wait3A_805 = tpu.memref_slice %arg16[%add3A_683] : memref<163840xf32, #tpu.memory_space<vmem_shared>> -> memref<640xf32, #tpu.memory_space<vmem_shared>>
    tpu.wait_dma2 semaphore(%arg15 : memref<!tpu.dma_semaphore, #tpu.memory_space<semaphore_mem>>) src(%dma_wait3A_805 : memref<640xf32, #tpu.memory_space<vmem_shared>>) dst(%dma_wait3A_804 : memref<640xf32, #tpu.memory_space<vmem>>)
    %dma_wait3A_806 = arith.constant 7040 : i32
    %dma_wait3A_807 = tpu.memref_slice %arg11[%dma_wait3A_806] : memref<10240xf32, #tpu.memory_space<vmem>> -> memref<640xf32, #tpu.memory_space<vmem>>
    %dma_wait3A_808 = tpu.memref_slice %arg16[%add3A_693] : memref<163840xf32, #tpu.memory_space<vmem_shared>> -> memref<640xf32, #tpu.memory_space<vmem_shared>>
    %dma_wait3A_809 = arith.constant 7040 : i32
    %dma_wait3A_810 = tpu.memref_slice %arg11[%dma_wait3A_809] : memref<10240xf32, #tpu.memory_space<vmem>> -> memref<640xf32, #tpu.memory_space<vmem>>
    %dma_wait3A_811 = tpu.memref_slice %arg16[%add3A_693] : memref<163840xf32, #tpu.memory_space<vmem_shared>> -> memref<640xf32, #tpu.memory_space<vmem_shared>>
    tpu.wait_dma2 semaphore(%arg15 : memref<!tpu.dma_semaphore, #tpu.memory_space<semaphore_mem>>) src(%dma_wait3A_811 : memref<640xf32, #tpu.memory_space<vmem_shared>>) dst(%dma_wait3A_810 : memref<640xf32, #tpu.memory_space<vmem>>)
    %dma_wait3A_812 = arith.constant 7680 : i32
    %dma_wait3A_813 = tpu.memref_slice %arg11[%dma_wait3A_812] : memref<10240xf32, #tpu.memory_space<vmem>> -> memref<640xf32, #tpu.memory_space<vmem>>
    %dma_wait3A_814 = tpu.memref_slice %arg16[%add3A_703] : memref<163840xf32, #tpu.memory_space<vmem_shared>> -> memref<640xf32, #tpu.memory_space<vmem_shared>>
    %dma_wait3A_815 = arith.constant 7680 : i32
    %dma_wait3A_816 = tpu.memref_slice %arg11[%dma_wait3A_815] : memref<10240xf32, #tpu.memory_space<vmem>> -> memref<640xf32, #tpu.memory_space<vmem>>
    %dma_wait3A_817 = tpu.memref_slice %arg16[%add3A_703] : memref<163840xf32, #tpu.memory_space<vmem_shared>> -> memref<640xf32, #tpu.memory_space<vmem_shared>>
    tpu.wait_dma2 semaphore(%arg15 : memref<!tpu.dma_semaphore, #tpu.memory_space<semaphore_mem>>) src(%dma_wait3A_817 : memref<640xf32, #tpu.memory_space<vmem_shared>>) dst(%dma_wait3A_816 : memref<640xf32, #tpu.memory_space<vmem>>)
    %dma_wait3A_818 = arith.constant 8320 : i32
    %dma_wait3A_819 = tpu.memref_slice %arg11[%dma_wait3A_818] : memref<10240xf32, #tpu.memory_space<vmem>> -> memref<640xf32, #tpu.memory_space<vmem>>
    %dma_wait3A_820 = tpu.memref_slice %arg16[%add3A_713] : memref<163840xf32, #tpu.memory_space<vmem_shared>> -> memref<640xf32, #tpu.memory_space<vmem_shared>>
    %dma_wait3A_821 = arith.constant 8320 : i32
    %dma_wait3A_822 = tpu.memref_slice %arg11[%dma_wait3A_821] : memref<10240xf32, #tpu.memory_space<vmem>> -> memref<640xf32, #tpu.memory_space<vmem>>
    %dma_wait3A_823 = tpu.memref_slice %arg16[%add3A_713] : memref<163840xf32, #tpu.memory_space<vmem_shared>> -> memref<640xf32, #tpu.memory_space<vmem_shared>>
    tpu.wait_dma2 semaphore(%arg15 : memref<!tpu.dma_semaphore, #tpu.memory_space<semaphore_mem>>) src(%dma_wait3A_823 : memref<640xf32, #tpu.memory_space<vmem_shared>>) dst(%dma_wait3A_822 : memref<640xf32, #tpu.memory_space<vmem>>)
    %dma_wait3A_824 = arith.constant 8960 : i32
    %dma_wait3A_825 = tpu.memref_slice %arg11[%dma_wait3A_824] : memref<10240xf32, #tpu.memory_space<vmem>> -> memref<640xf32, #tpu.memory_space<vmem>>
    %dma_wait3A_826 = tpu.memref_slice %arg16[%add3A_723] : memref<163840xf32, #tpu.memory_space<vmem_shared>> -> memref<640xf32, #tpu.memory_space<vmem_shared>>
    %dma_wait3A_827 = arith.constant 8960 : i32
    %dma_wait3A_828 = tpu.memref_slice %arg11[%dma_wait3A_827] : memref<10240xf32, #tpu.memory_space<vmem>> -> memref<640xf32, #tpu.memory_space<vmem>>
    %dma_wait3A_829 = tpu.memref_slice %arg16[%add3A_723] : memref<163840xf32, #tpu.memory_space<vmem_shared>> -> memref<640xf32, #tpu.memory_space<vmem_shared>>
    tpu.wait_dma2 semaphore(%arg15 : memref<!tpu.dma_semaphore, #tpu.memory_space<semaphore_mem>>) src(%dma_wait3A_829 : memref<640xf32, #tpu.memory_space<vmem_shared>>) dst(%dma_wait3A_828 : memref<640xf32, #tpu.memory_space<vmem>>)
    %dma_wait3A_830 = arith.constant 9600 : i32
    %dma_wait3A_831 = tpu.memref_slice %arg11[%dma_wait3A_830] : memref<10240xf32, #tpu.memory_space<vmem>> -> memref<640xf32, #tpu.memory_space<vmem>>
    %dma_wait3A_832 = tpu.memref_slice %arg16[%add3A_733] : memref<163840xf32, #tpu.memory_space<vmem_shared>> -> memref<640xf32, #tpu.memory_space<vmem_shared>>
    %dma_wait3A_833 = arith.constant 9600 : i32
    %dma_wait3A_834 = tpu.memref_slice %arg11[%dma_wait3A_833] : memref<10240xf32, #tpu.memory_space<vmem>> -> memref<640xf32, #tpu.memory_space<vmem>>
    %dma_wait3A_835 = tpu.memref_slice %arg16[%add3A_733] : memref<163840xf32, #tpu.memory_space<vmem_shared>> -> memref<640xf32, #tpu.memory_space<vmem_shared>>
    tpu.wait_dma2 semaphore(%arg15 : memref<!tpu.dma_semaphore, #tpu.memory_space<semaphore_mem>>) src(%dma_wait3A_835 : memref<640xf32, #tpu.memory_space<vmem_shared>>) dst(%dma_wait3A_834 : memref<640xf32, #tpu.memory_space<vmem>>)
    %parallel_loop3A_836 = arith.constant 0 : i32
    %parallel_loop3A_837 = arith.constant 640 : i32
    %parallel_loop3A_838 = arith.constant 16 : i32
    scf.for %parallel_loop3A_844 = %parallel_loop3A_836 to %parallel_loop3A_837 step %parallel_loop3A_838  : i32 {
      %parallel_loop3A_845 = arith.index_cast %parallel_loop3A_844 : i32 to index
      %parallel_loop3A_846 = tpu.vector_load %arg11[%parallel_loop3A_845] {strides = array<i32>} : memref<10240xf32, #tpu.memory_space<vmem>>, vector<16xf32>,
      %parallel_loop3A_847 = arith.constant 640 : i32
      %parallel_loop3A_848 = arith.addi %parallel_loop3A_847, %parallel_loop3A_844 : i32
      %parallel_loop3A_849 = arith.index_cast %parallel_loop3A_848 : i32 to index
      %parallel_loop3A_850 = tpu.vector_load %arg11[%parallel_loop3A_849] {strides = array<i32>} : memref<10240xf32, #tpu.memory_space<vmem>>, vector<16xf32>,
      %parallel_loop3A_851 = arith.addf %parallel_loop3A_846, %parallel_loop3A_850 : vector<16xf32>
      %parallel_loop3A_852 = arith.constant 1280 : i32
      %parallel_loop3A_853 = arith.addi %parallel_loop3A_852, %parallel_loop3A_844 : i32
      %parallel_loop3A_854 = arith.index_cast %parallel_loop3A_853 : i32 to index
      %parallel_loop3A_855 = tpu.vector_load %arg11[%parallel_loop3A_854] {strides = array<i32>} : memref<10240xf32, #tpu.memory_space<vmem>>, vector<16xf32>,
      %parallel_loop3A_856 = arith.addf %parallel_loop3A_851, %parallel_loop3A_855 : vector<16xf32>
      %parallel_loop3A_857 = arith.constant 1920 : i32
      %parallel_loop3A_858 = arith.addi %parallel_loop3A_857, %parallel_loop3A_844 : i32
      %parallel_loop3A_859 = arith.index_cast %parallel_loop3A_858 : i32 to index
      %parallel_loop3A_860 = tpu.vector_load %arg11[%parallel_loop3A_859] {strides = array<i32>} : memref<10240xf32, #tpu.memory_space<vmem>>, vector<16xf32>,
      %parallel_loop3A_861 = arith.addf %parallel_loop3A_856, %parallel_loop3A_860 : vector<16xf32>
      %parallel_loop3A_862 = arith.constant 2560 : i32
      %parallel_loop3A_863 = arith.addi %parallel_loop3A_862, %parallel_loop3A_844 : i32
      %parallel_loop3A_864 = arith.index_cast %parallel_loop3A_863 : i32 to index
      %parallel_loop3A_865 = tpu.vector_load %arg11[%parallel_loop3A_864] {strides = array<i32>} : memref<10240xf32, #tpu.memory_space<vmem>>, vector<16xf32>,
      %parallel_loop3A_866 = arith.addf %parallel_loop3A_861, %parallel_loop3A_865 : vector<16xf32>
      %parallel_loop3A_867 = arith.constant 3200 : i32
      %parallel_loop3A_868 = arith.addi %parallel_loop3A_867, %parallel_loop3A_844 : i32
      %parallel_loop3A_869 = arith.index_cast %parallel_loop3A_868 : i32 to index
      %parallel_loop3A_870 = tpu.vector_load %arg11[%parallel_loop3A_869] {strides = array<i32>} : memref<10240xf32, #tpu.memory_space<vmem>>, vector<16xf32>,
      %parallel_loop3A_871 = arith.addf %parallel_loop3A_866, %parallel_loop3A_870 : vector<16xf32>
      %parallel_loop3A_872 = arith.constant 3840 : i32
      %parallel_loop3A_873 = arith.addi %parallel_loop3A_872, %parallel_loop3A_844 : i32
      %parallel_loop3A_874 = arith.index_cast %parallel_loop3A_873 : i32 to index
      %parallel_loop3A_875 = tpu.vector_load %arg11[%parallel_loop3A_874] {strides = array<i32>} : memref<10240xf32, #tpu.memory_space<vmem>>, vector<16xf32>,
      %parallel_loop3A_876 = arith.addf %parallel_loop3A_871, %parallel_loop3A_875 : vector<16xf32>
      %parallel_loop3A_877 = arith.constant 4480 : i32
      %parallel_loop3A_878 = arith.addi %parallel_loop3A_877, %parallel_loop3A_844 : i32
      %parallel_loop3A_879 = arith.index_cast %parallel_loop3A_878 : i32 to index
      %parallel_loop3A_880 = tpu.vector_load %arg11[%parallel_loop3A_879] {strides = array<i32>} : memref<10240xf32, #tpu.memory_space<vmem>>, vector<16xf32>,
      %parallel_loop3A_881 = arith.addf %parallel_loop3A_876, %parallel_loop3A_880 : vector<16xf32>
      %parallel_loop3A_882 = arith.constant 5120 : i32
      %parallel_loop3A_883 = arith.addi %parallel_loop3A_882, %parallel_loop3A_844 : i32
      %parallel_loop3A_884 = arith.index_cast %parallel_loop3A_883 : i32 to index
      %parallel_loop3A_885 = tpu.vector_load %arg11[%parallel_loop3A_884] {strides = array<i32>} : memref<10240xf32, #tpu.memory_space<vmem>>, vector<16xf32>,
      %parallel_loop3A_886 = arith.addf %parallel_loop3A_881, %parallel_loop3A_885 : vector<16xf32>
      %parallel_loop3A_887 = arith.constant 5760 : i32
      %parallel_loop3A_888 = arith.addi %parallel_loop3A_887, %parallel_loop3A_844 : i32
      %parallel_loop3A_889 = arith.index_cast %parallel_loop3A_888 : i32 to index
      %parallel_loop3A_890 = tpu.vector_load %arg11[%parallel_loop3A_889] {strides = array<i32>} : memref<10240xf32, #tpu.memory_space<vmem>>, vector<16xf32>,
      %parallel_loop3A_891 = arith.addf %parallel_loop3A_886, %parallel_loop3A_890 : vector<16xf32>
      %parallel_loop3A_892 = arith.constant 6400 : i32
      %parallel_loop3A_893 = arith.addi %parallel_loop3A_892, %parallel_loop3A_844 : i32
      %parallel_loop3A_894 = arith.index_cast %parallel_loop3A_893 : i32 to index
      %parallel_loop3A_895 = tpu.vector_load %arg11[%parallel_loop3A_894] {strides = array<i32>} : memref<10240xf32, #tpu.memory_space<vmem>>, vector<16xf32>,
      %parallel_loop3A_896 = arith.addf %parallel_loop3A_891, %parallel_loop3A_895 : vector<16xf32>
      %parallel_loop3A_897 = arith.constant 7040 : i32
      %parallel_loop3A_898 = arith.addi %parallel_loop3A_897, %parallel_loop3A_844 : i32
      %parallel_loop3A_899 = arith.index_cast %parallel_loop3A_898 : i32 to index
      %parallel_loop3A_900 = tpu.vector_load %arg11[%parallel_loop3A_899] {strides = array<i32>} : memref<10240xf32, #tpu.memory_space<vmem>>, vector<16xf32>,
      %parallel_loop3A_901 = arith.addf %parallel_loop3A_896, %parallel_loop3A_900 : vector<16xf32>
      %parallel_loop3A_902 = arith.constant 7680 : i32
      %parallel_loop3A_903 = arith.addi %parallel_loop3A_902, %parallel_loop3A_844 : i32
      %parallel_loop3A_904 = arith.index_cast %parallel_loop3A_903 : i32 to index
      %parallel_loop3A_905 = tpu.vector_load %arg11[%parallel_loop3A_904] {strides = array<i32>} : memref<10240xf32, #tpu.memory_space<vmem>>, vector<16xf32>,
      %parallel_loop3A_906 = arith.addf %parallel_loop3A_901, %parallel_loop3A_905 : vector<16xf32>
      %parallel_loop3A_907 = arith.constant 8320 : i32
      %parallel_loop3A_908 = arith.addi %parallel_loop3A_907, %parallel_loop3A_844 : i32
      %parallel_loop3A_909 = arith.index_cast %parallel_loop3A_908 : i32 to index
      %parallel_loop3A_910 = tpu.vector_load %arg11[%parallel_loop3A_909] {strides = array<i32>} : memref<10240xf32, #tpu.memory_space<vmem>>, vector<16xf32>,
      %parallel_loop3A_911 = arith.addf %parallel_loop3A_906, %parallel_loop3A_910 : vector<16xf32>
      %parallel_loop3A_912 = arith.constant 8960 : i32
      %parallel_loop3A_913 = arith.addi %parallel_loop3A_912, %parallel_loop3A_844 : i32
      %parallel_loop3A_914 = arith.index_cast %parallel_loop3A_913 : i32 to index
      %parallel_loop3A_915 = tpu.vector_load %arg11[%parallel_loop3A_914] {strides = array<i32>} : memref<10240xf32, #tpu.memory_space<vmem>>, vector<16xf32>,
      %parallel_loop3A_916 = arith.addf %parallel_loop3A_911, %parallel_loop3A_915 : vector<16xf32>
      %parallel_loop3A_917 = arith.constant 9600 : i32
      %parallel_loop3A_918 = arith.addi %parallel_loop3A_917, %parallel_loop3A_844 : i32
      %parallel_loop3A_919 = arith.index_cast %parallel_loop3A_918 : i32 to index
      %parallel_loop3A_920 = tpu.vector_load %arg11[%parallel_loop3A_919] {strides = array<i32>} : memref<10240xf32, #tpu.memory_space<vmem>>, vector<16xf32>,
      %parallel_loop3A_921 = arith.addf %parallel_loop3A_916, %parallel_loop3A_920 : vector<16xf32>
      %parallel_loop3A_922 = arith.index_cast %parallel_loop3A_844 : i32 to index
      %parallel_loop3A_923 = tpu.vector_load %arg12[%parallel_loop3A_922] {strides = array<i32>} : memref<640xf32, #tpu.memory_space<vmem>>, vector<16xf32>,
      tpu.vector_store %arg12[%parallel_loop3A_922], %parallel_loop3A_921 {strides = array<i32>} : memref<640xf32, #tpu.memory_space<vmem>>, vector<16xf32>,
    } {sc.loop_unroll_factor = 4 : i64, sc.parallel_access}
    %parallel_loop3A_839 = arith.constant 0 : i32
    %parallel_loop3A_840 = arith.constant 640 : i32
    %parallel_loop3A_841 = arith.constant 16 : i32
    scf.for %parallel_loop3A_844 = %parallel_loop3A_839 to %parallel_loop3A_840 step %parallel_loop3A_841  : i32 {
      %parallel_loop3A_845 = arith.index_cast %parallel_loop3A_844 : i32 to index
      %parallel_loop3A_846 = tpu.vector_load %arg12[%parallel_loop3A_845] {strides = array<i32>} : memref<640xf32, #tpu.memory_space<vmem>>, vector<16xf32>,
      %parallel_loop3A_847 = arith.constant 0.000000e+00 : f32
      %parallel_loop3A_848 = vector.broadcast %parallel_loop3A_847 : f32 to vector<16xf32>
      %parallel_loop3A_849 = arith.subf %parallel_loop3A_848, %parallel_loop3A_846 : vector<16xf32>
      %parallel_loop3A_850 = arith.index_cast %parallel_loop3A_844 : i32 to index
      %parallel_loop3A_851 = tpu.vector_load %arg12[%parallel_loop3A_850] {strides = array<i32>} : memref<640xf32, #tpu.memory_space<vmem>>, vector<16xf32>,
      tpu.vector_store %arg12[%parallel_loop3A_850], %parallel_loop3A_849 {strides = array<i32>} : memref<640xf32, #tpu.memory_space<vmem>>, vector<16xf32>,
    } {sc.loop_unroll_factor = 4 : i64, sc.parallel_access}
    %mul3A_842 = arith.constant 640 : i32
    %mul3A_843 = arith.muli %arg1, %mul3A_842 : i32
    "tpu.region"() ({
      %run_scoped3A = tpu.sem_alloc : memref<!tpu.dma_semaphore, #tpu.memory_space<semaphore_mem>>
      %dma_start3A_844 = tpu.memref_slice %arg5[%mul3A_843] : memref<10240xf32, #tpu.memory_space<hbm>> -> memref<640xf32, #tpu.memory_space<hbm>>
      %dma_start3A_845 = tpu.memref_slice %arg5[%mul3A_843] : memref<10240xf32, #tpu.memory_space<hbm>> -> memref<640xf32, #tpu.memory_space<hbm>>
      tpu.enqueue_dma source(%arg12 : memref<640xf32, #tpu.memory_space<vmem>>) target(%dma_start3A_845 : memref<640xf32, #tpu.memory_space<hbm>>) target_semaphore(%run_scoped3A : memref<!tpu.dma_semaphore, #tpu.memory_space<semaphore_mem>>)
      %dma_wait3A_846 = tpu.memref_slice %arg5[%mul3A_843] : memref<10240xf32, #tpu.memory_space<hbm>> -> memref<640xf32, #tpu.memory_space<hbm>>
      %dma_wait3A_847 = tpu.memref_slice %arg5[%mul3A_843] : memref<10240xf32, #tpu.memory_space<hbm>> -> memref<640xf32, #tpu.memory_space<hbm>>
      tpu.wait_dma2 semaphore(%run_scoped3A : memref<!tpu.dma_semaphore, #tpu.memory_space<semaphore_mem>>) src(%arg12 : memref<640xf32, #tpu.memory_space<vmem>>) dst(%dma_wait3A_847 : memref<640xf32, #tpu.memory_space<hbm>>)
      tpu.yield
    }) : () -> ()
    return
  }
}

module attributes {stable_mosaic.version = 14 : i64} {
  func.func @_hmat_body(%arg0: i32, %arg1: memref<2000x3xf32, #tpu.memory_space<vmem>>, %arg2: memref<3x128xf32, #tpu.memory_space<vmem>>, %arg3: memref<1x128xf32, #tpu.memory_space<vmem>>, %arg4: memref<2000x128xf32, #tpu.memory_space<vmem>>) attributes {dimension_semantics = [#tpu.dimension_semantics<arbitrary>], iteration_bounds = array<i64: 5>, scalar_prefetch = 0 : i64, scratch_operands = 0 : i64, tpu.core_type = #tpu.core_type<tc>, window_params = [{transform_indices = @transform_0, window_bounds = array<i64: 2000, 3>}, {pipeline_mode = #tpu.pipeline_mode<synchronous>, transform_indices = @transform_1, window_bounds = array<i64: 3, 128>}, {pipeline_mode = #tpu.pipeline_mode<synchronous>, transform_indices = @transform_2, window_bounds = array<i64: 1, 128>}, {transform_indices = @transform_3, window_bounds = array<i64: 2000, 128>}]} {
    %get3A = arith.constant 0 : index
    %get3A_0 = arith.constant 0 : index
    %get3A_1 = vector.load %arg1[%get3A, %get3A_0] : memref<2000x3xf32, #tpu.memory_space<vmem>>, vector<2000x1xf32>
    %get3A_2 = arith.constant 0 : index
    %get3A_3 = arith.constant 0 : index
    %get3A_4 = vector.load %arg2[%get3A_2, %get3A_3] : memref<3x128xf32, #tpu.memory_space<vmem>>, vector<1x128xf32>
    %mul3A = vector.broadcast %get3A_1 : vector<2000x1xf32> to vector<2000x128xf32>
    %mul3A_5 = vector.broadcast %get3A_4 : vector<1x128xf32> to vector<2000x128xf32>
    %mul3A_6 = arith.mulf %mul3A, %mul3A_5 : vector<2000x128xf32>
    %get3A_7 = arith.constant 0 : index
    %get3A_8 = arith.constant 1 : index
    %get3A_9 = vector.load %arg1[%get3A_7, %get3A_8] : memref<2000x3xf32, #tpu.memory_space<vmem>>, vector<2000x1xf32>
    %get3A_10 = arith.constant 1 : index
    %get3A_11 = arith.constant 0 : index
    %get3A_12 = vector.load %arg2[%get3A_10, %get3A_11] : memref<3x128xf32, #tpu.memory_space<vmem>>, vector<1x128xf32>
    %mul3A_13 = vector.broadcast %get3A_9 : vector<2000x1xf32> to vector<2000x128xf32>
    %mul3A_14 = vector.broadcast %get3A_12 : vector<1x128xf32> to vector<2000x128xf32>
    %mul3A_15 = arith.mulf %mul3A_13, %mul3A_14 : vector<2000x128xf32>
    %add3A = arith.addf %mul3A_6, %mul3A_15 : vector<2000x128xf32>
    %get3A_16 = arith.constant 0 : index
    %get3A_17 = arith.constant 2 : index
    %get3A_18 = vector.load %arg1[%get3A_16, %get3A_17] : memref<2000x3xf32, #tpu.memory_space<vmem>>, vector<2000x1xf32>
    %get3A_19 = arith.constant 2 : index
    %get3A_20 = arith.constant 0 : index
    %get3A_21 = vector.load %arg2[%get3A_19, %get3A_20] : memref<3x128xf32, #tpu.memory_space<vmem>>, vector<1x128xf32>
    %mul3A_22 = vector.broadcast %get3A_18 : vector<2000x1xf32> to vector<2000x128xf32>
    %mul3A_23 = vector.broadcast %get3A_21 : vector<1x128xf32> to vector<2000x128xf32>
    %mul3A_24 = arith.mulf %mul3A_22, %mul3A_23 : vector<2000x128xf32>
    %add3A_25 = arith.addf %add3A, %mul3A_24 : vector<2000x128xf32>
    %get3A_26 = arith.constant 0 : index
    %get3A_27 = arith.constant 0 : index
    %get3A_28 = vector.load %arg3[%get3A_26, %get3A_27] : memref<1x128xf32, #tpu.memory_space<vmem>>, vector<1x128xf32>
    %add3A_29 = vector.broadcast %get3A_28 : vector<1x128xf32> to vector<2000x128xf32>
    %add3A_30 = arith.addf %add3A_25, %add3A_29 : vector<2000x128xf32>
    %max3A = arith.constant 0.000000e+00 : f32
    %max3A_31 = vector.broadcast %max3A : f32 to vector<2000x128xf32>
    %max3A_32 = arith.maximumf %add3A_30, %max3A_31 : vector<2000x128xf32>
    %swap3A = arith.constant 0 : index
    %swap3A_33 = arith.constant 0 : index
    %swap3A_34 = vector.load %arg4[%swap3A, %swap3A_33] : memref<2000x128xf32, #tpu.memory_space<vmem>>, vector<2000x128xf32>
    tpu.vector_store %arg4[%swap3A, %swap3A_33], %max3A_32 {strides = array<i32>} : memref<2000x128xf32, #tpu.memory_space<vmem>>, vector<2000x128xf32>,
    return
  }
  func.func @transform_0(%arg0: i32) -> (i32, i32) {
    %c0_i32 = arith.constant 0 : i32
    %c0_i32_0 = arith.constant 0 : i32
    return %arg0, %c0_i32 : i32, i32
  }
  func.func @transform_1(%arg0: i32) -> (i32, i32) {
    %c0_i32 = arith.constant 0 : i32
    %c0_i32_0 = arith.constant 0 : i32
    %c0_i32_1 = arith.constant 0 : i32
    return %c0_i32, %c0_i32_0 : i32, i32
  }
  func.func @transform_2(%arg0: i32) -> (i32, i32) {
    %c0_i32 = arith.constant 0 : i32
    %c0_i32_0 = arith.constant 0 : i32
    %c0_i32_1 = arith.constant 0 : i32
    return %c0_i32, %c0_i32_0 : i32, i32
  }
  func.func @transform_3(%arg0: i32) -> (i32, i32) {
    %c0_i32 = arith.constant 0 : i32
    %c0_i32_0 = arith.constant 0 : i32
    return %arg0, %c0_i32 : i32, i32
  }
}

module attributes {stable_mosaic.version = 14 : i64} {
  func.func @_fc_body(%arg0: i32, %arg1: memref<10x128000xf32, #tpu.memory_space<vmem>>, %arg2: memref<1x128000xf32, #tpu.memory_space<vmem>>, %arg3: memref<10x1xf32, #tpu.memory_space<vmem>>, %arg4: memref<10x1xf32, #tpu.memory_space<vmem>>, %arg5: memref<10x1xf32, #tpu.memory_space<vmem>>) attributes {dimension_semantics = [#tpu.dimension_semantics<arbitrary>], iteration_bounds = array<i64: 10>, scalar_prefetch = 0 : i64, scratch_operands = 1 : i64, tpu.core_type = #tpu.core_type<tc>, window_params = [{transform_indices = @transform_0, window_bounds = array<i64: 10, 128000>}, {transform_indices = @transform_1, window_bounds = array<i64: 1, 128000>}, {pipeline_mode = #tpu.pipeline_mode<synchronous>, transform_indices = @transform_2, window_bounds = array<i64: 10, 1>}, {pipeline_mode = #tpu.pipeline_mode<synchronous>, transform_indices = @transform_3, window_bounds = array<i64: 10, 1>}]} {
    %eq3A = arith.constant 0 : i32
    %eq3A_0 = arith.cmpi eq, %arg0, %eq3A : i32
    %convert_element_type3A = arith.extui %eq3A_0 : i1 to i32
    %cond3A = arith.constant 0 : i32
    %cond3A_1 = arith.cmpi ne, %convert_element_type3A, %cond3A : i32
    scf.if %cond3A_1 {
      %get3A_19 = arith.constant 0 : index
      %get3A_20 = arith.constant 0 : index
      %get3A_21 = vector.load %arg3[%get3A_19, %get3A_20] : memref<10x1xf32, #tpu.memory_space<vmem>>, vector<10x1xf32>
      %swap3A_22 = arith.constant 0 : index
      %swap3A_23 = arith.constant 0 : index
      %swap3A_24 = vector.load %arg5[%swap3A_22, %swap3A_23] : memref<10x1xf32, #tpu.memory_space<vmem>>, vector<10x1xf32>
      tpu.vector_store %arg5[%swap3A_22, %swap3A_23], %get3A_21 {strides = array<i32>} : memref<10x1xf32, #tpu.memory_space<vmem>>, vector<10x1xf32>,
    } else {
    }
    %get3A = arith.constant 0 : index
    %get3A_2 = arith.constant 0 : index
    %get3A_3 = vector.load %arg1[%get3A, %get3A_2] : memref<10x128000xf32, #tpu.memory_space<vmem>>, vector<10x128000xf32>
    %get3A_4 = arith.constant 0 : index
    %get3A_5 = arith.constant 0 : index
    %get3A_6 = vector.load %arg2[%get3A_4, %get3A_5] : memref<1x128000xf32, #tpu.memory_space<vmem>>, vector<1x128000xf32>
    %mul3A = vector.broadcast %get3A_6 : vector<1x128000xf32> to vector<10x128000xf32>
    %mul3A_7 = arith.mulf %get3A_3, %mul3A : vector<10x128000xf32>
    %get3A_8 = arith.constant 0 : index
    %get3A_9 = arith.constant 0 : index
    %get3A_10 = vector.load %arg5[%get3A_8, %get3A_9] : memref<10x1xf32, #tpu.memory_space<vmem>>, vector<10x1xf32>
    %reduce_sum3A = arith.constant dense<0.000000e+00> : vector<10xf32>
    %reduce_sum3A_11 = vector.multi_reduction <add>, %mul3A_7, %reduce_sum3A [1] : vector<10x128000xf32> to vector<10xf32>
    %broadcast_in_dim3A = vector.shape_cast %reduce_sum3A_11 : vector<10xf32> to vector<10x1xf32>
    %add3A = arith.addf %get3A_10, %broadcast_in_dim3A : vector<10x1xf32>
    %swap3A = arith.constant 0 : index
    %swap3A_12 = arith.constant 0 : index
    %swap3A_13 = vector.load %arg5[%swap3A, %swap3A_12] : memref<10x1xf32, #tpu.memory_space<vmem>>, vector<10x1xf32>
    tpu.vector_store %arg5[%swap3A, %swap3A_12], %add3A {strides = array<i32>} : memref<10x1xf32, #tpu.memory_space<vmem>>, vector<10x1xf32>,
    %eq3A_14 = arith.constant 9 : i32
    %eq3A_15 = arith.cmpi eq, %arg0, %eq3A_14 : i32
    %convert_element_type3A_16 = arith.extui %eq3A_15 : i1 to i32
    %cond3A_17 = arith.constant 0 : i32
    %cond3A_18 = arith.cmpi ne, %convert_element_type3A_16, %cond3A_17 : i32
    scf.if %cond3A_18 {
      %get3A_19 = arith.constant 0 : index
      %get3A_20 = arith.constant 0 : index
      %get3A_21 = vector.load %arg5[%get3A_19, %get3A_20] : memref<10x1xf32, #tpu.memory_space<vmem>>, vector<10x1xf32>
      %reduce_max3A = vector.shape_cast %get3A_21 : vector<10x1xf32> to vector<1x10x1xf32>
      %reduce_max3A_22 = arith.constant dense<0xFF800000> : vector<1xf32>
      %reduce_max3A_23 = vector.multi_reduction <maximumf>, %reduce_max3A, %reduce_max3A_22 [1, 2] : vector<1x10x1xf32> to vector<1xf32>
      %reduce_max3A_24 = vector.shape_cast %reduce_max3A_23 : vector<1xf32> to vector<1x1x1xf32>
      %reduce_max3A_25 = vector.extract %reduce_max3A_24[0, 0, 0] : f32 from vector<1x1x1xf32>
      %sub3A = vector.broadcast %reduce_max3A_25 : f32 to vector<10x1xf32>
      %sub3A_26 = arith.subf %get3A_21, %sub3A : vector<10x1xf32>
      %exp3A = math.exp %sub3A_26 : vector<10x1xf32>
      %reduce_sum3A_27 = vector.shape_cast %exp3A : vector<10x1xf32> to vector<1x10x1xf32>
      %reduce_sum3A_28 = arith.constant dense<0.000000e+00> : vector<1xf32>
      %reduce_sum3A_29 = vector.multi_reduction <add>, %reduce_sum3A_27, %reduce_sum3A_28 [1, 2] : vector<1x10x1xf32> to vector<1xf32>
      %reduce_sum3A_30 = vector.shape_cast %reduce_sum3A_29 : vector<1xf32> to vector<1x1x1xf32>
      %reduce_sum3A_31 = vector.extract %reduce_sum3A_30[0, 0, 0] : f32 from vector<1x1x1xf32>
      %sub3A_32 = vector.broadcast %reduce_max3A_25 : f32 to vector<10x1xf32>
      %sub3A_33 = arith.subf %get3A_21, %sub3A_32 : vector<10x1xf32>
      %broadcast_in_dim3A_34 = vector.broadcast %reduce_sum3A_31 : f32 to vector<10x1xf32>
      %log3A = math.log %broadcast_in_dim3A_34 : vector<10x1xf32>
      %sub3A_35 = arith.subf %sub3A_33, %log3A : vector<10x1xf32>
      %swap3A_36 = arith.constant 0 : index
      %swap3A_37 = arith.constant 0 : index
      %swap3A_38 = vector.load %arg4[%swap3A_36, %swap3A_37] : memref<10x1xf32, #tpu.memory_space<vmem>>, vector<10x1xf32>
      tpu.vector_store %arg4[%swap3A_36, %swap3A_37], %sub3A_35 {strides = array<i32>} : memref<10x1xf32, #tpu.memory_space<vmem>>, vector<10x1xf32>,
    } else {
    }
    return
  }
  func.func @transform_0(%arg0: i32) -> (i32, i32) {
    %c0_i32 = arith.constant 0 : i32
    %c0_i32_0 = arith.constant 0 : i32
    return %c0_i32, %arg0 : i32, i32
  }
  func.func @transform_1(%arg0: i32) -> (i32, i32) {
    %c0_i32 = arith.constant 0 : i32
    %c0_i32_0 = arith.constant 0 : i32
    return %c0_i32, %arg0 : i32, i32
  }
  func.func @transform_2(%arg0: i32) -> (i32, i32) {
    %c0_i32 = arith.constant 0 : i32
    %c0_i32_0 = arith.constant 0 : i32
    %c0_i32_1 = arith.constant 0 : i32
    return %c0_i32, %c0_i32_0 : i32, i32
  }
  func.func @transform_3(%arg0: i32) -> (i32, i32) {
    %c0_i32 = arith.constant 0 : i32
    %c0_i32_0 = arith.constant 0 : i32
    %c0_i32_1 = arith.constant 0 : i32
    return %c0_i32, %c0_i32_0 : i32, i32
  }
}

</mosaic_0001>

<sc_bundles>
// kernel: kernel.5.cloned.1.call-start
scs
__scs_entry_jumppad:
0x0: {  	(pc) =	sbr.rel $0x88, $3  }
0x1: {  	(tag) =	ssettag $0x0;
	lr =	simm.s32 $0x1  }
0x2: {  	[smem:$0x3F9B] =	sst lr;
	_ =	strace $0xD0000000  }
0x3: {  	_ = 	snop  }
0x4: {  	_ = 	snop  }
0x5: {  	_ = 	snop  }
0x6: {  	_ = 	snop  }
0x7: {  	_ = 	snop  }
__scs_overlays_trampoline_lowered:
0x8: {  	[smem:$0x3FAA] =	sst s0  }
0x9: {  	[smem:$0x3FAB] =	sst s1  }
0xa: {  	[smem:$0x3FAC] =	sst s2  }
0xb: {  	[smem:$0x3FAD] =	sst s3  }
0xc: {  	[smem:$0x3FAE] =	sst s4  }
0xd: {  	[smem:$0x3FAF] =	sst s5  }
0xe: {  	[smem:$0x3FB0] =	sst s6  }
0xf: {  	[smem:$0x3FB1] =	sst s7  }
0x10: {  	[smem:$0x3FB2] =	sst s8  }
0x11: {  	[smem:$0x3FB3] =	sst s9;
	s0 =	simm.s32 @!p0 $0x0  }
0x12: {  	s1 =	sld [smem:$0x3F99];
	s0 =	simm.s32 @p0 $0x1  }
0x13: {  	[smem:$0x3FB4] =	sst s0;
	s0 =	simm.s32 @!p1 $0x0  }
0x14: {  	s2 =	sld [smem:$0x3F98];
	s0 =	simm.s32 @p1 $0x1  }
0x15: {  	[smem:$0x3FB5] =	sst s0;
	s0 =	simm.s32 @!p2 $0x0  }
0x16: {  	s3 =	sld [smem:$0x3FDB];
	s0 =	simm.s32 @p2 $0x1  }
0x17: {  	s4 =	simm.s32 $0x1BF5;
	[smem:$0x3FB7] =	sst s0  }
0x18: {  	s0 =	sld [smem:$0x3F9A];
	_ =	swait.ge [sflag:s4], $0x0  }
0x19: {  	s7 =	sld [smem:$0x3F9B]  }
0x1a: {  	s8 =	sadd.s32 $0xFFFFE003, lr  }
0x1b: {  	s9 =	sadd.s32 $0xFFFFFEF7, lr;
	s5 =	simm.s32 $0xFFFFFFFF;
	p2 =	slt.u32 s8, $0xFFFFF086  }
0x1c: {  	p1 =	slt.u32 s9, $0xF7A;
	s5 =	simm.s32 @!p2 $0x0  }
0x1d: {  	s5 =	simm.s32 @p1 $0x1;
	p0 =	seq.s32 s7, s2  }
0x1e: {  	s7 =	smul.u32 @!p0 $0xF7A, s2;
	p2 =	seq.s32 @!p0 s5, $0x0  }
0x1f: {  	s9 =	smul.u32 $0xF7A, s1;
	s8 =	simm.s32 @!p0 $0x1BF5;
	p2 =	por !p2, p0  }
0x20: {  	[sflag:s8] =	ssyncset.s32 @!p0 $0xFFFFF086;
	s6 =	sadd.s32 @!p0 s3, s7;
	s7 =	simm.s32 @!p0 $0x108  }
0x21: {  	s3 =	sadd.s32 s3, s9;
	s6 =	sadd.s32 @!p0 $0x88, s6;
	s7 =	simm.s32 @p2 $0x1082  }
0x22: {  	[simem:s7], [sflag:s8] =	dma.local @!p0 [hbm:s6], $0xF7A  }
0x23: {  	s9 =	sor.u32 $0xD0000000, s2;
	s6 =	simm.s32 $0x108;
	_ =	swait.ge @!p0 [sflag:s8], $0x0  }
0x24: {  	s3 =	sadd.s32 $0x88, s3;
	s6 =	simm.s32 @!p1 $0x1082;
	[sflag:s4] =	ssyncset.s32 $0xFFFFF086  }
0x25: {  	[simem:s6], [sflag:s4] =	dma.local [hbm:s3], $0xF7A  }
0x26: {  	[smem:$0x3F9B] =	sst s1;
	(tag) =	ssettag s2;
	_ =	strace s9  }
0x27: {  	s1 =	sld [smem:$0x3FAB]  }
0x28: {  	s2 =	sld [smem:$0x3FAC]  }
0x29: {  	s4 =	sld [smem:$0x3FAE]  }
0x2a: {  	p0 =	seq.s32 s5, $0x0;
	s5 =	sld [smem:$0x3FAF]  }
0x2b: {  	s6 =	sld [smem:$0x3FB0]  }
0x2c: {  	s7 =	sld [smem:$0x3FB1]  }
0x2d: {  	s3 =	simm.s32 $0x108;
	s8 =	sld [smem:$0x3FB2]  }
0x2e: {  	s3 =	simm.s32 @!p0 $0x1082;
	s9 =	sld [smem:$0x3FB3]  }
0x2f: {  	lr =	sadd.s32 s0, s3;
	s0 =	sld [smem:$0x3FAA]  }
0x30: {  	s3 =	sld [smem:$0x3FAD]  }
0x31: {  	[smem:$0x3FB6] =	sst s10  }
0x32: {  	s10 =	sld [smem:$0x3FB4];
	_ =	sdelay $0x3  }
0x33: {  	p0 =	seq.s32 s10, $0x1;
	s10 =	sld [smem:$0x3FB6];
	_ =	sdelay $0x3  }
0x34: {  	[smem:$0x3FB6] =	sst s10  }
0x35: {  	s10 =	sld [smem:$0x3FB5];
	_ =	sdelay $0x3  }
0x36: {  	p1 =	seq.s32 s10, $0x1;
	s10 =	sld [smem:$0x3FB6];
	_ =	sdelay $0x3  }
0x37: {  	[smem:$0x3FB6] =	sst s10  }
0x38: {  	s10 =	sld [smem:$0x3FB7]  }
0x39: {  	_ = 	snop;
	(pc) =	sbr.ind lr, $3  }
0x3a: {  	_ = 	snop  }
0x3b: {  	_ = 	snop  }
0x3c: {  	p2 =	seq.s32 s10, $0x1;
	s10 =	sld [smem:$0x3FB6]  }
0x3d: {  	_ =	shalt  }
0x3e: {  	_ =	shalt  }
0x3f: {  	_ =	shalt  }
0x40: {  	_ =	shalt  }
0x41: {  	_ =	shalt  }
0x42: {  	_ =	shalt  }
0x43: {  	_ =	shalt  }
0x44: {  	_ =	shalt  }
0x45: {  	_ =	shalt  }
0x46: {  	_ =	shalt  }
0x47: {  	_ =	shalt  }
0x48: {  	_ =	shalt  }
0x49: {  	_ =	shalt  }
0x4a: {  	_ =	shalt  }
0x4b: {  	_ =	shalt  }
0x4c: {  	_ =	shalt  }
0x4d: {  	_ =	shalt  }
0x4e: {  	_ =	shalt  }
0x4f: {  	_ =	shalt  }
0x50: {  	_ =	shalt  }
0x51: {  	_ =	shalt  }
0x52: {  	_ =	shalt  }
0x53: {  	_ =	shalt  }
0x54: {  	_ =	shalt  }
0x55: {  	_ =	shalt  }
0x56: {  	_ =	shalt  }
0x57: {  	_ =	shalt  }
0x58: {  	_ =	shalt  }
0x59: {  	_ =	shalt  }
0x5a: {  	_ =	shalt  }
0x5b: {  	_ =	shalt  }
0x5c: {  	_ =	shalt  }
0x5d: {  	_ =	shalt  }
0x5e: {  	_ =	shalt  }
0x5f: {  	_ =	shalt  }
0x60: {  	_ =	shalt  }
0x61: {  	_ =	shalt  }
0x62: {  	_ =	shalt  }
0x63: {  	_ =	shalt  }
0x64: {  	_ =	shalt  }
0x65: {  	_ =	shalt  }
0x66: {  	_ =	shalt  }
0x67: {  	_ =	shalt  }
0x68: {  	_ =	shalt  }
0x69: {  	_ =	shalt  }
0x6a: {  	_ =	shalt  }
0x6b: {  	_ =	shalt  }
0x6c: {  	_ =	shalt  }
0x6d: {  	_ =	shalt  }
0x6e: {  	_ =	shalt  }
0x6f: {  	_ =	shalt  }
0x70: {  	_ =	shalt  }
0x71: {  	_ =	shalt  }
0x72: {  	_ =	shalt  }
0x73: {  	_ =	shalt  }
0x74: {  	_ =	shalt  }
0x75: {  	_ =	shalt  }
0x76: {  	_ =	shalt  }
0x77: {  	_ =	shalt  }
0x78: {  	_ =	shalt  }
0x79: {  	_ =	shalt  }
0x7a: {  	_ =	shalt  }
0x7b: {  	_ =	shalt  }
0x7c: {  	_ =	shalt  }
0x7d: {  	_ =	shalt  }
0x7e: {  	_ =	shalt  }
0x7f: {  	_ =	shalt  }
0x80: {  	_ =	shalt  }
0x81: {  	_ =	shalt  }
0x82: {  	_ =	shalt  }
0x83: {  	_ =	shalt  }
0x84: {  	_ =	shalt  }
0x85: {  	_ =	shalt  }
0x86: {  	_ =	shalt  }
0x87: {  	_ =	shalt  }
.Lfunc_end0:
.L_simem_size_0:
called_computation_lowered:
.L_overlay_start_0:
0x88: {  	s0 =	sld [smem:$0x3FD9]  }
0x89: {  	s1 =	sld [smem:$0x3FFE];
	_ =	sdelay $0x3  }
0x8a: {  	s0 =	sadd.s32 s1, s0  }
0x8b: {  	[smem:$0x3FC2] =	sst s0  }
0x8c: {  	_ = 	snop  }
0x8d: {  	(tm) =	ssettm $0x1  }
0x8e: {  	s15 =	sld [smem:$0x3FFB];
	_ =	sdelay $0x3  }
0x8f: {  	_ =	strace s15  }
0x90: {  	s0 =	sld [smem:$0x3FFC];
	_ =	sdelay $0x3  }
0x91: {  	_ =	strace s0  }
0x92: {  	s0 =	sld [smem:$0x3FFD];
	_ =	sdelay $0x3  }
0x93: {  	_ =	strace s0  }
0x94: {  	_ =	strace $0x8FFFFFFF  }
0x95: {  	s16 =	sld [smem:$0x3FDB];
	_ =	sdelay $0x1  }
0x96: {  	s17 =	simm.s32 $_scs_section_size  }
0x97: {  	s2 =	simm.s32 $_size__tile_overlayer_lowered;
	s3 =	simm.s32 $_tile_overlayer_lowered  }
0x98: {  	s20 =	simm.s32 $0x1BFF;
	s19 =	sshll.u32 s3, $0x1;
	s0 =	sadd.s32 s17, s16  }
0x99: {  	s4 =	simm.s32 $0x0;
	s18 =	sshll.u32 s2, $0x1;
	s2 =	sadd.s32 s19, s0  }
0x9a: {  	[timem:s4], [sflag:s20] =	dma.local [hbm:s2], s18  }
0x9b: {  	_ =	swait.ge [sflag:s20], s18  }
0x9c: {  	s1 =	ssub.s32 $0x0, s18;
	[sflag:s20] =	ssyncset.done $0x0  }
0x9d: {  	[sflag:s20] =	ssyncadd.s32 s1;
	_ =	sdelay $0x1  }
0x9e: {  	s21 =	simm.s32 $0x1B8B  }
0x9f: {  	_ =	swait.ge [sflag:s21], $0x1  }
0xa0: {  	[sflag:s21] =	ssyncset.done $0x0  }
0xa1: {  	s23 =	simm.s32 $0x1B8E;
	s22 =	sld [smem:$0x3FFE];
	[sflag:s21] =	ssyncadd.s32 $0xFFFFFFFF  }
0xa2: {  	s24 =	simm.s32 $execute0_lowered;
	[smem:$0x3FD2] =	sst s23  }
0xa3: {  	s2 =	sshll.u32 s24, $0x1;
	_ =	strace $0x80000046;
	[dreg:$0x1] =	wrdreg $0xFFFFFFFF  }
0xa4: {  	s25 =	simm.s32 $_size_execute0_lowered;
	s0 =	sadd.s32 s0, s2;
	[dreg:$0x0] =	wrdreg $0x0  }
0xa5: {  	s2 =	sshll.u32 s25, $0x1;
	[dreg:$0x2] =	wrdreg s0  }
0xa6: {  	[dreg:$0x3] =	wrdreg s2  }
0xa7: {  	[dreg:$0x4] =	wrdreg $0xC0  }
0xa8: {  	_ =	task [dreg:s4], $0x5FFFF  }
0xa9: {  	[dreg:$0x1] =	wrdreg $0xFFFFFFFF  }
0xaa: {  	[dreg:$0x0] =	wrdreg $0x60  }
0xab: {  	[dreg:$0x2] =	wrdreg s22  }
0xac: {  	[dreg:$0x3] =	wrdreg $0x144800  }
0xad: {  	[dreg:$0x4] =	wrdreg $0x16F000  }
0xae: {  	[dreg:$0x5] =	wrdreg $0x16C800  }
0xaf: {  	[dreg:$0x6] =	wrdreg $0x9  }
0xb0: {  	_ =	task.clear_ibuf [dreg:s4], $0x7FFFF;
	_ =	strace $0x90000046  }
0xb1: {  	s26 =	simm.s32 $0x9;
	_ =	strace $0x80000048  }
0xb2: {  	_ =	swait.ge [sflag:s26], $0x1  }
0xb3: {  	[sflag:s26] =	ssyncadd.s32 $0xFFFFFFFF  }
0xb4: {  	_ =	strace $0x90000048  }
0xb5: {  	_ =	sfence  }
0xb6: {  	s28 =	sld [smem:$0x0];
	_ =	sdelay $0x1  }
0xb7: {  	s29 =	srdreg.scid  }
0xb8: {  	s30 =	sshll.u32 s29, $0xD;
	s31 =	sshrl.u32 s29, $0x2  }
0xb9: {  	s1 =	sand.u32 $0x1, s29;
	s2 =	sand.u32 $0x4000, s30;
	s0 =	sadd.s32 s31, s28  }
0xba: {  	s1 =	sor.u32 s2, s1;
	s0 =	sshll.u32 s0, $0x11  }
0xbb: {  	s0 =	sor.u32 s0, s1  }
0xbc: {  	s0 =	sadd.s32 $0x8F2B, s0  }
0xbd: {  	[sflag:s0] =	ssyncadd.remote.s32 $0x1  }
0xbe: {  	_ =	sfence.sel $0xFFFF  }
0xbf: {  	[dreg:$0x0] =	wrdreg $0xFFFFFFFF;
	(pc) =	sbr.abs _section_cstart, $3  }
0xc0: {  	[dreg:$0x1] =	wrdreg $0xFFFFFFFF  }
0xc1: {  	_ =	task.clear_ibuf [dreg:s4], $0x2FFFF;
	_ =	strace $0x9FFFFFFF  }
0xc2: {  	(tm) =	ssettm $0x7FFFFFFF  }
0xc3: {  	_ =	shalt  }
tec
execute0_lowered:
.L_overlay_start_1:
0x0: {  	(tag) =	ssettag $0x1  }
0x1: {  	s3 =	rddreg [dreg:$0x0];
	s7 =	stileid.u32  }
0x2: {  	s0 =	rddreg [dreg:$0x1];
	s1 =	smul.u32 $0x4E20, s7  }
0x3: {  	s23 =	rddreg [dreg:$0x2]  }
0x4: {  	s4 =	simm.s32 $0x0;
	s24 =	smul.u32 $0x280, s7;
	s1 =	sshrl.u32 s1, $0x3  }
0x5: {  	[smem:$0x7FF] =	sst s4;
	s1 =	sadd.s32 s1, s3  }
0x6: {  	_ =	strace $0x80000047;
	s2 =	sshrl.u32 s24, $0x3;
	s5 =	sadd.s32 $0x800, s1  }
0x7: {  	[tilespmem:s4], [sflag:$0x1] =	stream.linear.gather [hbm4b:s5+s4], $0x4E20, $0x38;
	[tilespmem:$0x17180] =	vst v63  }
0x8: {  	s6 =	simm.s32 $0x4E80;
	s28 =	sadd.s32 s2, s3;
	s1 =	sadd.s32 $0xA440, s1  }
0x9: {  	[tilespmem:s6], [sflag:$0x1] =	stream.linear.gather [hbm4b:s1+s4], $0x4E20, $0x38;
	[tilespmem:$0x17180] =	vst v63  }
0xa: {  	s30 =	simm.s32 $0x14200;
	s29 =	sadd.s32 $0x14200, s28;
	s1 =	simm.s32 $0xED40  }
0xb: {  	v0 =	vimm.f32 $0.0e+00;
	[tilespmem:s30], [sflag:$0x1] =	stream.linear.gather [hbm4b:s29+s4], $0x280, $0x38;
	[tilespmem:$0x17180] =	vst v63  }
0xc: {  	[tilespmem:s1+$0xFFFFFFC0] =	vst v0  }
0xd: {  	[tilespmem:s1+$0x30] =	vst v0  }
0xe: {  	[tilespmem:s1+$0x20] =	vst v0  }
0xf: {  	[tilespmem:s1+$0x10] =	vst v0  }
0x10: {  	[tilespmem:s1+$0x0] =	vst v0  }
0x11: {  	s31 =	sadd.s32 $0x14800, s3;
	[tilespmem:s1+$0xFFFFFFF0] =	vst v0  }
0x12: {  	s3 =	sadd.s32 $0x14E00, s3;
	[dreg:$0x6] =	wrdreg s31  }
0x13: {  	[dreg:$0x5] =	wrdreg s3  }
0x14: {  	s3 =	simm.s32 $0x0;
	[tilespmem:s1+$0xFFFFFFE0] =	vst v0  }
.LBB2_1:
0x15: {  	s3 =	sadd.s32 $0x80, s3;
	[tilespmem:s1+$0xFFFFFFD0] =	vst v0;
	s1 =	sadd.s32 $0x80, s1  }
0x16: {  	[tilespmem:s1+$0xFFFFFFC0] =	vst v0;
	p0 =	slt.u32 s3, $0x2780  }
0x17: {  	[tilespmem:s1+$0x30] =	vst v0  }
.Ltmp0:
0x18: {  	[tilespmem:s1+$0x20] =	vst v0;
	(pc) =	sbr.rel @p0 .LBB2_1-.Ltmp0, $4  }
0x19: {  	[tilespmem:s1+$0x10] =	vst v0  }
0x1a: {  	[tilespmem:s1+$0x0] =	vst v0  }
0x1b: {  	[tilespmem:s1+$0xFFFFFFF0] =	vst v0  }
0x1c: {  	[tilespmem:s1+$0xFFFFFFE0] =	vst v0  }
0x1d: {  	[tilespmem:s1+$0xFFFFFFD0] =	vst v0;
	s31 =	simm.s32 $0x1  }
0x1e: {  	_ =	swait.ge [sflag:s31], $0x4E20  }
0x1f: {  	[sflag:s31] =	ssyncset.done $0x0  }
0x20: {  	[sflag:s31] =	ssyncadd.s32 $0xFFFFB1E0  }
0x21: {  	_ =	swait.ge [sflag:s31], $0x4E20  }
0x22: {  	[sflag:s31] =	ssyncset.done $0x0  }
0x23: {  	[sflag:s31] =	ssyncadd.s32 $0xFFFFB1E0  }
0x24: {  	_ =	swait.ge [sflag:s31], $0x280  }
0x25: {  	[sflag:s31] =	ssyncset.done $0x0  }
0x26: {  	s1 =	simm.s32 $0x40;
	[sflag:s31] =	ssyncadd.s32 $0xFFFFFD80  }
0x27: {  	v2 =	vld [tilespmem:s1+$0xFFFFFFC0]  }
0x28: {  	v3 =	vld [tilespmem:s1+$0x30]  }
0x29: {  	v4 =	vld [tilespmem:s1+$0x20]  }
0x2a: {  	v5 =	vld [tilespmem:s1+$0x10]  }
0x2b: {  	v6 =	vld [tilespmem:s1+$0x0]  }
0x2c: {  	v7 =	vld [tilespmem:s1+$0xFFFFFFF0]  }
0x2d: {  	v8 =	vld [tilespmem:s1+$0xFFFFFFE0]  }
0x2e: {  	v0 =	vimm.f32 $1.000000000e+00;
	s3 =	simm.s32 $0xED00;
	v1 =	vld [tilespmem:s1+$0xFFFFFFD0]  }
0x2f: {  	[tilespmem:v2+s3+$0x0] =	vst.idx.add.f32.msk $0xffff, v0  }
0x30: {  	[tilespmem:v3+s3+$0x0] =	vst.idx.add.f32.msk $0xffff, v0  }
0x31: {  	[tilespmem:v4+s3+$0x0] =	vst.idx.add.f32.msk $0xffff, v0  }
0x32: {  	[tilespmem:v5+s3+$0x0] =	vst.idx.add.f32.msk $0xffff, v0  }
0x33: {  	[tilespmem:v6+s3+$0x0] =	vst.idx.add.f32.msk $0xffff, v0  }
0x34: {  	[tilespmem:v7+s3+$0x0] =	vst.idx.add.f32.msk $0xffff, v0  }
0x35: {  	s4 =	simm.s32 $0x0;
	[tilespmem:v8+s3+$0x0] =	vst.idx.add.f32.msk $0xffff, v0  }
.LBB2_3:
0x36: {  	s4 =	sadd.s32 $0x80, s4;
	[tilespmem:v1+s3+$0x0] =	vst.idx.add.f32.msk $0xffff, v0;
	s1 =	sadd.s32 $0x80, s1  }
0x37: {  	v2 =	vld [tilespmem:s1+$0xFFFFFFC0];
	p0 =	slt.u32 s4, $0x4D80  }
0x38: {  	v3 =	vld [tilespmem:s1+$0x30]  }
0x39: {  	v4 =	vld [tilespmem:s1+$0x20]  }
0x3a: {  	v5 =	vld [tilespmem:s1+$0x10]  }
0x3b: {  	v6 =	vld [tilespmem:s1+$0x0]  }
0x3c: {  	v7 =	vld [tilespmem:s1+$0xFFFFFFF0]  }
0x3d: {  	v8 =	vld [tilespmem:s1+$0xFFFFFFE0]  }
0x3e: {  	v1 =	vld [tilespmem:s1+$0xFFFFFFD0]  }
0x3f: {  	[tilespmem:v2+s3+$0x0] =	vst.idx.add.f32.msk $0xffff, v0  }
0x40: {  	[tilespmem:v3+s3+$0x0] =	vst.idx.add.f32.msk $0xffff, v0  }
.Ltmp1:
0x41: {  	[tilespmem:v4+s3+$0x0] =	vst.idx.add.f32.msk $0xffff, v0;
	(pc) =	sbr.rel @p0 .LBB2_3-.Ltmp1, $4  }
0x42: {  	[tilespmem:v5+s3+$0x0] =	vst.idx.add.f32.msk $0xffff, v0  }
0x43: {  	[tilespmem:v6+s3+$0x0] =	vst.idx.add.f32.msk $0xffff, v0  }
0x44: {  	[tilespmem:v7+s3+$0x0] =	vst.idx.add.f32.msk $0xffff, v0  }
0x45: {  	[tilespmem:v8+s3+$0x0] =	vst.idx.add.f32.msk $0xffff, v0  }
0x46: {  	_ =	sdelay $0x3  }
0x47: {  	[tilespmem:v1+s3+$0x0] =	vst.idx.add.f32.msk $0xffff, v0;
	s1 =	simm.s32 $0x4DF0;
	s3 =	simm.s32 $0x4E00;
	v0 =	vimm.f32 $1.000000000e+00;
	s4 =	simm.s32 $0xED00  }
.LBB2_5:
0x48: {  	v1 =	vld [tilespmem:s3+$0x0];
	_ =	sdelay $0x1  }
0x49: {  	s1 =	sadd.s32 $0x10, s1  }
0x4a: {  	p0 =	slt.u32 s1, $0x4E10  }
.Ltmp2:
0x4b: {  	_ = 	snop;
	(pc) =	sbr.rel @p0 .LBB2_5-.Ltmp2, $2  }
0x4c: {  	_ =	sdelay $0x2  }
0x4d: {  	s3 =	sadd.s32 $0x10, s3;
	[tilespmem:v1+s4+$0x0] =	vst.idx.add.f32.msk $0xffff, v0  }
0x4e: {  	s1 =	smul.u32 $0xA000, s7;
	_ =	sdelay $0x1  }
0x4f: {  	s1 =	sshrl.u32 s1, $0x2  }
0x50: {  	s8 =	simm.s32 $0xED00;
	s9 =	simm.s32 $0x2;
	s4 =	sadd.s32 s1, s0  }
0x51: {  	[spmem:s4] =	stream.linear.scatter [tilespmem:s8], [sflag:$0x2], $0x2800, $0x38;
	[tilespmem:$0x17180] =	vst v63  }
0x52: {  	_ =	swait.ge [sflag:s9], $0x2800  }
0x53: {  	[sflag:s9] =	ssyncset.done $0x0  }
0x54: {  	[sflag:s9] =	ssyncadd.s32 $0xFFFFD800  }
0x55: {  	s5 =	sadd.s32 s24, s0;
	s10 =	simm.s32 $0x11500;
	[bflag:$0x0] =	sbarrier.arrive $0xFFFF  }
0x56: {  	[tilespmem:s10], [sflag:$0x1] =	stream.linear.gather [spmem:s5], $0x280, $0x38;
	[tilespmem:$0x17180] =	vst v63  }
0x57: {  	s11 =	simm.s32 $0x11780;
	s6 =	sadd.s32 $0x2800, s5  }
0x58: {  	[tilespmem:s11], [sflag:$0x1] =	stream.linear.gather [spmem:s6], $0x280, $0x38;
	[tilespmem:$0x17180] =	vst v63  }
0x59: {  	s12 =	simm.s32 $0x11A00;
	s7 =	sadd.s32 $0x5000, s5  }
0x5a: {  	[tilespmem:s12], [sflag:$0x1] =	stream.linear.gather [spmem:s7], $0x280, $0x38;
	[tilespmem:$0x17180] =	vst v63  }
0x5b: {  	s13 =	simm.s32 $0x11C80;
	s8 =	sadd.s32 $0x7800, s5  }
0x5c: {  	[tilespmem:s13], [sflag:$0x1] =	stream.linear.gather [spmem:s8], $0x280, $0x38;
	[tilespmem:$0x17180] =	vst v63  }
0x5d: {  	s14 =	simm.s32 $0x11F00;
	s9 =	sadd.s32 $0xA000, s5  }
0x5e: {  	[tilespmem:s14], [sflag:$0x1] =	stream.linear.gather [spmem:s9], $0x280, $0x38;
	[tilespmem:$0x17180] =	vst v63  }
0x5f: {  	s15 =	simm.s32 $0x12180;
	s10 =	sadd.s32 $0xC800, s5  }
0x60: {  	[tilespmem:s15], [sflag:$0x1] =	stream.linear.gather [spmem:s10], $0x280, $0x38;
	[tilespmem:$0x17180] =	vst v63  }
0x61: {  	s16 =	simm.s32 $0x12400;
	s11 =	sadd.s32 $0xF000, s5  }
0x62: {  	[tilespmem:s16], [sflag:$0x1] =	stream.linear.gather [spmem:s11], $0x280, $0x38;
	[tilespmem:$0x17180] =	vst v63  }
0x63: {  	s17 =	simm.s32 $0x12680;
	s12 =	sadd.s32 $0x11800, s5  }
0x64: {  	[tilespmem:s17], [sflag:$0x1] =	stream.linear.gather [spmem:s12], $0x280, $0x38;
	[tilespmem:$0x17180] =	vst v63  }
0x65: {  	s18 =	simm.s32 $0x12900;
	s13 =	sadd.s32 $0x14000, s5  }
0x66: {  	[tilespmem:s18], [sflag:$0x1] =	stream.linear.gather [spmem:s13], $0x280, $0x38;
	[tilespmem:$0x17180] =	vst v63  }
0x67: {  	s19 =	simm.s32 $0x12B80;
	s14 =	sadd.s32 $0x16800, s5  }
0x68: {  	[tilespmem:s19], [sflag:$0x1] =	stream.linear.gather [spmem:s14], $0x280, $0x38;
	[tilespmem:$0x17180] =	vst v63  }
0x69: {  	s20 =	simm.s32 $0x12E00;
	s15 =	sadd.s32 $0x19000, s5  }
0x6a: {  	[tilespmem:s20], [sflag:$0x1] =	stream.linear.gather [spmem:s15], $0x280, $0x38;
	[tilespmem:$0x17180] =	vst v63  }
0x6b: {  	s21 =	simm.s32 $0x13080;
	s16 =	sadd.s32 $0x1B800, s5  }
0x6c: {  	[tilespmem:s21], [sflag:$0x1] =	stream.linear.gather [spmem:s16], $0x280, $0x38;
	[tilespmem:$0x17180] =	vst v63  }
0x6d: {  	s22 =	simm.s32 $0x13300;
	s17 =	sadd.s32 $0x1E000, s5  }
0x6e: {  	[tilespmem:s22], [sflag:$0x1] =	stream.linear.gather [spmem:s17], $0x280, $0x38;
	[tilespmem:$0x17180] =	vst v63  }
0x6f: {  	s25 =	simm.s32 $0x13580;
	s18 =	sadd.s32 $0x20800, s5  }
0x70: {  	[tilespmem:s25], [sflag:$0x1] =	stream.linear.gather [spmem:s18], $0x280, $0x38;
	[tilespmem:$0x17180] =	vst v63  }
0x71: {  	s26 =	simm.s32 $0x13800;
	s19 =	sadd.s32 $0x23000, s5  }
0x72: {  	[tilespmem:s26], [sflag:$0x1] =	stream.linear.gather [spmem:s19], $0x280, $0x38;
	[tilespmem:$0x17180] =	vst v63  }
0x73: {  	s29 =	simm.s32 $0x13A80;
	s30 =	simm.s32 $0x1;
	s20 =	sadd.s32 $0x25800, s5  }
0x74: {  	[tilespmem:s29], [sflag:$0x1] =	stream.linear.gather [spmem:s20], $0x280, $0x38;
	[tilespmem:$0x17180] =	vst v63  }
0x75: {  	_ =	swait.ge [sflag:s30], $0x280  }
0x76: {  	[sflag:s30] =	ssyncset.done $0x0  }
0x77: {  	[sflag:s30] =	ssyncadd.s32 $0xFFFFFD80  }
0x78: {  	_ =	swait.ge [sflag:s30], $0x280  }
0x79: {  	[sflag:s30] =	ssyncset.done $0x0  }
0x7a: {  	[sflag:s30] =	ssyncadd.s32 $0xFFFFFD80  }
0x7b: {  	_ =	swait.ge [sflag:s30], $0x280  }
0x7c: {  	[sflag:s30] =	ssyncset.done $0x0  }
0x7d: {  	[sflag:s30] =	ssyncadd.s32 $0xFFFFFD80  }
0x7e: {  	_ =	swait.ge [sflag:s30], $0x280  }
0x7f: {  	[sflag:s30] =	ssyncset.done $0x0  }
0x80: {  	[sflag:s30] =	ssyncadd.s32 $0xFFFFFD80  }
0x81: {  	_ =	swait.ge [sflag:s30], $0x280  }
0x82: {  	[sflag:s30] =	ssyncset.done $0x0  }
0x83: {  	[sflag:s30] =	ssyncadd.s32 $0xFFFFFD80  }
0x84: {  	_ =	swait.ge [sflag:s30], $0x280  }
0x85: {  	[sflag:s30] =	ssyncset.done $0x0  }
0x86: {  	[sflag:s30] =	ssyncadd.s32 $0xFFFFFD80  }
0x87: {  	_ =	swait.ge [sflag:s30], $0x280  }
0x88: {  	[sflag:s30] =	ssyncset.done $0x0  }
0x89: {  	[sflag:s30] =	ssyncadd.s32 $0xFFFFFD80  }
0x8a: {  	_ =	swait.ge [sflag:s30], $0x280  }
0x8b: {  	[sflag:s30] =	ssyncset.done $0x0  }
0x8c: {  	[sflag:s30] =	ssyncadd.s32 $0xFFFFFD80  }
0x8d: {  	_ =	swait.ge [sflag:s30], $0x280  }
0x8e: {  	[sflag:s30] =	ssyncset.done $0x0  }
0x8f: {  	[sflag:s30] =	ssyncadd.s32 $0xFFFFFD80  }
0x90: {  	_ =	swait.ge [sflag:s30], $0x280  }
0x91: {  	[sflag:s30] =	ssyncset.done $0x0  }
0x92: {  	[sflag:s30] =	ssyncadd.s32 $0xFFFFFD80  }
0x93: {  	_ =	swait.ge [sflag:s30], $0x280  }
0x94: {  	[sflag:s30] =	ssyncset.done $0x0  }
0x95: {  	[sflag:s30] =	ssyncadd.s32 $0xFFFFFD80  }
0x96: {  	_ =	swait.ge [sflag:s30], $0x280  }
0x97: {  	[sflag:s30] =	ssyncset.done $0x0  }
0x98: {  	[sflag:s30] =	ssyncadd.s32 $0xFFFFFD80  }
0x99: {  	_ =	swait.ge [sflag:s30], $0x280  }
0x9a: {  	[sflag:s30] =	ssyncset.done $0x0  }
0x9b: {  	[sflag:s30] =	ssyncadd.s32 $0xFFFFFD80  }
0x9c: {  	_ =	swait.ge [sflag:s30], $0x280  }
0x9d: {  	[sflag:s30] =	ssyncset.done $0x0  }
0x9e: {  	[sflag:s30] =	ssyncadd.s32 $0xFFFFFD80  }
0x9f: {  	_ =	swait.ge [sflag:s30], $0x280  }
0xa0: {  	[sflag:s30] =	ssyncset.done $0x0  }
0xa1: {  	[sflag:s30] =	ssyncadd.s32 $0xFFFFFD80  }
0xa2: {  	_ =	swait.ge [sflag:s30], $0x280  }
0xa3: {  	[sflag:s30] =	ssyncset.done $0x0  }
0xa4: {  	s25 =	simm.s32 $0x12910;
	s26 =	simm.s32 $0x0;
	[sflag:s30] =	ssyncadd.s32 $0xFFFFFD80  }
0xa5: {  	s31 =	sand.u32 $0x3C0, s26;
	v0 =	vld [tilespmem:s25+$0xFFFFEBF0]  }
0xa6: {  	v1 =	vld [tilespmem:s31+$0x11780]  }
0xa7: {  	v2 =	vld [tilespmem:s25+$0xFFFFEC00]  }
0xa8: {  	v3 =	vld [tilespmem:s31+$0x11A00]  }
0xa9: {  	v4 =	vld [tilespmem:s25+$0xFFFFEE80]  }
0xaa: {  	v5 =	vld [tilespmem:s31+$0x11C80]  }
0xab: {  	v6 =	vld [tilespmem:s25+$0xFFFFEC10]  }
0xac: {  	v7 =	vld [tilespmem:s31+$0x11F00]  }
0xad: {  	v8 =	vld [tilespmem:s25+$0xFFFFEE90]  }
0xae: {  	v9 =	vld [tilespmem:s31+$0x12180]  }
0xaf: {  	v10 =	vld [tilespmem:s25+$0xFFFFEC20]  }
0xb0: {  	v11 =	vld [tilespmem:s31+$0x12400]  }
0xb1: {  	v12 =	vld [tilespmem:s25+$0xFFFFEEA0]  }
0xb2: {  	v13 =	vld [tilespmem:s31+$0x12680]  }
0xb3: {  	v14 =	vld [tilespmem:s25+$0xFFFFF100]  }
0xb4: {  	v15 =	vld [tilespmem:s31+$0x12900]  }
0xb5: {  	v16 =	vld [tilespmem:s25+$0xFFFFF110]  }
0xb6: {  	v17 =	vld [tilespmem:s31+$0x12B80]  }
0xb7: {  	v18 =	vld [tilespmem:s25+$0xFFFFF120]  }
0xb8: {  	v19 =	vld [tilespmem:s31+$0x12E00]  }
0xb9: {  	v20 =	vld [tilespmem:s25+$0xFFFFF380]  }
0xba: {  	v21 =	vld [tilespmem:s31+$0x13080]  }
0xbb: {  	v22 =	vld [tilespmem:s25+$0xFFFFF390]  }
0xbc: {  	v23 =	vld [tilespmem:s31+$0x13300]  }
0xbd: {  	v24 =	vld [tilespmem:s25+$0xFFFFF3A0]  }
0xbe: {  	v25 =	vld [tilespmem:s31+$0x13580]  }
0xbf: {  	v26 =	vld [tilespmem:s25+$0xFFFFF600]  }
0xc0: {  	v27 =	vld [tilespmem:s31+$0x13800]  }
0xc1: {  	v28 =	vld [tilespmem:s25+$0xFFFFF610]  }
0xc2: {  	v29 =	vld [tilespmem:s31+$0x13A80]  }
0xc3: {  	v30 =	vld [tilespmem:s25+$0xFFFFF620]  }
0xc4: {  	v31 =	vld [tilespmem:s25+$0xFFFFF890];
	v0 =	vadd.f32 v1, v0  }
0xc5: {  	v32 =	vld [tilespmem:s25+$0xFFFFFB00]  }
0xc6: {  	v33 =	vld [tilespmem:s25+$0xFFFFFB20];
	v0 =	vadd.f32 v3, v0  }
0xc7: {  	v52 =	vld [tilespmem:s25+$0xFFFFFDA0]  }
0xc8: {  	v53 =	vld [tilespmem:s25+$0x0];
	v0 =	vadd.f32 v5, v0  }
0xc9: {  	v54 =	vld [tilespmem:s25+$0x10]  }
0xca: {  	v55 =	vld [tilespmem:s25+$0x20];
	v2 =	vadd.f32 v4, v2;
	v0 =	vadd.f32 v7, v0  }
0xcb: {  	v56 =	vld [tilespmem:s25+$0x280];
	v6 =	vadd.f32 v8, v6;
	v7 =	vadd.f32 v12, v10  }
0xcc: {  	v57 =	vld [tilespmem:s25+$0x290];
	v2 =	vadd.f32 v14, v2;
	v0 =	vadd.f32 v9, v0  }
0xcd: {  	v1 =	vld [tilespmem:s25+$0xFFFFF880];
	v6 =	vadd.f32 v16, v6;
	v7 =	vadd.f32 v18, v7  }
0xce: {  	v3 =	vld [tilespmem:s25+$0xFFFFF8A0];
	v2 =	vadd.f32 v20, v2;
	v0 =	vadd.f32 v11, v0  }
0xcf: {  	v58 =	vld [tilespmem:s25+$0x510];
	v6 =	vadd.f32 v22, v6;
	v7 =	vadd.f32 v24, v7  }
0xd0: {  	v5 =	vld [tilespmem:s25+$0xFFFFFB10];
	v2 =	vadd.f32 v26, v2;
	v0 =	vadd.f32 v13, v0  }
0xd1: {  	v4 =	vld [tilespmem:s25+$0xFFFFFD80];
	v6 =	vadd.f32 v28, v6;
	v7 =	vadd.f32 v30, v7  }
0xd2: {  	v8 =	vld [tilespmem:s25+$0xFFFFFD90];
	v1 =	vadd.f32 v1, v2;
	v0 =	vadd.f32 v15, v0  }
0xd3: {  	v59 =	vld [tilespmem:s25+$0x7A0];
	v6 =	vadd.f32 v31, v6;
	v3 =	vadd.f32 v3, v7  }
0xd4: {  	v60 =	vld [tilespmem:s25+$0xA00];
	v1 =	vadd.f32 v32, v1;
	v0 =	vadd.f32 v17, v0  }
0xd5: {  	v61 =	vld [tilespmem:s25+$0xA10];
	v5 =	vadd.f32 v5, v6;
	v3 =	vadd.f32 v33, v3  }
0xd6: {  	v2 =	vld [tilespmem:s25+$0x2A0];
	v1 =	vadd.f32 v4, v1;
	v0 =	vadd.f32 v19, v0  }
0xd7: {  	v5 =	vadd.f32 v8, v5;
	v7 =	vld [tilespmem:s25+$0x500];
	v3 =	vadd.f32 v52, v3  }
0xd8: {  	v6 =	vld [tilespmem:s25+$0x520];
	v1 =	vadd.f32 v53, v1;
	v0 =	vadd.f32 v21, v0  }
0xd9: {  	v4 =	vld [tilespmem:s25+$0x780];
	v5 =	vadd.f32 v54, v5;
	v3 =	vadd.f32 v55, v3  }
0xda: {  	v8 =	vld [tilespmem:s25+$0x790];
	v1 =	vadd.f32 v56, v1;
	v0 =	vadd.f32 v23, v0  }
0xdb: {  	v62 =	vld [tilespmem:s25+$0xC90];
	v5 =	vadd.f32 v57, v5;
	v2 =	vadd.f32 v2, v3  }
0xdc: {  	v1 =	vadd.f32 v7, v1;
	v3 =	vld [tilespmem:s25+$0xA20];
	v0 =	vadd.f32 v25, v0  }
0xdd: {  	v5 =	vadd.f32 v58, v5;
	v7 =	vld [tilespmem:s25+$0xC80];
	v2 =	vadd.f32 v6, v2  }
0xde: {  	v63 =	vld [tilespmem:s25+$0xCA0];
	v4 =	vadd.f32 v4, v1;
	v0 =	vadd.f32 v27, v0  }
0xdf: {  	v5 =	vadd.f32 v8, v5;
	v1 =	vld [tilespmem:s25+$0xF00];
	v2 =	vadd.f32 v59, v2  }
0xe0: {  	v4 =	vadd.f32 v60, v4;
	v8 =	vadd.f32 v29, v0;
	v0 =	vld [tilespmem:s25+$0xF10]  }
0xe1: {  	v5 =	vadd.f32 v61, v5;
	v9 =	vadd.f32 v3, v2;
	v2 =	vld [tilespmem:s25+$0xF20]  }
0xe2: {  	s28 =	simm.s32 $0x13D20;
	v6 =	vadd.f32 v7, v4;
	v3 =	vld [tilespmem:s25+$0x1180]  }
0xe3: {  	v5 =	vadd.f32 v62, v5;
	v4 =	vld [tilespmem:s25+$0x1190];
	[tilespmem:s28+$0xFFFFFFE0] =	vst v8;
	v7 =	vadd.f32 v63, v9  }
.LBB2_7:
0xe4: {  	s26 =	sadd.s32 $0x40, s26;
	v1 =	vadd.f32 v1, v6;
	v6 =	vld [tilespmem:s25+$0x11A0];
	s25 =	sadd.s32 $0x40, s25  }
0xe5: {  	v8 =	vld [tilespmem:s25+$0xFFFFEBF0];
	s0 =	sand.u32 $0x3C0, s26;
	p0 =	slt.u32 s26, $0x240;
	v0 =	vadd.f32 v0, v5  }
0xe6: {  	v5 =	vld [tilespmem:s0+$0x11780];
	v2 =	vadd.f32 v2, v7  }
0xe7: {  	v7 =	vld [tilespmem:s25+$0xFFFFEC00];
	v1 =	vadd.f32 v3, v1  }
0xe8: {  	v3 =	vld [tilespmem:s0+$0x11A00];
	v0 =	vadd.f32 v4, v0  }
0xe9: {  	v4 =	vld [tilespmem:s25+$0xFFFFEE80];
	[tilespmem:s28+$0xFFFFFFF0] =	vst v1;
	v1 =	vadd.f32 v6, v2  }
0xea: {  	v2 =	vld [tilespmem:s0+$0x11C80];
	[tilespmem:s28+$0x0] =	vst v0  }
0xeb: {  	v0 =	vadd.f32 v5, v8;
	v5 =	vld [tilespmem:s25+$0xFFFFEC10];
	[tilespmem:s28+$0x10] =	vst v1  }
0xec: {  	v1 =	vld [tilespmem:s0+$0x11F00]  }
0xed: {  	v0 =	vadd.f32 v3, v0;
	v3 =	vld [tilespmem:s25+$0xFFFFEE90]  }
0xee: {  	v6 =	vld [tilespmem:s0+$0x12180];
	v4 =	vadd.f32 v4, v7  }
0xef: {  	v0 =	vadd.f32 v2, v0;
	v2 =	vld [tilespmem:s25+$0xFFFFEC20]  }
0xf0: {  	v7 =	vld [tilespmem:s0+$0x12400]  }
0xf1: {  	v0 =	vadd.f32 v1, v0;
	v1 =	vld [tilespmem:s25+$0xFFFFEEA0]  }
0xf2: {  	v8 =	vld [tilespmem:s0+$0x12680];
	v3 =	vadd.f32 v3, v5  }
0xf3: {  	v0 =	vadd.f32 v6, v0;
	v5 =	vld [tilespmem:s25+$0xFFFFF100]  }
0xf4: {  	v6 =	vld [tilespmem:s0+$0x12900]  }
0xf5: {  	v0 =	vadd.f32 v7, v0;
	v7 =	vld [tilespmem:s25+$0xFFFFF110]  }
0xf6: {  	v9 =	vld [tilespmem:s0+$0x12B80];
	v1 =	vadd.f32 v1, v2  }
0xf7: {  	v0 =	vadd.f32 v8, v0;
	v2 =	vld [tilespmem:s25+$0xFFFFF120]  }
0xf8: {  	v8 =	vld [tilespmem:s0+$0x12E00];
	v4 =	vadd.f32 v5, v4  }
0xf9: {  	v0 =	vadd.f32 v6, v0;
	v5 =	vld [tilespmem:s25+$0xFFFFF380]  }
0xfa: {  	v6 =	vld [tilespmem:s0+$0x13080];
	v3 =	vadd.f32 v7, v3  }
0xfb: {  	v0 =	vadd.f32 v9, v0;
	v7 =	vld [tilespmem:s25+$0xFFFFF390]  }
0xfc: {  	v9 =	vld [tilespmem:s0+$0x13300];
	v1 =	vadd.f32 v2, v1  }
0xfd: {  	v0 =	vadd.f32 v8, v0;
	v2 =	vld [tilespmem:s25+$0xFFFFF3A0]  }
0xfe: {  	v8 =	vld [tilespmem:s0+$0x13580];
	v4 =	vadd.f32 v5, v4  }
0xff: {  	v0 =	vadd.f32 v6, v0;
	v5 =	vld [tilespmem:s25+$0xFFFFF600]  }
0x100: {  	v6 =	vld [tilespmem:s0+$0x13800];
	v3 =	vadd.f32 v7, v3  }
0x101: {  	v0 =	vadd.f32 v9, v0;
	v7 =	vld [tilespmem:s25+$0xFFFFF610]  }
0x102: {  	v9 =	vld [tilespmem:s0+$0x13A80];
	v1 =	vadd.f32 v2, v1  }
0x103: {  	v0 =	vadd.f32 v8, v0;
	v2 =	vld [tilespmem:s25+$0xFFFFF620]  }
0x104: {  	v4 =	vadd.f32 v5, v4;
	v5 =	vld [tilespmem:s25+$0xFFFFF880]  }
0x105: {  	v0 =	vadd.f32 v6, v0;
	v6 =	vld [tilespmem:s25+$0xFFFFF890]  }
0x106: {  	v3 =	vadd.f32 v7, v3;
	v7 =	vld [tilespmem:s25+$0xFFFFF8A0]  }
0x107: {  	v0 =	vadd.f32 v9, v0;
	v8 =	vld [tilespmem:s25+$0xFFFFFB00]  }
0x108: {  	s28 =	sadd.s32 $0x40, s28;
	v9 =	vld [tilespmem:s25+$0xFFFFFB10];
	v1 =	vadd.f32 v2, v1  }
0x109: {  	[tilespmem:s28+$0xFFFFFFE0] =	vst v0;
	v0 =	vadd.f32 v5, v4;
	v2 =	vld [tilespmem:s25+$0xFFFFFB20]  }
0x10a: {  	v4 =	vld [tilespmem:s25+$0xFFFFFD80];
	v3 =	vadd.f32 v6, v3  }
0x10b: {  	v5 =	vld [tilespmem:s25+$0xFFFFFD90];
	v1 =	vadd.f32 v7, v1  }
0x10c: {  	v0 =	vadd.f32 v8, v0;
	v6 =	vld [tilespmem:s25+$0xFFFFFDA0]  }
0x10d: {  	v7 =	vld [tilespmem:s25+$0x0];
	v3 =	vadd.f32 v9, v3  }
0x10e: {  	v8 =	vld [tilespmem:s25+$0x10];
	v1 =	vadd.f32 v2, v1  }
0x10f: {  	v0 =	vadd.f32 v4, v0;
	v2 =	vld [tilespmem:s25+$0x20]  }
0x110: {  	v4 =	vld [tilespmem:s25+$0x280];
	v3 =	vadd.f32 v5, v3  }
0x111: {  	v5 =	vld [tilespmem:s25+$0x290];
	v1 =	vadd.f32 v6, v1  }
0x112: {  	v0 =	vadd.f32 v7, v0;
	v6 =	vld [tilespmem:s25+$0x2A0]  }
0x113: {  	v7 =	vld [tilespmem:s25+$0x500];
	v3 =	vadd.f32 v8, v3  }
0x114: {  	v8 =	vld [tilespmem:s25+$0x510];
	v1 =	vadd.f32 v2, v1  }
0x115: {  	v0 =	vadd.f32 v4, v0;
	v2 =	vld [tilespmem:s25+$0x520]  }
0x116: {  	v4 =	vld [tilespmem:s25+$0x780];
	v3 =	vadd.f32 v5, v3  }
0x117: {  	v5 =	vld [tilespmem:s25+$0x790];
	v1 =	vadd.f32 v6, v1  }
0x118: {  	v0 =	vadd.f32 v7, v0;
	v6 =	vld [tilespmem:s25+$0x7A0]  }
0x119: {  	v7 =	vld [tilespmem:s25+$0xA00];
	v3 =	vadd.f32 v8, v3  }
0x11a: {  	v8 =	vld [tilespmem:s25+$0xA10];
	v1 =	vadd.f32 v2, v1  }
0x11b: {  	v0 =	vadd.f32 v4, v0;
	v2 =	vld [tilespmem:s25+$0xA20]  }
0x11c: {  	v4 =	vld [tilespmem:s25+$0xC80];
	v3 =	vadd.f32 v5, v3  }
0x11d: {  	v5 =	vld [tilespmem:s25+$0xC90];
	v6 =	vadd.f32 v6, v1  }
0x11e: {  	v7 =	vadd.f32 v7, v0;
	v9 =	vld [tilespmem:s25+$0xCA0]  }
.Ltmp3:
0x11f: {  	v1 =	vld [tilespmem:s25+$0xF00];
	v8 =	vadd.f32 v8, v3;
	(pc) =	sbr.rel @p0 .LBB2_7-.Ltmp3, $4  }
0x120: {  	v0 =	vld [tilespmem:s25+$0xF10];
	v10 =	vadd.f32 v2, v6  }
0x121: {  	v6 =	vadd.f32 v4, v7;
	v2 =	vld [tilespmem:s25+$0xF20]  }
0x122: {  	v3 =	vld [tilespmem:s25+$0x1180];
	v5 =	vadd.f32 v5, v8  }
0x123: {  	v4 =	vld [tilespmem:s25+$0x1190];
	v7 =	vadd.f32 v9, v10  }
0x124: {  	v8 =	vld [tilespmem:s25+$0x11A0]  }
0x125: {  	v1 =	vadd.f32 v1, v6  }
0x126: {  	v0 =	vadd.f32 v0, v5  }
0x127: {  	v2 =	vadd.f32 v2, v7;
	v1 =	vadd.f32 v3, v1  }
0x128: {  	v0 =	vadd.f32 v4, v0  }
0x129: {  	[tilespmem:s28+$0xFFFFFFF0] =	vst v1;
	v1 =	vadd.f32 v8, v2  }
0x12a: {  	[tilespmem:s28+$0x0] =	vst v0  }
0x12b: {  	s26 =	simm.s32 $0x13D20;
	[tilespmem:s28+$0x10] =	vst v1  }
0x12c: {  	v4 =	vld [tilespmem:s26+$0x10];
	_ =	sdelay $0x4  }
0x12d: {  	v0 =	vshrl.u32 v4, $0x1;
	v1 =	vmul.f32 $5.000000000e-01, v4  }
0x12e: {  	v0 =	vsub.s32 $0x5F3759DF, v0  }
0x12f: {  	v2 =	vmul.f32 v0, v1;
	_ =	sdelay $0x1  }
0x130: {  	v13 =	vld [tilespmem:s26+$0x0];
	v2 =	vmul.f32 v0, v2;
	_ =	sdelay $0x1  }
0x131: {  	v15 =	vld [tilespmem:s26+$0xFFFFFFF0];
	v2 =	vsub.f32 $1.500000000e+00, v2  }
0x132: {  	v18 =	vld [tilespmem:s26+$0xFFFFFFE0]  }
0x133: {  	v0 =	vmul.f32 v0, v2  }
0x134: {  	v5 =	vmul.f32 $5.000000000e-01, v13;
	v2 =	vshrl.u32 v13, $0x1  }
0x135: {  	v3 =	vsub.s32 $0x5F3759DF, v2;
	v2 =	vmul.f32 v0, v1  }
0x136: {  	v6 =	vshrl.u32 v15, $0x1;
	v8 =	vmul.f32 $5.000000000e-01, v15;
	v7 =	vmul.f32 v3, v5  }
0x137: {  	s25 =	simm.s32 $0x13D60;
	v10 =	vmul.f32 $5.000000000e-01, v18;
	v6 =	vsub.s32 $0x5F3759DF, v6;
	v9 =	vmul.f32 v2, v0  }
0x138: {  	v11 =	vshrl.u32 v18, $0x1;
	v12 =	vmul.f32 v6, v8;
	v7 =	vmul.f32 v3, v7;
	v2 =	vld [tilespmem:s25+$0x10]  }
0x139: {  	v11 =	vsub.s32 $0x5F3759DF, v11;
	v9 =	vsub.f32 $1.500000000e+00, v9  }
0x13a: {  	v14 =	vmul.f32 v11, v10;
	v12 =	vmul.f32 v6, v12;
	v7 =	vsub.f32 $1.500000000e+00, v7  }
0x13b: {  	v16 =	vmul.f32 v9, v0  }
0x13c: {  	v0 =	vsub.f32 $1.500000000e+00, v12;
	v12 =	vmul.f32 v3, v7;
	v3 =	vmul.f32 v11, v14  }
0x13d: {  	v14 =	vmul.f32 $5.000000000e-01, v2;
	v7 =	vmul.f32 v16, v1  }
0x13e: {  	v9 =	vshrl.u32 v2, $0x1;
	v6 =	vmul.f32 v6, v0;
	v17 =	vmul.f32 v12, v5  }
0x13f: {  	v1 =	vld [tilespmem:s25+$0x0];
	v19 =	vsub.s32 $0x5F3759DF, v9;
	v9 =	vsub.f32 $1.500000000e+00, v3;
	v20 =	vmul.f32 v7, v16  }
0x140: {  	v0 =	vld [tilespmem:s25+$0xFFFFFFF0];
	v7 =	vmul.f32 v19, v14;
	v17 =	vmul.f32 v17, v12  }
0x141: {  	v3 =	vld [tilespmem:s25+$0xFFFFFFE0];
	v21 =	vmul.f32 v6, v8;
	v11 =	vmul.f32 v11, v9  }
0x142: {  	v7 =	vmul.f32 v19, v7  }
0x143: {  	v17 =	vsub.f32 $1.500000000e+00, v17;
	v21 =	vmul.f32 v21, v6;
	v25 =	vmul.f32 v11, v10  }
0x144: {  	v20 =	vsub.f32 $1.500000000e+00, v20;
	v9 =	vshrl.u32 v1, $0x1;
	v23 =	vmul.f32 $5.000000000e-01, v1  }
0x145: {  	v26 =	vshrl.u32 v0, $0x1;
	v22 =	vsub.s32 $0x5F3759DF, v9;
	v24 =	vsub.f32 $1.500000000e+00, v7  }
0x146: {  	v9 =	vmul.f32 $5.000000000e-01, v0;
	v7 =	vmul.f32 $5.000000000e-01, v3;
	v26 =	vsub.s32 $0x5F3759DF, v26  }
0x147: {  	v12 =	vmul.f32 v17, v12;
	v21 =	vsub.f32 $1.500000000e+00, v21;
	v16 =	vmul.f32 v20, v16  }
0x148: {  	v19 =	vmul.f32 v19, v24;
	v27 =	vmul.f32 v26, v9  }
0x149: {  	v24 =	vmul.f32 v22, v23;
	v21 =	vmul.f32 v21, v6  }
0x14a: {  	v17 =	vmul.f32 v19, v14;
	v20 =	vmul.f32 v26, v27  }
0x14b: {  	v28 =	vshrl.u32 v3, $0x1;
	v5 =	vmul.f32 v12, v5;
	v24 =	vmul.f32 v22, v24  }
0x14c: {  	v27 =	vsub.s32 $0x5F3759DF, v28;
	v17 =	vmul.f32 v17, v19;
	v6 =	vsub.f32 $1.500000000e+00, v20  }
0x14d: {  	v5 =	vmul.f32 v5, v12;
	v20 =	vsub.f32 $1.500000000e+00, v24;
	v24 =	vmul.f32 v27, v7  }
0x14e: {  	v25 =	vmul.f32 v25, v11;
	v17 =	vsub.f32 $1.500000000e+00, v17;
	v26 =	vmul.f32 v26, v6  }
0x14f: {  	v20 =	vmul.f32 v22, v20;
	v6 =	vmul.f32 v27, v24;
	v24 =	vsub.f32 $1.500000000e+00, v5  }
0x150: {  	s28 =	simm.s32 $0x13DA0;
	vm0 =	vgt.f32 v4, $0.0e+00;
	v22 =	vmul.f32 v17, v19;
	v17 =	vmul.f32 v21, v8  }
0x151: {  	v19 =	vsub.f32 $1.500000000e+00, v25;
	v8 =	vld [tilespmem:s28+$0x10];
	v25 =	vmul.f32 v20, v23;
	v24 =	vmul.f32 v24, v12  }
0x152: {  	v6 =	vsub.f32 $1.500000000e+00, v6;
	v14 =	vmul.f32 v22, v14;
	v28 =	vmul.f32 v17, v21  }
0x153: {  	v4 =	vld [tilespmem:s28+$0xFFFFFFE0];
	v29 =	vmul.f32 v19, v11;
	v11 =	vmul.f32 v25, v20;
	v25 =	vnsel vm0, $0x0, v16  }
0x154: {  	v5 =	vld [tilespmem:s28+$0x0];
	v17 =	vmul.f32 v26, v9;
	v12 =	vmul.f32 v27, v6;
	vm0 =	vgt.f32 v18, $0.0e+00  }
0x155: {  	v14 =	vmul.f32 v14, v22;
	v10 =	vmul.f32 v29, v10;
	v19 =	vsub.f32 $1.500000000e+00, v11  }
0x156: {  	s1 =	simm.s32 $0x13FA0;
	v6 =	vld [tilespmem:s28+$0xFFFFFFF0];
	v31 =	vmul.f32 v17, v26;
	v11 =	vshrl.u32 v8, $0x1;
	v16 =	vmul.f32 $5.000000000e-01, v8  }
0x157: {  	s31 =	simm.s32 $0x14220;
	[tilespmem:s1+$0x10] =	vst v25;
	v35 =	vmul.f32 v12, v7;
	v28 =	vsub.f32 $1.500000000e+00, v28;
	v27 =	vsub.s32 $0x5F3759DF, v11  }
0x158: {  	v33 =	vld [tilespmem:s31+$0x10];
	v30 =	vsub.f32 $1.500000000e+00, v14;
	v32 =	vmul.f32 v10, v29;
	v17 =	vmul.f32 v27, v16  }
0x159: {  	v11 =	vshrl.u32 v4, $0x1;
	v10 =	vshrl.u32 v5, $0x1;
	v28 =	vmul.f32 v28, v21  }
0x15a: {  	v34 =	vsub.s32 $0x5F3759DF, v10;
	v10 =	vmul.f32 $5.000000000e-01, v5;
	v36 =	vmul.f32 v27, v17  }
0x15b: {  	v14 =	vsub.s32 $0x5F3759DF, v11;
	v11 =	vmul.f32 $5.000000000e-01, v4;
	v37 =	vshrl.u32 v6, $0x1  }
0x15c: {  	v17 =	vmul.f32 v19, v20;
	v19 =	vmul.f32 $5.000000000e-01, v6;
	v20 =	vsub.f32 $1.500000000e+00, v36  }
0x15d: {  	v37 =	vsub.s32 $0x5F3759DF, v37;
	v38 =	vmul.f32 v34, v10;
	v18 =	vmul.f32 v25, v33  }
0x15e: {  	v21 =	vmul.f32 v37, v19;
	v63 =	vmul.f32 v27, v20  }
0x15f: {  	vm1 =	vgt.f32 v13, $0.0e+00;
	v20 =	vmul.f32 v30, v22;
	v27 =	vmul.f32 v34, v38  }
0x160: {  	v25 =	vsub.f32 $1.500000000e+00, v31;
	v21 =	vmul.f32 v37, v21;
	v13 =	vmul.f32 v63, v16  }
0x161: {  	v22 =	vnsel vm1, $0x0, v24;
	v24 =	vmul.f32 v35, v12;
	v30 =	vsub.f32 $1.500000000e+00, v32  }
0x162: {  	vm1 =	vgt.f32 v15, $0.0e+00;
	[tilespmem:s1+$0x0] =	vst v22;
	v15 =	vsub.f32 $1.500000000e+00, v21;
	v31 =	vmul.f32 v13, v63  }
0x163: {  	v21 =	vsub.f32 $1.500000000e+00, v27;
	v27 =	vmul.f32 v14, v11;
	v13 =	vmul.f32 v25, v26;
	v26 =	vld [tilespmem:s31+$0x0]  }
0x164: {  	[tilespmem:s26+$0x10] =	vst v18;
	v25 =	vmul.f32 v30, v29;
	v29 =	vmul.f32 v17, v23;
	v18 =	vsub.f32 $1.500000000e+00, v31  }
0x165: {  	s21 =	simm.s32 $0x80;
	s29 =	simm.s32 $0x14260;
	s30 =	simm.s32 $0x13FE0;
	v15 =	vmul.f32 v37, v15;
	v21 =	vmul.f32 v34, v21;
	v23 =	vnsel vm1, $0x0, v28  }
0x166: {  	s22 =	simm.s32 $0x13DE0;
	s0 =	simm.s32 $0x13FE0;
	s3 =	simm.s32 $0x14260;
	v24 =	vsub.f32 $1.500000000e+00, v24;
	[tilespmem:s1+$0xFFFFFFF0] =	vst v23;
	v28 =	vmul.f32 v29, v17;
	v18 =	vmul.f32 v18, v63  }
.LBB2_9:
0x167: {  	s21 =	sadd.s32 $0x40, s21;
	v27 =	vmul.f32 v14, v27;
	v29 =	vmul.f32 v13, v9;
	s29 =	sadd.s32 $0x40, s29;
	s30 =	sadd.s32 $0x40, s30;
	v25 =	vnsel vm0, $0x0, v25;
	v30 =	vld [tilespmem:s31+$0xFFFFFFF0];
	v9 =	vmovc v19  }
0x168: {  	v19 =	vld [tilespmem:s22+$0x10];
	p0 =	slt.u32 s21, $0x240;
	v16 =	vmul.f32 v18, v16;
	v28 =	vsub.f32 $1.500000000e+00, v28;
	[tilespmem:s1+$0xFFFFFFE0] =	vst v25;
	v22 =	vmul.f32 v22, v26;
	s1 =	smov.u32 s0;
	s0 =	smov.u32 s30  }
0x169: {  	v26 =	vsub.f32 $1.500000000e+00, v27;
	v27 =	vmul.f32 v21, v10;
	v29 =	vmul.f32 v29, v13;
	v31 =	vld [tilespmem:s31+$0xFFFFFFE0];
	s31 =	smov.u32 s3;
	s3 =	smov.u32 s29  }
0x16a: {  	vm0 =	vgt.f32 v2, $0.0e+00;
	v2 =	vmovc v8;
	v24 =	vmul.f32 v24, v12;
	v32 =	vld [tilespmem:s22+$0x0];
	v16 =	vmul.f32 v16, v18;
	[tilespmem:s26+$0x0] =	vst v22  }
0x16b: {  	v20 =	vnsel vm0, $0x0, v20;
	v22 =	vld [tilespmem:s22+$0xFFFFFFE0];
	v33 =	vmul.f32 v27, v21;
	v27 =	vmul.f32 v28, v17  }
0x16c: {  	v17 =	vmul.f32 v15, v9;
	v28 =	vsub.f32 $1.500000000e+00, v16;
	v23 =	vmul.f32 v23, v30  }
0x16d: {  	v12 =	vmul.f32 v14, v26;
	v14 =	vmul.f32 v24, v7;
	v7 =	vmovc v11;
	v30 =	vld [tilespmem:s22+$0xFFFFFFF0];
	v26 =	vsub.f32 $1.500000000e+00, v33;
	v8 =	vmovc v19  }
0x16e: {  	v11 =	vshrl.u32 v8, $0x1;
	v16 =	vmul.f32 $5.000000000e-01, v8;
	v19 =	vmul.f32 v25, v31;
	[tilespmem:s26+$0xFFFFFFF0] =	vst v23  }
0x16f: {  	v25 =	vmul.f32 v17, v15;
	v31 =	vmul.f32 v14, v24;
	v23 =	vsub.s32 $0x5F3759DF, v11;
	[tilespmem:s1+$0x10] =	vst v20  }
0x170: {  	v14 =	vshrl.u32 v32, $0x1;
	v11 =	vshrl.u32 v22, $0x1;
	v17 =	vmul.f32 v23, v16;
	v33 =	vld [tilespmem:s31+$0x10];
	[tilespmem:s26+$0xFFFFFFE0] =	vst v19;
	s26 =	smov.u32 s25;
	s25 =	smov.u32 s28;
	s28 =	smov.u32 s22  }
0x171: {  	v36 =	vmul.f32 v12, v7;
	v35 =	vmul.f32 $5.000000000e-01, v32;
	v34 =	vsub.s32 $0x5F3759DF, v14  }
0x172: {  	v14 =	vsub.s32 $0x5F3759DF, v11;
	v11 =	vmul.f32 $5.000000000e-01, v22;
	v19 =	vmul.f32 v23, v17  }
0x173: {  	v38 =	vmul.f32 v34, v35;
	v37 =	vshrl.u32 v30, $0x1;
	v17 =	vmul.f32 v26, v21  }
0x174: {  	v29 =	vsub.f32 $1.500000000e+00, v29;
	v21 =	vsub.s32 $0x5F3759DF, v37;
	v26 =	vsub.f32 $1.500000000e+00, v19  }
0x175: {  	vm0 =	vgt.f32 v3, $0.0e+00;
	v3 =	vmovc v4;
	v4 =	vmovc v22;
	v19 =	vmul.f32 $5.000000000e-01, v30;
	v33 =	vmul.f32 v20, v33  }
0x176: {  	v29 =	vmul.f32 v29, v13;
	v37 =	vmul.f32 v23, v26;
	v23 =	vsub.f32 $1.500000000e+00, v25  }
0x177: {  	vm1 =	vgt.f32 v1, $0.0e+00;
	v1 =	vmovc v5;
	v20 =	vmul.f32 v28, v18;
	v13 =	vmul.f32 v21, v19;
	[tilespmem:s26+$0x10] =	vst v33  }
0x178: {  	v5 =	vmovc v32;
	v22 =	vnsel vm1, $0x0, v27;
	v18 =	vmul.f32 v34, v38;
	v25 =	vmul.f32 v37, v16  }
0x179: {  	v27 =	vsub.f32 $1.500000000e+00, v31;
	v28 =	vmul.f32 v36, v12;
	v26 =	vmul.f32 v21, v13;
	[tilespmem:s1+$0x0] =	vst v22  }
.Ltmp4:
0x17a: {  	vm1 =	vgt.f32 v0, $0.0e+00;
	v0 =	vmovc v6;
	v6 =	vmovc v30;
	v13 =	vmul.f32 v23, v15;
	v31 =	vmul.f32 v25, v37;
	(pc) =	sbr.rel @p0 .LBB2_9-.Ltmp4, $4  }
0x17b: {  	v18 =	vsub.f32 $1.500000000e+00, v18;
	v15 =	vsub.f32 $1.500000000e+00, v26;
	v25 =	vmul.f32 v27, v24;
	v26 =	vld [tilespmem:s31+$0x0]  }
0x17c: {  	v30 =	vmul.f32 v17, v10;
	v10 =	vmovc v35;
	v27 =	vmul.f32 v14, v11;
	v24 =	vsub.f32 $1.500000000e+00, v31  }
0x17d: {  	v23 =	vnsel vm1, $0x0, v29;
	v15 =	vmul.f32 v21, v15;
	v21 =	vmul.f32 v34, v18  }
0x17e: {  	s22 =	sadd.s32 $0x40, s22;
	v18 =	vmul.f32 v24, v37;
	v24 =	vsub.f32 $1.500000000e+00, v28;
	v28 =	vmul.f32 v30, v17;
	[tilespmem:s1+$0xFFFFFFF0] =	vst v23  }
0x17f: {  	v27 =	vmul.f32 v14, v27  }
0x180: {  	v9 =	vmul.f32 v13, v9  }
0x181: {  	v25 =	vnsel vm0, $0x0, v25;
	v46 =	vmul.f32 v21, v10;
	v45 =	vsub.f32 $1.500000000e+00, v27  }
0x182: {  	v49 =	vmul.f32 v15, v19;
	vm9 =	vgt.f32 v2, $0.0e+00;
	vm10 =	vgt.f32 v3, $0.0e+00  }
0x183: {  	vm1 =	vgt.f32 v1, $0.0e+00;
	v16 =	vmul.f32 v18, v16;
	v47 =	vmul.f32 v14, v45  }
0x184: {  	v22 =	vmul.f32 v22, v26;
	v28 =	vsub.f32 $1.500000000e+00, v28;
	v48 =	vmul.f32 v46, v21  }
0x185: {  	vm11 =	vgt.f32 v0, $0.0e+00;
	v12 =	vmul.f32 v24, v12;
	v50 =	vmul.f32 v47, v11  }
0x186: {  	v29 =	vld [tilespmem:s31+$0xFFFFFFF0];
	v26 =	vmul.f32 v49, v15;
	v2 =	vmul.f32 v28, v17;
	v24 =	vsub.f32 $1.500000000e+00, v48  }
0x187: {  	vm13 =	vgt.f32 v5, $0.0e+00;
	[tilespmem:s1+$0xFFFFFFE0] =	vst v25;
	v7 =	vmul.f32 v12, v7;
	v17 =	vmul.f32 v50, v47  }
0x188: {  	v9 =	vmul.f32 v9, v13;
	v30 =	vld [tilespmem:s31+$0xFFFFFFE0];
	v26 =	vsub.f32 $1.500000000e+00, v26;
	v51 =	vmul.f32 v24, v21  }
0x189: {  	v16 =	vmul.f32 v16, v18;
	v7 =	vmul.f32 v7, v12;
	v17 =	vsub.f32 $1.500000000e+00, v17  }
0x18a: {  	v20 =	vnsel vm9, $0x0, v20;
	v52 =	vmul.f32 v26, v15;
	v3 =	vmul.f32 v51, v10  }
0x18b: {  	v9 =	vsub.f32 $1.500000000e+00, v9;
	v23 =	vmul.f32 v23, v29;
	v53 =	vmul.f32 v17, v47  }
0x18c: {  	[tilespmem:s0+$0x10] =	vst v20;
	v7 =	vsub.f32 $1.500000000e+00, v7;
	v15 =	vmul.f32 v52, v19;
	v1 =	vmul.f32 v3, v51  }
0x18d: {  	[tilespmem:s26+$0x0] =	vst v22;
	v2 =	vnsel vm1, $0x0, v2;
	v25 =	vmul.f32 v25, v30;
	v3 =	vmul.f32 v53, v11  }
0x18e: {  	[tilespmem:s0+$0x0] =	vst v2;
	v7 =	vmul.f32 v7, v12;
	v55 =	vmul.f32 v15, v52;
	v0 =	vsub.f32 $1.500000000e+00, v1  }
0x18f: {  	v16 =	vsub.f32 $1.500000000e+00, v16;
	v9 =	vmul.f32 v9, v13;
	[tilespmem:s26+$0xFFFFFFF0] =	vst v23;
	v1 =	vmul.f32 v3, v53  }
0x190: {  	v56 =	vld [tilespmem:s3+$0x0];
	[tilespmem:s26+$0xFFFFFFE0] =	vst v25;
	v7 =	vnsel vm10, $0x0, v7;
	v11 =	vsub.f32 $1.500000000e+00, v55;
	v0 =	vmul.f32 v0, v51  }
0x191: {  	v54 =	vmul.f32 v16, v18;
	v9 =	vnsel vm11, $0x0, v9;
	[tilespmem:s0+$0xFFFFFFE0] =	vst v7;
	v3 =	vld [tilespmem:s3+$0x10];
	v1 =	vsub.f32 $1.500000000e+00, v1  }
0x192: {  	vm12 =	vgt.f32 v8, $0.0e+00;
	s31 =	sadd.s32 $0x40, s30;
	[tilespmem:s0+$0xFFFFFFF0] =	vst v9;
	v58 =	vld [tilespmem:s3+$0xFFFFFFE0];
	v11 =	vmul.f32 v11, v52;
	v0 =	vnsel vm13, $0x0, v0  }
0x193: {  	s21 =	sadd.s32 $0x40, s29;
	vm14 =	vgt.f32 v6, $0.0e+00;
	v14 =	vnsel vm12, $0x0, v54;
	v57 =	vld [tilespmem:s3+$0xFFFFFFF0];
	[tilespmem:s31+$0x0] =	vst v0;
	v1 =	vmul.f32 v1, v53  }
0x194: {  	vm15 =	vgt.f32 v4, $0.0e+00;
	[tilespmem:s31+$0x10] =	vst v14;
	v60 =	vnsel vm14, $0x0, v11;
	v61 =	vld [tilespmem:s21+$0x0]  }
0x195: {  	v59 =	vld [tilespmem:s21+$0x10];
	v2 =	vmul.f32 v2, v56;
	[tilespmem:s31+$0xFFFFFFF0] =	vst v60;
	v1 =	vnsel vm15, $0x0, v1  }
0x196: {  	v62 =	vld [tilespmem:s21+$0xFFFFFFF0];
	v3 =	vmul.f32 v20, v3;
	[tilespmem:s31+$0xFFFFFFE0] =	vst v1  }
0x197: {  	[tilespmem:s25+$0x0] =	vst v2;
	v2 =	vmul.f32 v7, v58;
	v63 =	vld [tilespmem:s21+$0xFFFFFFE0]  }
0x198: {  	[tilespmem:s25+$0x10] =	vst v3;
	v3 =	vmul.f32 v9, v57  }
0x199: {  	[tilespmem:s25+$0xFFFFFFE0] =	vst v2;
	v0 =	vmul.f32 v0, v61  }
0x19a: {  	[tilespmem:s25+$0xFFFFFFF0] =	vst v3;
	v3 =	vmul.f32 v14, v59  }
0x19b: {  	v2 =	vmul.f32 v60, v62;
	[tilespmem:s28+$0x0] =	vst v0  }
0x19c: {  	[tilespmem:s28+$0x10] =	vst v3;
	v0 =	vmul.f32 v1, v63  }
0x19d: {  	[tilespmem:s28+$0xFFFFFFF0] =	vst v2  }
0x19e: {  	s22 =	sadd.s32 s24, s23;
	s26 =	simm.s32 $0x2;
	s25 =	simm.s32 $0x13F80;
	[tilespmem:s28+$0xFFFFFFE0] =	vst v0  }
0x19f: {  	[spmem:s22] =	stream.linear.scatter [tilespmem:s25], [sflag:$0x2], $0x280, $0x38;
	[tilespmem:$0x17180] =	vst v63  }
0x1a0: {  	_ =	swait.ge [sflag:s26], $0x280  }
0x1a1: {  	[sflag:s26] =	ssyncset.done $0x0  }
0x1a2: {  	s29 =	rddreg [dreg:$0x3]  }
0x1a3: {  	s28 =	simm.s32 $0x13D00;
	[sflag:s26] =	ssyncadd.s32 $0xFFFFFD80;
	s24 =	sadd.s32 s24, s29  }
0x1a4: {  	[spmem:s24] =	stream.linear.scatter [tilespmem:s28], [sflag:$0x2], $0x280, $0x38;
	[tilespmem:$0x17180] =	vst v63  }
0x1a5: {  	_ =	swait.ge [sflag:s26], $0x280  }
0x1a6: {  	[sflag:s26] =	ssyncset.done $0x0  }
0x1a7: {  	[sflag:s26] =	ssyncadd.s32 $0xFFFFFD80  }
0x1a8: {  	s30 =	simm.s32 $0x9D00;
	[bflag:$0x0] =	sbarrier.arrive $0xFFFF  }
0x1a9: {  	[tilespmem:s30], [sflag:$0x1] =	stream.linear.gather [spmem:s23], $0x2800, $0x38;
	[tilespmem:$0x17180] =	vst v63  }
0x1aa: {  	s0 =	simm.s32 $0xED40;
	s31 =	simm.s32 $0xC500  }
0x1ab: {  	v0 =	vimm.f32 $0.0e+00;
	[tilespmem:s31], [sflag:$0x1] =	stream.linear.gather [spmem:s29], $0x2800, $0x38;
	[tilespmem:$0x17180] =	vst v63  }
0x1ac: {  	[tilespmem:s0+$0xFFFFFFC0] =	vst v0  }
0x1ad: {  	[tilespmem:s0+$0x30] =	vst v0  }
0x1ae: {  	[tilespmem:s0+$0x20] =	vst v0  }
0x1af: {  	[tilespmem:s0+$0x10] =	vst v0  }
0x1b0: {  	[tilespmem:s0+$0x0] =	vst v0  }
0x1b1: {  	[tilespmem:s0+$0xFFFFFFF0] =	vst v0  }
0x1b2: {  	s1 =	simm.s32 $0x0;
	[tilespmem:s0+$0xFFFFFFE0] =	vst v0  }
.LBB2_11:
0x1b3: {  	s1 =	sadd.s32 $0x80, s1;
	[tilespmem:s0+$0xFFFFFFD0] =	vst v0;
	s0 =	sadd.s32 $0x80, s0  }
0x1b4: {  	[tilespmem:s0+$0xFFFFFFC0] =	vst v0;
	p0 =	slt.u32 s1, $0x2780  }
0x1b5: {  	[tilespmem:s0+$0x30] =	vst v0  }
.Ltmp5:
0x1b6: {  	[tilespmem:s0+$0x20] =	vst v0;
	(pc) =	sbr.rel @p0 .LBB2_11-.Ltmp5, $4  }
0x1b7: {  	[tilespmem:s0+$0x10] =	vst v0  }
0x1b8: {  	[tilespmem:s0+$0x0] =	vst v0  }
0x1b9: {  	[tilespmem:s0+$0xFFFFFFF0] =	vst v0  }
0x1ba: {  	[tilespmem:s0+$0xFFFFFFE0] =	vst v0  }
0x1bb: {  	[tilespmem:s0+$0xFFFFFFD0] =	vst v0;
	s30 =	simm.s32 $0x1  }
0x1bc: {  	_ =	swait.ge [sflag:s30], $0x2800  }
0x1bd: {  	[sflag:s30] =	ssyncset.done $0x0  }
0x1be: {  	[sflag:s30] =	ssyncadd.s32 $0xFFFFD800  }
0x1bf: {  	_ =	swait.ge [sflag:s30], $0x2800  }
0x1c0: {  	[sflag:s30] =	ssyncset.done $0x0  }
0x1c1: {  	s31 =	simm.s32 $0x80;
	[sflag:s30] =	ssyncadd.s32 $0xFFFFD800  }
0x1c2: {  	s23 =	simm.s32 $0x4F00;
	v41 =	vld [tilespmem:s31+$0x70]  }
0x1c3: {  	v1 =	vld [tilespmem:s23+$0x70]  }
0x1c4: {  	v2 =	vld [tilespmem:s23+$0xFFFFFF80]  }
0x1c5: {  	v3 =	vld [tilespmem:s31+$0xFFFFFF90]  }
0x1c6: {  	v4 =	vld [tilespmem:s23+$0xFFFFFF90]  }
0x1c7: {  	v5 =	vld [tilespmem:s31+$0xFFFFFFA0]  }
0x1c8: {  	v6 =	vld [tilespmem:s23+$0xFFFFFFA0]  }
0x1c9: {  	v7 =	vld [tilespmem:s31+$0xFFFFFFB0]  }
0x1ca: {  	v9 =	vld [tilespmem:s23+$0xFFFFFFB0]  }
0x1cb: {  	v10 =	vld [tilespmem:s31+$0xFFFFFFC0]  }
0x1cc: {  	v11 =	vld [tilespmem:s23+$0xFFFFFFC0]  }
0x1cd: {  	v12 =	vld [tilespmem:s31+$0xFFFFFFD0]  }
0x1ce: {  	v13 =	vld [tilespmem:s23+$0xFFFFFFD0]  }
0x1cf: {  	v14 =	vld [tilespmem:s31+$0xFFFFFFE0]  }
0x1d0: {  	v42 =	vld [tilespmem:s23+$0xFFFFFFE0]  }
0x1d1: {  	v43 =	vld [tilespmem:s31+$0xFFFFFFF0]  }
0x1d2: {  	v44 =	vld [tilespmem:s23+$0xFFFFFFF0]  }
0x1d3: {  	v15 =	vld [tilespmem:s31+$0x0]  }
0x1d4: {  	v16 =	vld [tilespmem:s23+$0x0]  }
0x1d5: {  	v17 =	vld [tilespmem:s31+$0x10]  }
0x1d6: {  	v18 =	vld [tilespmem:s23+$0x10]  }
0x1d7: {  	v19 =	vld [tilespmem:s31+$0x20]  }
0x1d8: {  	v20 =	vld [tilespmem:s23+$0x20]  }
0x1d9: {  	v21 =	vld [tilespmem:s31+$0x30]  }
0x1da: {  	v22 =	vld [tilespmem:s23+$0x30]  }
0x1db: {  	v23 =	vld [tilespmem:s31+$0x40]  }
0x1dc: {  	v24 =	vld [tilespmem:s23+$0x40]  }
0x1dd: {  	v25 =	vld [tilespmem:s31+$0x50]  }
0x1de: {  	v26 =	vld [tilespmem:s23+$0x50]  }
0x1df: {  	v27 =	vld [tilespmem:s31+$0x60]  }
0x1e0: {  	v28 =	vld [tilespmem:s31+$0xFFFFFF80]  }
0x1e1: {  	s25 =	simm.s32 $0xC500;
	v29 =	vld [tilespmem:s23+$0x60]  }
0x1e2: {  	s26 =	simm.s32 $0x9D00;
	v0 =	vld.idx.msk [tilespmem:v41+s25+$0x0], $0xffff  }
0x1e3: {  	v8 =	vld.idx.msk [tilespmem:v1+s26+$0x0], $0xffff  }
0x1e4: {  	v30 =	vld.idx.msk [tilespmem:v2+s26+$0x0], $0xffff  }
0x1e5: {  	v3 =	vld.idx.msk [tilespmem:v3+s25+$0x0], $0xffff  }
0x1e6: {  	v31 =	vld.idx.msk [tilespmem:v4+s26+$0x0], $0xffff  }
0x1e7: {  	v5 =	vld.idx.msk [tilespmem:v5+s25+$0x0], $0xffff  }
0x1e8: {  	v32 =	vld.idx.msk [tilespmem:v6+s26+$0x0], $0xffff  }
0x1e9: {  	v7 =	vld.idx.msk [tilespmem:v7+s25+$0x0], $0xffff  }
0x1ea: {  	v28 =	vld.idx.msk [tilespmem:v28+s25+$0x0], $0xffff  }
0x1eb: {  	v33 =	vld.idx.msk [tilespmem:v9+s26+$0x0], $0xffff  }
0x1ec: {  	v10 =	vld.idx.msk [tilespmem:v10+s25+$0x0], $0xffff  }
0x1ed: {  	v34 =	vld.idx.msk [tilespmem:v11+s26+$0x0], $0xffff  }
0x1ee: {  	v12 =	vld.idx.msk [tilespmem:v12+s25+$0x0], $0xffff  }
0x1ef: {  	v45 =	vld.idx.msk [tilespmem:v13+s26+$0x0], $0xffff  }
0x1f0: {  	v14 =	vld.idx.msk [tilespmem:v14+s25+$0x0], $0xffff  }
0x1f1: {  	v46 =	vld.idx.msk [tilespmem:v42+s26+$0x0], $0xffff  }
0x1f2: {  	v47 =	vld.idx.msk [tilespmem:v44+s26+$0x0], $0xffff  }
0x1f3: {  	v15 =	vld.idx.msk [tilespmem:v15+s25+$0x0], $0xffff  }
0x1f4: {  	v48 =	vld.idx.msk [tilespmem:v16+s26+$0x0], $0xffff  }
0x1f5: {  	v17 =	vld.idx.msk [tilespmem:v17+s25+$0x0], $0xffff  }
0x1f6: {  	v49 =	vld.idx.msk [tilespmem:v18+s26+$0x0], $0xffff  }
0x1f7: {  	v50 =	vld.idx.msk [tilespmem:v19+s25+$0x0], $0xffff  }
0x1f8: {  	v51 =	vld.idx.msk [tilespmem:v20+s26+$0x0], $0xffff  }
0x1f9: {  	v21 =	vld.idx.msk [tilespmem:v21+s25+$0x0], $0xffff  }
0x1fa: {  	v52 =	vld.idx.msk [tilespmem:v22+s26+$0x0], $0xffff  }
0x1fb: {  	v23 =	vld.idx.msk [tilespmem:v23+s25+$0x0], $0xffff  }
0x1fc: {  	v53 =	vld.idx.msk [tilespmem:v24+s26+$0x0], $0xffff  }
0x1fd: {  	v54 =	vld.idx.msk [tilespmem:v25+s25+$0x0], $0xffff  }
0x1fe: {  	v55 =	vld.idx.msk [tilespmem:v26+s26+$0x0], $0xffff  }
0x1ff: {  	v27 =	vld.idx.msk [tilespmem:v27+s25+$0x0], $0xffff;
	v0 =	vmul.f32 v8, v0  }
0x200: {  	s28 =	simm.s32 $0xED00;
	v56 =	vld.idx.msk [tilespmem:v29+s26+$0x0], $0xffff;
	v28 =	vmul.f32 v30, v28  }
0x201: {  	[tilespmem:v1+s28+$0x0] =	vst.idx.add.f32.msk $0xffff, v0  }
0x202: {  	v3 =	vmul.f32 v31, v3;
	[tilespmem:v2+s28+$0x0] =	vst.idx.add.f32.msk $0xffff, v28  }
0x203: {  	v5 =	vmul.f32 v32, v5;
	v0 =	vld.idx.msk [tilespmem:v43+s25+$0x0], $0xffff  }
0x204: {  	v7 =	vmul.f32 v33, v7;
	[tilespmem:v4+s28+$0x0] =	vst.idx.add.f32.msk $0xffff, v3  }
0x205: {  	v10 =	vmul.f32 v34, v10;
	[tilespmem:v6+s28+$0x0] =	vst.idx.add.f32.msk $0xffff, v5  }
0x206: {  	v12 =	vmul.f32 v45, v12;
	[tilespmem:v9+s28+$0x0] =	vst.idx.add.f32.msk $0xffff, v7  }
0x207: {  	v57 =	vmul.f32 v48, v15;
	[tilespmem:v11+s28+$0x0] =	vst.idx.add.f32.msk $0xffff, v10  }
0x208: {  	v58 =	vmul.f32 v49, v17;
	[tilespmem:v13+s28+$0x0] =	vst.idx.add.f32.msk $0xffff, v12  }
0x209: {  	v59 =	vmul.f32 v51, v50;
	[tilespmem:v16+s28+$0x0] =	vst.idx.add.f32.msk $0xffff, v57  }
0x20a: {  	v60 =	vmul.f32 v52, v21;
	[tilespmem:v18+s28+$0x0] =	vst.idx.add.f32.msk $0xffff, v58  }
0x20b: {  	v61 =	vmul.f32 v53, v23;
	[tilespmem:v20+s28+$0x0] =	vst.idx.add.f32.msk $0xffff, v59  }
0x20c: {  	v62 =	vmul.f32 v55, v54;
	[tilespmem:v22+s28+$0x0] =	vst.idx.add.f32.msk $0xffff, v60  }
0x20d: {  	v63 =	vmul.f32 v56, v27;
	[tilespmem:v24+s28+$0x0] =	vst.idx.add.f32.msk $0xffff, v61  }
0x20e: {  	v2 =	vmul.f32 v46, v14;
	[tilespmem:v26+s28+$0x0] =	vst.idx.add.f32.msk $0xffff, v62  }
0x20f: {  	[tilespmem:v29+s28+$0x0] =	vst.idx.add.f32.msk $0xffff, v63;
	v0 =	vmul.f32 v47, v0  }
0x210: {  	[tilespmem:v42+s28+$0x0] =	vst.idx.add.f32.msk $0xffff, v2  }
0x211: {  	s0 =	simm.s32 $0x0;
	s1 =	simm.s32 $0x180;
	[tilespmem:v44+s28+$0x0] =	vst.idx.add.f32.msk $0xffff, v0  }
.LBB2_13:
0x212: {  	v3 =	vld [tilespmem:s1+$0x70];
	s23 =	sadd.s32 $0x100, s23  }
0x213: {  	s0 =	sadd.s32 $0x100, s0;
	v5 =	vld [tilespmem:s23+$0x70]  }
0x214: {  	p0 =	slt.u32 s0, $0x4D00;
	v0 =	vld [tilespmem:s23+$0xFFFFFF80]  }
0x215: {  	v6 =	vld [tilespmem:s1+$0xFFFFFF90]  }
0x216: {  	v1 =	vld [tilespmem:s23+$0xFFFFFF90]  }
0x217: {  	v7 =	vld [tilespmem:s1+$0xFFFFFFA0]  }
0x218: {  	v2 =	vld [tilespmem:s23+$0xFFFFFFA0]  }
0x219: {  	v8 =	vld [tilespmem:s1+$0xFFFFFFB0]  }
0x21a: {  	v9 =	vld.idx.msk [tilespmem:v3+s25+$0x0], $0xffff  }
0x21b: {  	v10 =	vld.idx.msk [tilespmem:v5+s26+$0x0], $0xffff  }
0x21c: {  	v3 =	vld [tilespmem:s23+$0xFFFFFFB0]  }
0x21d: {  	v11 =	vld [tilespmem:s1+$0xFFFFFFC0]  }
0x21e: {  	v4 =	vld [tilespmem:s23+$0xFFFFFFC0]  }
0x21f: {  	v12 =	vld [tilespmem:s1+$0xFFFFFFD0]  }
0x220: {  	v13 =	vld [tilespmem:s23+$0xFFFFFFD0]  }
0x221: {  	v9 =	vmul.f32 v10, v9;
	v14 =	vld [tilespmem:s1+$0xFFFFFFE0]  }
0x222: {  	v10 =	vld [tilespmem:s23+$0xFFFFFFE0]  }
0x223: {  	[tilespmem:v5+s28+$0x0] =	vst.idx.add.f32.msk $0xffff, v9  }
0x224: {  	v5 =	vld [tilespmem:s1+$0xFFFFFFF0]  }
0x225: {  	v9 =	vld [tilespmem:s23+$0xFFFFFFF0]  }
0x226: {  	v15 =	vld [tilespmem:s1+$0x0]  }
0x227: {  	v16 =	vld [tilespmem:s23+$0x0]  }
0x228: {  	v17 =	vld [tilespmem:s1+$0x10]  }
0x229: {  	v18 =	vld [tilespmem:s23+$0x10]  }
0x22a: {  	v19 =	vld [tilespmem:s1+$0x20]  }
0x22b: {  	v20 =	vld [tilespmem:s23+$0x20]  }
0x22c: {  	v21 =	vld [tilespmem:s1+$0x30]  }
0x22d: {  	v22 =	vld [tilespmem:s23+$0x30]  }
0x22e: {  	v23 =	vld [tilespmem:s1+$0x40]  }
0x22f: {  	v24 =	vld [tilespmem:s23+$0x40]  }
0x230: {  	v25 =	vld [tilespmem:s1+$0x50]  }
0x231: {  	v26 =	vld [tilespmem:s23+$0x50]  }
0x232: {  	v27 =	vld [tilespmem:s1+$0x60]  }
0x233: {  	v28 =	vld [tilespmem:s23+$0x60]  }
0x234: {  	v29 =	vld [tilespmem:s1+$0xFFFFFF80]  }
0x235: {  	v30 =	vld.idx.msk [tilespmem:v0+s26+$0x0], $0xffff  }
0x236: {  	v6 =	vld.idx.msk [tilespmem:v6+s25+$0x0], $0xffff  }
0x237: {  	v31 =	vld.idx.msk [tilespmem:v1+s26+$0x0], $0xffff  }
0x238: {  	v7 =	vld.idx.msk [tilespmem:v7+s25+$0x0], $0xffff  }
0x239: {  	v32 =	vld.idx.msk [tilespmem:v2+s26+$0x0], $0xffff  }
0x23a: {  	v8 =	vld.idx.msk [tilespmem:v8+s25+$0x0], $0xffff  }
0x23b: {  	v33 =	vld.idx.msk [tilespmem:v3+s26+$0x0], $0xffff  }
0x23c: {  	v29 =	vld.idx.msk [tilespmem:v29+s25+$0x0], $0xffff  }
0x23d: {  	v6 =	vmul.f32 v31, v6;
	v11 =	vld.idx.msk [tilespmem:v11+s25+$0x0], $0xffff  }
0x23e: {  	v31 =	vld.idx.msk [tilespmem:v4+s26+$0x0], $0xffff  }
0x23f: {  	v7 =	vmul.f32 v32, v7;
	v12 =	vld.idx.msk [tilespmem:v12+s25+$0x0], $0xffff  }
0x240: {  	v32 =	vld.idx.msk [tilespmem:v13+s26+$0x0], $0xffff  }
0x241: {  	v8 =	vmul.f32 v33, v8;
	v14 =	vld.idx.msk [tilespmem:v14+s25+$0x0], $0xffff  }
0x242: {  	v29 =	vmul.f32 v30, v29;
	v30 =	vld.idx.msk [tilespmem:v10+s26+$0x0], $0xffff  }
0x243: {  	v5 =	vld.idx.msk [tilespmem:v5+s25+$0x0], $0xffff  }
0x244: {  	v11 =	vmul.f32 v31, v11;
	v31 =	vld.idx.msk [tilespmem:v9+s26+$0x0], $0xffff  }
0x245: {  	v15 =	vld.idx.msk [tilespmem:v15+s25+$0x0], $0xffff  }
0x246: {  	v12 =	vmul.f32 v32, v12;
	v32 =	vld.idx.msk [tilespmem:v16+s26+$0x0], $0xffff  }
0x247: {  	v17 =	vld.idx.msk [tilespmem:v17+s25+$0x0], $0xffff  }
0x248: {  	v14 =	vmul.f32 v30, v14;
	v30 =	vld.idx.msk [tilespmem:v18+s26+$0x0], $0xffff  }
0x249: {  	v19 =	vld.idx.msk [tilespmem:v19+s25+$0x0], $0xffff  }
0x24a: {  	v5 =	vmul.f32 v31, v5;
	v31 =	vld.idx.msk [tilespmem:v20+s26+$0x0], $0xffff  }
0x24b: {  	v21 =	vld.idx.msk [tilespmem:v21+s25+$0x0], $0xffff  }
0x24c: {  	v15 =	vmul.f32 v32, v15;
	v32 =	vld.idx.msk [tilespmem:v22+s26+$0x0], $0xffff  }
0x24d: {  	v23 =	vld.idx.msk [tilespmem:v23+s25+$0x0], $0xffff  }
0x24e: {  	v17 =	vmul.f32 v30, v17;
	v30 =	vld.idx.msk [tilespmem:v24+s26+$0x0], $0xffff  }
0x24f: {  	v25 =	vld.idx.msk [tilespmem:v25+s25+$0x0], $0xffff  }
0x250: {  	v19 =	vmul.f32 v31, v19;
	v31 =	vld.idx.msk [tilespmem:v26+s26+$0x0], $0xffff  }
0x251: {  	v27 =	vld.idx.msk [tilespmem:v27+s25+$0x0], $0xffff  }
0x252: {  	v21 =	vmul.f32 v32, v21;
	v32 =	vld.idx.msk [tilespmem:v28+s26+$0x0], $0xffff  }
0x253: {  	[tilespmem:v0+s28+$0x0] =	vst.idx.add.f32.msk $0xffff, v29  }
0x254: {  	v0 =	vmul.f32 v30, v23;
	[tilespmem:v1+s28+$0x0] =	vst.idx.add.f32.msk $0xffff, v6  }
0x255: {  	[tilespmem:v2+s28+$0x0] =	vst.idx.add.f32.msk $0xffff, v7  }
0x256: {  	v1 =	vmul.f32 v31, v25;
	[tilespmem:v3+s28+$0x0] =	vst.idx.add.f32.msk $0xffff, v8  }
0x257: {  	[tilespmem:v4+s28+$0x0] =	vst.idx.add.f32.msk $0xffff, v11  }
0x258: {  	v2 =	vmul.f32 v32, v27;
	[tilespmem:v13+s28+$0x0] =	vst.idx.add.f32.msk $0xffff, v12  }
0x259: {  	[tilespmem:v10+s28+$0x0] =	vst.idx.add.f32.msk $0xffff, v14  }
0x25a: {  	[tilespmem:v9+s28+$0x0] =	vst.idx.add.f32.msk $0xffff, v5  }
0x25b: {  	[tilespmem:v16+s28+$0x0] =	vst.idx.add.f32.msk $0xffff, v15  }
0x25c: {  	[tilespmem:v18+s28+$0x0] =	vst.idx.add.f32.msk $0xffff, v17  }
.Ltmp6:
0x25d: {  	[tilespmem:v20+s28+$0x0] =	vst.idx.add.f32.msk $0xffff, v19;
	(pc) =	sbr.rel @p0 .LBB2_13-.Ltmp6, $4  }
0x25e: {  	[tilespmem:v22+s28+$0x0] =	vst.idx.add.f32.msk $0xffff, v21  }
0x25f: {  	[tilespmem:v24+s28+$0x0] =	vst.idx.add.f32.msk $0xffff, v0  }
0x260: {  	[tilespmem:v26+s28+$0x0] =	vst.idx.add.f32.msk $0xffff, v1  }
0x261: {  	s1 =	sadd.s32 $0x100, s1;
	[tilespmem:v28+s28+$0x0] =	vst.idx.add.f32.msk $0xffff, v2  }
0x262: {  	s0 =	simm.s32 $0x4DF0;
	s1 =	simm.s32 $0x9C80;
	s3 =	simm.s32 $0x4E00  }
0x263: {  	s21 =	simm.s32 $0xC500;
	s22 =	simm.s32 $0x9D00;
	s23 =	simm.s32 $0xED00  }
.LBB2_15:
0x264: {  	v0 =	vld [tilespmem:s3+$0x0]  }
0x265: {  	v1 =	vld [tilespmem:s1+$0x0];
	_ =	sdelay $0x6  }
0x266: {  	v0 =	vld.idx.msk [tilespmem:v0+s21+$0x0], $0xffff  }
0x267: {  	v2 =	vld.idx.msk [tilespmem:v1+s22+$0x0], $0xffff  }
0x268: {  	s0 =	sadd.s32 $0x10, s0  }
0x269: {  	p0 =	slt.u32 s0, $0x4E10  }
.Ltmp7:
0x26a: {  	_ = 	snop;
	(pc) =	sbr.rel @p0 .LBB2_15-.Ltmp7, $3  }
0x26b: {  	_ = 	snop  }
0x26c: {  	v0 =	vmul.f32 v2, v0;
	_ =	sdelay $0x1  }
0x26d: {  	s1 =	sadd.s32 $0x10, s1;
	s3 =	sadd.s32 $0x10, s3;
	[tilespmem:v1+s23+$0x0] =	vst.idx.add.f32.msk $0xffff, v0  }
0x26e: {  	s0 =	simm.s32 $0xED00;
	s3 =	simm.s32 $0x2  }
0x26f: {  	[spmem:s4] =	stream.linear.scatter [tilespmem:s0], [sflag:$0x2], $0x2800, $0x38;
	[tilespmem:$0x17180] =	vst v63  }
0x270: {  	_ =	swait.ge [sflag:s3], $0x2800  }
0x271: {  	[sflag:s3] =	ssyncset.done $0x0  }
0x272: {  	[sflag:s3] =	ssyncadd.s32 $0xFFFFD800  }
0x273: {  	s21 =	simm.s32 $0x11500;
	[bflag:$0x0] =	sbarrier.arrive $0xFFFF  }
0x274: {  	[tilespmem:s21], [sflag:$0x1] =	stream.linear.gather [spmem:s5], $0x280, $0x38;
	[tilespmem:$0x17180] =	vst v63  }
0x275: {  	s22 =	simm.s32 $0x11780  }
0x276: {  	[tilespmem:s22], [sflag:$0x1] =	stream.linear.gather [spmem:s6], $0x280, $0x38;
	[tilespmem:$0x17180] =	vst v63  }
0x277: {  	s23 =	simm.s32 $0x11A00  }
0x278: {  	[tilespmem:s23], [sflag:$0x1] =	stream.linear.gather [spmem:s7], $0x280, $0x38;
	[tilespmem:$0x17180] =	vst v63  }
0x279: {  	s25 =	simm.s32 $0x11C80  }
0x27a: {  	[tilespmem:s25], [sflag:$0x1] =	stream.linear.gather [spmem:s8], $0x280, $0x38;
	[tilespmem:$0x17180] =	vst v63  }
0x27b: {  	s26 =	simm.s32 $0x11F00  }
0x27c: {  	[tilespmem:s26], [sflag:$0x1] =	stream.linear.gather [spmem:s9], $0x280, $0x38;
	[tilespmem:$0x17180] =	vst v63  }
0x27d: {  	s28 =	simm.s32 $0x12180  }
0x27e: {  	[tilespmem:s28], [sflag:$0x1] =	stream.linear.gather [spmem:s10], $0x280, $0x38;
	[tilespmem:$0x17180] =	vst v63  }
0x27f: {  	s30 =	simm.s32 $0x12400  }
0x280: {  	[tilespmem:s30], [sflag:$0x1] =	stream.linear.gather [spmem:s11], $0x280, $0x38;
	[tilespmem:$0x17180] =	vst v63  }
0x281: {  	s31 =	simm.s32 $0x12680  }
0x282: {  	[tilespmem:s31], [sflag:$0x1] =	stream.linear.gather [spmem:s12], $0x280, $0x38;
	[tilespmem:$0x17180] =	vst v63  }
0x283: {  	s1 =	simm.s32 $0x12900  }
0x284: {  	[tilespmem:s1], [sflag:$0x1] =	stream.linear.gather [spmem:s13], $0x280, $0x38;
	[tilespmem:$0x17180] =	vst v63  }
0x285: {  	s3 =	simm.s32 $0x12B80  }
0x286: {  	[tilespmem:s3], [sflag:$0x1] =	stream.linear.gather [spmem:s14], $0x280, $0x38;
	[tilespmem:$0x17180] =	vst v63  }
0x287: {  	s21 =	simm.s32 $0x12E00  }
0x288: {  	[tilespmem:s21], [sflag:$0x1] =	stream.linear.gather [spmem:s15], $0x280, $0x38;
	[tilespmem:$0x17180] =	vst v63  }
0x289: {  	s22 =	simm.s32 $0x13080  }
0x28a: {  	[tilespmem:s22], [sflag:$0x1] =	stream.linear.gather [spmem:s16], $0x280, $0x38;
	[tilespmem:$0x17180] =	vst v63  }
0x28b: {  	s23 =	simm.s32 $0x13300  }
0x28c: {  	[tilespmem:s23], [sflag:$0x1] =	stream.linear.gather [spmem:s17], $0x280, $0x38;
	[tilespmem:$0x17180] =	vst v63  }
0x28d: {  	s25 =	simm.s32 $0x13580  }
0x28e: {  	[tilespmem:s25], [sflag:$0x1] =	stream.linear.gather [spmem:s18], $0x280, $0x38;
	[tilespmem:$0x17180] =	vst v63  }
0x28f: {  	s26 =	simm.s32 $0x13800  }
0x290: {  	[tilespmem:s26], [sflag:$0x1] =	stream.linear.gather [spmem:s19], $0x280, $0x38;
	[tilespmem:$0x17180] =	vst v63  }
0x291: {  	s28 =	simm.s32 $0x13A80;
	s30 =	simm.s32 $0x1  }
0x292: {  	[tilespmem:s28], [sflag:$0x1] =	stream.linear.gather [spmem:s20], $0x280, $0x38;
	[tilespmem:$0x17180] =	vst v63  }
0x293: {  	_ =	swait.ge [sflag:s30], $0x280  }
0x294: {  	[sflag:s30] =	ssyncset.done $0x0  }
0x295: {  	[sflag:s30] =	ssyncadd.s32 $0xFFFFFD80  }
0x296: {  	_ =	swait.ge [sflag:s30], $0x280  }
0x297: {  	[sflag:s30] =	ssyncset.done $0x0  }
0x298: {  	[sflag:s30] =	ssyncadd.s32 $0xFFFFFD80  }
0x299: {  	_ =	swait.ge [sflag:s30], $0x280  }
0x29a: {  	[sflag:s30] =	ssyncset.done $0x0  }
0x29b: {  	[sflag:s30] =	ssyncadd.s32 $0xFFFFFD80  }
0x29c: {  	_ =	swait.ge [sflag:s30], $0x280  }
0x29d: {  	[sflag:s30] =	ssyncset.done $0x0  }
0x29e: {  	[sflag:s30] =	ssyncadd.s32 $0xFFFFFD80  }
0x29f: {  	_ =	swait.ge [sflag:s30], $0x280  }
0x2a0: {  	[sflag:s30] =	ssyncset.done $0x0  }
0x2a1: {  	[sflag:s30] =	ssyncadd.s32 $0xFFFFFD80  }
0x2a2: {  	_ =	swait.ge [sflag:s30], $0x280  }
0x2a3: {  	[sflag:s30] =	ssyncset.done $0x0  }
0x2a4: {  	[sflag:s30] =	ssyncadd.s32 $0xFFFFFD80  }
0x2a5: {  	_ =	swait.ge [sflag:s30], $0x280  }
0x2a6: {  	[sflag:s30] =	ssyncset.done $0x0  }
0x2a7: {  	[sflag:s30] =	ssyncadd.s32 $0xFFFFFD80  }
0x2a8: {  	_ =	swait.ge [sflag:s30], $0x280  }
0x2a9: {  	[sflag:s30] =	ssyncset.done $0x0  }
0x2aa: {  	[sflag:s30] =	ssyncadd.s32 $0xFFFFFD80  }
0x2ab: {  	_ =	swait.ge [sflag:s30], $0x280  }
0x2ac: {  	[sflag:s30] =	ssyncset.done $0x0  }
0x2ad: {  	[sflag:s30] =	ssyncadd.s32 $0xFFFFFD80  }
0x2ae: {  	_ =	swait.ge [sflag:s30], $0x280  }
0x2af: {  	[sflag:s30] =	ssyncset.done $0x0  }
0x2b0: {  	[sflag:s30] =	ssyncadd.s32 $0xFFFFFD80  }
0x2b1: {  	_ =	swait.ge [sflag:s30], $0x280  }
0x2b2: {  	[sflag:s30] =	ssyncset.done $0x0  }
0x2b3: {  	[sflag:s30] =	ssyncadd.s32 $0xFFFFFD80  }
0x2b4: {  	_ =	swait.ge [sflag:s30], $0x280  }
0x2b5: {  	[sflag:s30] =	ssyncset.done $0x0  }
0x2b6: {  	[sflag:s30] =	ssyncadd.s32 $0xFFFFFD80  }
0x2b7: {  	_ =	swait.ge [sflag:s30], $0x280  }
0x2b8: {  	[sflag:s30] =	ssyncset.done $0x0  }
0x2b9: {  	[sflag:s30] =	ssyncadd.s32 $0xFFFFFD80  }
0x2ba: {  	_ =	swait.ge [sflag:s30], $0x280  }
0x2bb: {  	[sflag:s30] =	ssyncset.done $0x0  }
0x2bc: {  	[sflag:s30] =	ssyncadd.s32 $0xFFFFFD80  }
0x2bd: {  	_ =	swait.ge [sflag:s30], $0x280  }
0x2be: {  	[sflag:s30] =	ssyncset.done $0x0  }
0x2bf: {  	[sflag:s30] =	ssyncadd.s32 $0xFFFFFD80  }
0x2c0: {  	_ =	swait.ge [sflag:s30], $0x280  }
0x2c1: {  	[sflag:s30] =	ssyncset.done $0x0  }
0x2c2: {  	s23 =	simm.s32 $0x12910;
	s25 =	simm.s32 $0x0;
	[sflag:s30] =	ssyncadd.s32 $0xFFFFFD80  }
0x2c3: {  	s31 =	sand.u32 $0x3C0, s25;
	v0 =	vld [tilespmem:s23+$0xFFFFEBF0]  }
0x2c4: {  	v1 =	vld [tilespmem:s31+$0x11780]  }
0x2c5: {  	v2 =	vld [tilespmem:s23+$0xFFFFEC00]  }
0x2c6: {  	v3 =	vld [tilespmem:s31+$0x11A00]  }
0x2c7: {  	v4 =	vld [tilespmem:s23+$0xFFFFEE80]  }
0x2c8: {  	v5 =	vld [tilespmem:s31+$0x11C80]  }
0x2c9: {  	v6 =	vld [tilespmem:s23+$0xFFFFEC10]  }
0x2ca: {  	v7 =	vld [tilespmem:s31+$0x11F00]  }
0x2cb: {  	v8 =	vld [tilespmem:s23+$0xFFFFEE90]  }
0x2cc: {  	v9 =	vld [tilespmem:s31+$0x12180]  }
0x2cd: {  	v10 =	vld [tilespmem:s23+$0xFFFFEC20]  }
0x2ce: {  	v11 =	vld [tilespmem:s31+$0x12400]  }
0x2cf: {  	v12 =	vld [tilespmem:s23+$0xFFFFEEA0]  }
0x2d0: {  	v13 =	vld [tilespmem:s31+$0x12680]  }
0x2d1: {  	v14 =	vld [tilespmem:s23+$0xFFFFF100]  }
0x2d2: {  	v15 =	vld [tilespmem:s31+$0x12900]  }
0x2d3: {  	v16 =	vld [tilespmem:s23+$0xFFFFF110]  }
0x2d4: {  	v17 =	vld [tilespmem:s31+$0x12B80]  }
0x2d5: {  	v18 =	vld [tilespmem:s23+$0xFFFFF120]  }
0x2d6: {  	v19 =	vld [tilespmem:s31+$0x12E00]  }
0x2d7: {  	v20 =	vld [tilespmem:s23+$0xFFFFF380]  }
0x2d8: {  	v21 =	vld [tilespmem:s31+$0x13080]  }
0x2d9: {  	v22 =	vld [tilespmem:s23+$0xFFFFF390]  }
0x2da: {  	v23 =	vld [tilespmem:s31+$0x13300]  }
0x2db: {  	v24 =	vld [tilespmem:s23+$0xFFFFF3A0]  }
0x2dc: {  	v25 =	vld [tilespmem:s31+$0x13580]  }
0x2dd: {  	v26 =	vld [tilespmem:s23+$0xFFFFF600]  }
0x2de: {  	v27 =	vld [tilespmem:s31+$0x13800]  }
0x2df: {  	v28 =	vld [tilespmem:s23+$0xFFFFF610]  }
0x2e0: {  	v29 =	vld [tilespmem:s31+$0x13A80]  }
0x2e1: {  	v30 =	vld [tilespmem:s23+$0xFFFFF620]  }
0x2e2: {  	v31 =	vld [tilespmem:s23+$0xFFFFF890];
	v0 =	vadd.f32 v1, v0  }
0x2e3: {  	v32 =	vld [tilespmem:s23+$0xFFFFFB00]  }
0x2e4: {  	v33 =	vld [tilespmem:s23+$0xFFFFFB20];
	v0 =	vadd.f32 v3, v0  }
0x2e5: {  	v52 =	vld [tilespmem:s23+$0xFFFFFDA0]  }
0x2e6: {  	v53 =	vld [tilespmem:s23+$0x0];
	v0 =	vadd.f32 v5, v0  }
0x2e7: {  	v54 =	vld [tilespmem:s23+$0x10]  }
0x2e8: {  	v55 =	vld [tilespmem:s23+$0x20];
	v2 =	vadd.f32 v4, v2;
	v0 =	vadd.f32 v7, v0  }
0x2e9: {  	v56 =	vld [tilespmem:s23+$0x280];
	v6 =	vadd.f32 v8, v6;
	v7 =	vadd.f32 v12, v10  }
0x2ea: {  	v57 =	vld [tilespmem:s23+$0x290];
	v2 =	vadd.f32 v14, v2;
	v0 =	vadd.f32 v9, v0  }
0x2eb: {  	v1 =	vld [tilespmem:s23+$0xFFFFF880];
	v6 =	vadd.f32 v16, v6;
	v7 =	vadd.f32 v18, v7  }
0x2ec: {  	v3 =	vld [tilespmem:s23+$0xFFFFF8A0];
	v2 =	vadd.f32 v20, v2;
	v0 =	vadd.f32 v11, v0  }
0x2ed: {  	v58 =	vld [tilespmem:s23+$0x510];
	v6 =	vadd.f32 v22, v6;
	v7 =	vadd.f32 v24, v7  }
0x2ee: {  	v5 =	vld [tilespmem:s23+$0xFFFFFB10];
	v2 =	vadd.f32 v26, v2;
	v0 =	vadd.f32 v13, v0  }
0x2ef: {  	v4 =	vld [tilespmem:s23+$0xFFFFFD80];
	v6 =	vadd.f32 v28, v6;
	v7 =	vadd.f32 v30, v7  }
0x2f0: {  	v8 =	vld [tilespmem:s23+$0xFFFFFD90];
	v1 =	vadd.f32 v1, v2;
	v0 =	vadd.f32 v15, v0  }
0x2f1: {  	v59 =	vld [tilespmem:s23+$0x7A0];
	v6 =	vadd.f32 v31, v6;
	v3 =	vadd.f32 v3, v7  }
0x2f2: {  	v60 =	vld [tilespmem:s23+$0xA00];
	v1 =	vadd.f32 v32, v1;
	v0 =	vadd.f32 v17, v0  }
0x2f3: {  	v61 =	vld [tilespmem:s23+$0xA10];
	v5 =	vadd.f32 v5, v6;
	v3 =	vadd.f32 v33, v3  }
0x2f4: {  	v2 =	vld [tilespmem:s23+$0x2A0];
	v1 =	vadd.f32 v4, v1;
	v0 =	vadd.f32 v19, v0  }
0x2f5: {  	v5 =	vadd.f32 v8, v5;
	v7 =	vld [tilespmem:s23+$0x500];
	v3 =	vadd.f32 v52, v3  }
0x2f6: {  	v6 =	vld [tilespmem:s23+$0x520];
	v1 =	vadd.f32 v53, v1;
	v0 =	vadd.f32 v21, v0  }
0x2f7: {  	v4 =	vld [tilespmem:s23+$0x780];
	v5 =	vadd.f32 v54, v5;
	v3 =	vadd.f32 v55, v3  }
0x2f8: {  	v8 =	vld [tilespmem:s23+$0x790];
	v1 =	vadd.f32 v56, v1;
	v0 =	vadd.f32 v23, v0  }
0x2f9: {  	v62 =	vld [tilespmem:s23+$0xC90];
	v5 =	vadd.f32 v57, v5;
	v2 =	vadd.f32 v2, v3  }
0x2fa: {  	v1 =	vadd.f32 v7, v1;
	v3 =	vld [tilespmem:s23+$0xA20];
	v0 =	vadd.f32 v25, v0  }
0x2fb: {  	v5 =	vadd.f32 v58, v5;
	v7 =	vld [tilespmem:s23+$0xC80];
	v2 =	vadd.f32 v6, v2  }
0x2fc: {  	v63 =	vld [tilespmem:s23+$0xCA0];
	v4 =	vadd.f32 v4, v1;
	v0 =	vadd.f32 v27, v0  }
0x2fd: {  	v5 =	vadd.f32 v8, v5;
	v1 =	vld [tilespmem:s23+$0xF00];
	v2 =	vadd.f32 v59, v2  }
0x2fe: {  	v4 =	vadd.f32 v60, v4;
	v8 =	vadd.f32 v29, v0;
	v0 =	vld [tilespmem:s23+$0xF10]  }
0x2ff: {  	v5 =	vadd.f32 v61, v5;
	v9 =	vadd.f32 v3, v2;
	v2 =	vld [tilespmem:s23+$0xF20]  }
0x300: {  	s26 =	simm.s32 $0x13D20;
	v6 =	vadd.f32 v7, v4;
	v3 =	vld [tilespmem:s23+$0x1180]  }
0x301: {  	v5 =	vadd.f32 v62, v5;
	v4 =	vld [tilespmem:s23+$0x1190];
	[tilespmem:s26+$0xFFFFFFE0] =	vst v8;
	v7 =	vadd.f32 v63, v9  }
.LBB2_17:
0x302: {  	s25 =	sadd.s32 $0x40, s25;
	v1 =	vadd.f32 v1, v6;
	v6 =	vld [tilespmem:s23+$0x11A0];
	s23 =	sadd.s32 $0x40, s23  }
0x303: {  	v8 =	vld [tilespmem:s23+$0xFFFFEBF0];
	s0 =	sand.u32 $0x3C0, s25;
	p0 =	slt.u32 s25, $0x240;
	v0 =	vadd.f32 v0, v5  }
0x304: {  	v5 =	vld [tilespmem:s0+$0x11780];
	v2 =	vadd.f32 v2, v7  }
0x305: {  	v7 =	vld [tilespmem:s23+$0xFFFFEC00];
	v1 =	vadd.f32 v3, v1  }
0x306: {  	v3 =	vld [tilespmem:s0+$0x11A00];
	v0 =	vadd.f32 v4, v0  }
0x307: {  	v4 =	vld [tilespmem:s23+$0xFFFFEE80];
	[tilespmem:s26+$0xFFFFFFF0] =	vst v1;
	v1 =	vadd.f32 v6, v2  }
0x308: {  	v2 =	vld [tilespmem:s0+$0x11C80];
	[tilespmem:s26+$0x0] =	vst v0  }
0x309: {  	v0 =	vadd.f32 v5, v8;
	v5 =	vld [tilespmem:s23+$0xFFFFEC10];
	[tilespmem:s26+$0x10] =	vst v1  }
0x30a: {  	v1 =	vld [tilespmem:s0+$0x11F00]  }
0x30b: {  	v0 =	vadd.f32 v3, v0;
	v3 =	vld [tilespmem:s23+$0xFFFFEE90]  }
0x30c: {  	v6 =	vld [tilespmem:s0+$0x12180];
	v4 =	vadd.f32 v4, v7  }
0x30d: {  	v0 =	vadd.f32 v2, v0;
	v2 =	vld [tilespmem:s23+$0xFFFFEC20]  }
0x30e: {  	v7 =	vld [tilespmem:s0+$0x12400]  }
0x30f: {  	v0 =	vadd.f32 v1, v0;
	v1 =	vld [tilespmem:s23+$0xFFFFEEA0]  }
0x310: {  	v8 =	vld [tilespmem:s0+$0x12680];
	v3 =	vadd.f32 v3, v5  }
0x311: {  	v0 =	vadd.f32 v6, v0;
	v5 =	vld [tilespmem:s23+$0xFFFFF100]  }
0x312: {  	v6 =	vld [tilespmem:s0+$0x12900]  }
0x313: {  	v0 =	vadd.f32 v7, v0;
	v7 =	vld [tilespmem:s23+$0xFFFFF110]  }
0x314: {  	v9 =	vld [tilespmem:s0+$0x12B80];
	v1 =	vadd.f32 v1, v2  }
0x315: {  	v0 =	vadd.f32 v8, v0;
	v2 =	vld [tilespmem:s23+$0xFFFFF120]  }
0x316: {  	v8 =	vld [tilespmem:s0+$0x12E00];
	v4 =	vadd.f32 v5, v4  }
0x317: {  	v0 =	vadd.f32 v6, v0;
	v5 =	vld [tilespmem:s23+$0xFFFFF380]  }
0x318: {  	v6 =	vld [tilespmem:s0+$0x13080];
	v3 =	vadd.f32 v7, v3  }
0x319: {  	v0 =	vadd.f32 v9, v0;
	v7 =	vld [tilespmem:s23+$0xFFFFF390]  }
0x31a: {  	v9 =	vld [tilespmem:s0+$0x13300];
	v1 =	vadd.f32 v2, v1  }
0x31b: {  	v0 =	vadd.f32 v8, v0;
	v2 =	vld [tilespmem:s23+$0xFFFFF3A0]  }
0x31c: {  	v8 =	vld [tilespmem:s0+$0x13580];
	v4 =	vadd.f32 v5, v4  }
0x31d: {  	v0 =	vadd.f32 v6, v0;
	v5 =	vld [tilespmem:s23+$0xFFFFF600]  }
0x31e: {  	v6 =	vld [tilespmem:s0+$0x13800];
	v3 =	vadd.f32 v7, v3  }
0x31f: {  	v0 =	vadd.f32 v9, v0;
	v7 =	vld [tilespmem:s23+$0xFFFFF610]  }
0x320: {  	v9 =	vld [tilespmem:s0+$0x13A80];
	v1 =	vadd.f32 v2, v1  }
0x321: {  	v0 =	vadd.f32 v8, v0;
	v2 =	vld [tilespmem:s23+$0xFFFFF620]  }
0x322: {  	v4 =	vadd.f32 v5, v4;
	v5 =	vld [tilespmem:s23+$0xFFFFF880]  }
0x323: {  	v0 =	vadd.f32 v6, v0;
	v6 =	vld [tilespmem:s23+$0xFFFFF890]  }
0x324: {  	v3 =	vadd.f32 v7, v3;
	v7 =	vld [tilespmem:s23+$0xFFFFF8A0]  }
0x325: {  	v0 =	vadd.f32 v9, v0;
	v8 =	vld [tilespmem:s23+$0xFFFFFB00]  }
0x326: {  	s26 =	sadd.s32 $0x40, s26;
	v9 =	vld [tilespmem:s23+$0xFFFFFB10];
	v1 =	vadd.f32 v2, v1  }
0x327: {  	[tilespmem:s26+$0xFFFFFFE0] =	vst v0;
	v0 =	vadd.f32 v5, v4;
	v2 =	vld [tilespmem:s23+$0xFFFFFB20]  }
0x328: {  	v4 =	vld [tilespmem:s23+$0xFFFFFD80];
	v3 =	vadd.f32 v6, v3  }
0x329: {  	v5 =	vld [tilespmem:s23+$0xFFFFFD90];
	v1 =	vadd.f32 v7, v1  }
0x32a: {  	v0 =	vadd.f32 v8, v0;
	v6 =	vld [tilespmem:s23+$0xFFFFFDA0]  }
0x32b: {  	v7 =	vld [tilespmem:s23+$0x0];
	v3 =	vadd.f32 v9, v3  }
0x32c: {  	v8 =	vld [tilespmem:s23+$0x10];
	v1 =	vadd.f32 v2, v1  }
0x32d: {  	v0 =	vadd.f32 v4, v0;
	v2 =	vld [tilespmem:s23+$0x20]  }
0x32e: {  	v4 =	vld [tilespmem:s23+$0x280];
	v3 =	vadd.f32 v5, v3  }
0x32f: {  	v5 =	vld [tilespmem:s23+$0x290];
	v1 =	vadd.f32 v6, v1  }
0x330: {  	v0 =	vadd.f32 v7, v0;
	v6 =	vld [tilespmem:s23+$0x2A0]  }
0x331: {  	v7 =	vld [tilespmem:s23+$0x500];
	v3 =	vadd.f32 v8, v3  }
0x332: {  	v8 =	vld [tilespmem:s23+$0x510];
	v1 =	vadd.f32 v2, v1  }
0x333: {  	v0 =	vadd.f32 v4, v0;
	v2 =	vld [tilespmem:s23+$0x520]  }
0x334: {  	v4 =	vld [tilespmem:s23+$0x780];
	v3 =	vadd.f32 v5, v3  }
0x335: {  	v5 =	vld [tilespmem:s23+$0x790];
	v1 =	vadd.f32 v6, v1  }
0x336: {  	v0 =	vadd.f32 v7, v0;
	v6 =	vld [tilespmem:s23+$0x7A0]  }
0x337: {  	v7 =	vld [tilespmem:s23+$0xA00];
	v3 =	vadd.f32 v8, v3  }
0x338: {  	v8 =	vld [tilespmem:s23+$0xA10];
	v1 =	vadd.f32 v2, v1  }
0x339: {  	v0 =	vadd.f32 v4, v0;
	v2 =	vld [tilespmem:s23+$0xA20]  }
0x33a: {  	v4 =	vld [tilespmem:s23+$0xC80];
	v3 =	vadd.f32 v5, v3  }
0x33b: {  	v5 =	vld [tilespmem:s23+$0xC90];
	v6 =	vadd.f32 v6, v1  }
0x33c: {  	v7 =	vadd.f32 v7, v0;
	v9 =	vld [tilespmem:s23+$0xCA0]  }
.Ltmp8:
0x33d: {  	v1 =	vld [tilespmem:s23+$0xF00];
	v8 =	vadd.f32 v8, v3;
	(pc) =	sbr.rel @p0 .LBB2_17-.Ltmp8, $4  }
0x33e: {  	v0 =	vld [tilespmem:s23+$0xF10];
	v10 =	vadd.f32 v2, v6  }
0x33f: {  	v6 =	vadd.f32 v4, v7;
	v2 =	vld [tilespmem:s23+$0xF20]  }
0x340: {  	v3 =	vld [tilespmem:s23+$0x1180];
	v5 =	vadd.f32 v5, v8  }
0x341: {  	v4 =	vld [tilespmem:s23+$0x1190];
	v7 =	vadd.f32 v9, v10  }
0x342: {  	v8 =	vld [tilespmem:s23+$0x11A0]  }
0x343: {  	v1 =	vadd.f32 v1, v6  }
0x344: {  	v0 =	vadd.f32 v0, v5  }
0x345: {  	v2 =	vadd.f32 v2, v7;
	v1 =	vadd.f32 v3, v1  }
0x346: {  	v0 =	vadd.f32 v4, v0  }
0x347: {  	[tilespmem:s26+$0xFFFFFFF0] =	vst v1;
	v1 =	vadd.f32 v8, v2  }
0x348: {  	[tilespmem:s26+$0x0] =	vst v0  }
0x349: {  	s3 =	simm.s32 $0x13D20;
	[tilespmem:s26+$0x10] =	vst v1  }
0x34a: {  	v0 =	vld [tilespmem:s3+$0x10];
	_ =	sdelay $0x3  }
0x34b: {  	v1 =	vld [tilespmem:s3+$0xFFFFFFE0]  }
0x34c: {  	v3 =	vld [tilespmem:s3+$0xFFFFFFF0];
	v4 =	vsub.f32 $0.0e+00, v0  }
0x34d: {  	s1 =	simm.s32 $0x13D60;
	v0 =	vld [tilespmem:s3+$0x0]  }
0x34e: {  	s0 =	simm.s32 $0x13FA0;
	v5 =	vld [tilespmem:s1+$0x10];
	[tilespmem:s3+$0x10] =	vst v4  }
0x34f: {  	v8 =	vld [tilespmem:s0+$0x10]  }
0x350: {  	v11 =	vld [tilespmem:s1+$0xFFFFFFF0];
	v2 =	vsub.f32 $0.0e+00, v1  }
0x351: {  	v6 =	vld [tilespmem:s1+$0x0];
	v1 =	vsub.f32 $0.0e+00, v3  }
0x352: {  	v9 =	vld [tilespmem:s1+$0xFFFFFFE0];
	[tilespmem:s3+$0xFFFFFFE0] =	vst v2;
	v0 =	vsub.f32 $0.0e+00, v0  }
0x353: {  	v3 =	vsub.f32 $0.0e+00, v5;
	[tilespmem:s3+$0xFFFFFFF0] =	vst v1;
	v7 =	vld [tilespmem:s0+$0xFFFFFFE0]  }
0x354: {  	v5 =	vld [tilespmem:s0+$0xFFFFFFF0];
	[tilespmem:s3+$0x0] =	vst v0;
	v10 =	vmul.f32 v8, v4  }
0x355: {  	s22 =	simm.s32 $0x13DA0;
	s21 =	simm.s32 $0x13FA0;
	[tilespmem:s1+$0x10] =	vst v3;
	s3 =	simm.s32 $0x40;
	v4 =	vsub.f32 $0.0e+00, v11;
	v8 =	vld [tilespmem:s0+$0x0]  }
.LBB2_19:
0x356: {  	v11 =	vld [tilespmem:s22+$0x10];
	v12 =	vsub.f32 $0.0e+00, v6;
	[tilespmem:s0+$0x10] =	vst v10;
	s21 =	sadd.s32 $0x40, s21  }
0x357: {  	s3 =	sadd.s32 $0x40, s3;
	v9 =	vsub.f32 $0.0e+00, v9;
	[tilespmem:s1+$0xFFFFFFF0] =	vst v4;
	v10 =	vld [tilespmem:s21+$0x10]  }
0x358: {  	p0 =	slt.u32 s3, $0x240;
	v13 =	vld [tilespmem:s22+$0xFFFFFFF0];
	[tilespmem:s1+$0x0] =	vst v12;
	v7 =	vmul.f32 v7, v2  }
.Ltmp9:
0x359: {  	v6 =	vld [tilespmem:s22+$0x0];
	[tilespmem:s1+$0xFFFFFFE0] =	vst v9;
	v5 =	vmul.f32 v5, v1;
	v2 =	vmov v9;
	v1 =	vmov v4;
	s1 =	smov.u32 s22;
	(pc) =	sbr.rel @p0 .LBB2_19-.Ltmp9, $4  }
0x35a: {  	v9 =	vld [tilespmem:s22+$0xFFFFFFE0];
	[tilespmem:s0+$0xFFFFFFE0] =	vst v7;
	v4 =	vmul.f32 v8, v0;
	v0 =	vmov v12  }
0x35b: {  	v11 =	vsub.f32 $0.0e+00, v11;
	v7 =	vld [tilespmem:s21+$0xFFFFFFE0];
	[tilespmem:s0+$0xFFFFFFF0] =	vst v5  }
0x35c: {  	v5 =	vld [tilespmem:s21+$0xFFFFFFF0];
	v10 =	vmul.f32 v10, v3;
	[tilespmem:s0+$0x0] =	vst v4;
	s0 =	smov.u32 s21  }
0x35d: {  	s22 =	sadd.s32 $0x40, s22;
	v4 =	vsub.f32 $0.0e+00, v13;
	[tilespmem:s1+$0x10] =	vst v11;
	v8 =	vld [tilespmem:s21+$0x0];
	v3 =	vmov v11  }
0x35e: {  	_ = 	snop  }
0x35f: {  	v9 =	vsub.f32 $0.0e+00, v9  }
0x360: {  	s3 =	sadd.s32 $0x40, s21  }
0x361: {  	v6 =	vsub.f32 $0.0e+00, v6;
	v11 =	vld [tilespmem:s3+$0x10];
	[tilespmem:s1+$0xFFFFFFE0] =	vst v9  }
0x362: {  	[tilespmem:s1+$0xFFFFFFF0] =	vst v4;
	v12 =	vld [tilespmem:s3+$0xFFFFFFE0]  }
0x363: {  	[tilespmem:s1+$0x0] =	vst v6;
	v2 =	vmul.f32 v7, v2;
	v62 =	vld [tilespmem:s3+$0xFFFFFFF0]  }
0x364: {  	[tilespmem:s0+$0x10] =	vst v10;
	v1 =	vmul.f32 v5, v1;
	v63 =	vld [tilespmem:s3+$0x0]  }
0x365: {  	[tilespmem:s0+$0xFFFFFFE0] =	vst v2;
	v0 =	vmul.f32 v8, v0  }
0x366: {  	[tilespmem:s0+$0xFFFFFFF0] =	vst v1;
	v1 =	vmul.f32 v11, v3  }
0x367: {  	[tilespmem:s0+$0x0] =	vst v0;
	v0 =	vmul.f32 v12, v9  }
0x368: {  	[tilespmem:s3+$0x10] =	vst v1;
	v1 =	vmul.f32 v62, v4  }
0x369: {  	[tilespmem:s3+$0xFFFFFFE0] =	vst v0;
	v0 =	vmul.f32 v63, v6  }
0x36a: {  	[tilespmem:s3+$0xFFFFFFF0] =	vst v1  }
0x36b: {  	[tilespmem:s3+$0x0] =	vst v0  }
0x36c: {  	s0 =	rddreg [dreg:$0x6]  }
0x36d: {  	s25 =	simm.s32 $0x0;
	s26 =	simm.s32 $0x13D00;
	s0 =	sadd.s32 s0, s2  }
0x36e: {  	[hbm4b:s0+s25] =	stream.linear.scatter [tilespmem:s26], [sflag:$0x1], $0x280, $0x38;
	[tilespmem:$0x17180] =	vst v63  }
0x36f: {  	s28 =	simm.s32 $0x13F80;
	s30 =	simm.s32 $0x2  }
0x370: {  	[spmem:s24] =	stream.linear.scatter [tilespmem:s28], [sflag:$0x2], $0x280, $0x38;
	[tilespmem:$0x17180] =	vst v63  }
0x371: {  	_ =	swait.ge [sflag:s30], $0x280  }
0x372: {  	[sflag:s30] =	ssyncset.done $0x0  }
0x373: {  	[sflag:s30] =	ssyncadd.s32 $0xFFFFFD80  }
0x374: {  	s31 =	simm.s32 $0xC500;
	s0 =	simm.s32 $0xED40;
	[bflag:$0x0] =	sbarrier.arrive $0xFFFF  }
0x375: {  	v0 =	vimm.f32 $0.0e+00;
	[tilespmem:s31], [sflag:$0x1] =	stream.linear.gather [spmem:s29], $0x2800, $0x38;
	[tilespmem:$0x17180] =	vst v63  }
0x376: {  	[tilespmem:s0+$0xFFFFFFC0] =	vst v0  }
0x377: {  	[tilespmem:s0+$0x30] =	vst v0  }
0x378: {  	[tilespmem:s0+$0x20] =	vst v0  }
0x379: {  	[tilespmem:s0+$0x10] =	vst v0  }
0x37a: {  	[tilespmem:s0+$0x0] =	vst v0  }
0x37b: {  	[tilespmem:s0+$0xFFFFFFF0] =	vst v0  }
0x37c: {  	s1 =	simm.s32 $0x0;
	[tilespmem:s0+$0xFFFFFFE0] =	vst v0  }
.LBB2_21:
0x37d: {  	s1 =	sadd.s32 $0x80, s1;
	[tilespmem:s0+$0xFFFFFFD0] =	vst v0;
	s0 =	sadd.s32 $0x80, s0  }
0x37e: {  	[tilespmem:s0+$0xFFFFFFC0] =	vst v0;
	p0 =	slt.u32 s1, $0x2780  }
0x37f: {  	[tilespmem:s0+$0x30] =	vst v0  }
.Ltmp10:
0x380: {  	[tilespmem:s0+$0x20] =	vst v0;
	(pc) =	sbr.rel @p0 .LBB2_21-.Ltmp10, $4  }
0x381: {  	[tilespmem:s0+$0x10] =	vst v0  }
0x382: {  	[tilespmem:s0+$0x0] =	vst v0  }
0x383: {  	[tilespmem:s0+$0xFFFFFFF0] =	vst v0  }
0x384: {  	[tilespmem:s0+$0xFFFFFFE0] =	vst v0  }
0x385: {  	[tilespmem:s0+$0xFFFFFFD0] =	vst v0;
	s30 =	simm.s32 $0x1  }
0x386: {  	_ =	swait.ge [sflag:s30], $0x280  }
0x387: {  	[sflag:s30] =	ssyncset.done $0x0  }
0x388: {  	[sflag:s30] =	ssyncadd.s32 $0xFFFFFD80  }
0x389: {  	_ =	swait.ge [sflag:s30], $0x2800  }
0x38a: {  	[sflag:s30] =	ssyncset.done $0x0  }
0x38b: {  	s31 =	simm.s32 $0x80;
	[sflag:s30] =	ssyncadd.s32 $0xFFFFD800  }
0x38c: {  	s21 =	simm.s32 $0x4F00;
	v41 =	vld [tilespmem:s31+$0x70]  }
0x38d: {  	v1 =	vld [tilespmem:s21+$0x70]  }
0x38e: {  	v2 =	vld [tilespmem:s21+$0xFFFFFF80]  }
0x38f: {  	v3 =	vld [tilespmem:s31+$0xFFFFFF90]  }
0x390: {  	v4 =	vld [tilespmem:s21+$0xFFFFFF90]  }
0x391: {  	v5 =	vld [tilespmem:s31+$0xFFFFFFA0]  }
0x392: {  	v6 =	vld [tilespmem:s21+$0xFFFFFFA0]  }
0x393: {  	v7 =	vld [tilespmem:s31+$0xFFFFFFB0]  }
0x394: {  	v9 =	vld [tilespmem:s21+$0xFFFFFFB0]  }
0x395: {  	v10 =	vld [tilespmem:s31+$0xFFFFFFC0]  }
0x396: {  	v11 =	vld [tilespmem:s21+$0xFFFFFFC0]  }
0x397: {  	v12 =	vld [tilespmem:s31+$0xFFFFFFD0]  }
0x398: {  	v13 =	vld [tilespmem:s21+$0xFFFFFFD0]  }
0x399: {  	v14 =	vld [tilespmem:s31+$0xFFFFFFE0]  }
0x39a: {  	v42 =	vld [tilespmem:s21+$0xFFFFFFE0]  }
0x39b: {  	v43 =	vld [tilespmem:s31+$0xFFFFFFF0]  }
0x39c: {  	v44 =	vld [tilespmem:s21+$0xFFFFFFF0]  }
0x39d: {  	v15 =	vld [tilespmem:s31+$0x0]  }
0x39e: {  	v16 =	vld [tilespmem:s21+$0x0]  }
0x39f: {  	v17 =	vld [tilespmem:s31+$0x10]  }
0x3a0: {  	v18 =	vld [tilespmem:s21+$0x10]  }
0x3a1: {  	v19 =	vld [tilespmem:s31+$0x20]  }
0x3a2: {  	v20 =	vld [tilespmem:s21+$0x20]  }
0x3a3: {  	v21 =	vld [tilespmem:s31+$0x30]  }
0x3a4: {  	v22 =	vld [tilespmem:s21+$0x30]  }
0x3a5: {  	v23 =	vld [tilespmem:s31+$0x40]  }
0x3a6: {  	v24 =	vld [tilespmem:s21+$0x40]  }
0x3a7: {  	v25 =	vld [tilespmem:s31+$0x50]  }
0x3a8: {  	v26 =	vld [tilespmem:s21+$0x50]  }
0x3a9: {  	v27 =	vld [tilespmem:s31+$0x60]  }
0x3aa: {  	v28 =	vld [tilespmem:s31+$0xFFFFFF80]  }
0x3ab: {  	s22 =	simm.s32 $0xC500;
	v29 =	vld [tilespmem:s21+$0x60]  }
0x3ac: {  	s23 =	simm.s32 $0x9D00;
	v0 =	vld.idx.msk [tilespmem:v41+s22+$0x0], $0xffff  }
0x3ad: {  	v8 =	vld.idx.msk [tilespmem:v1+s23+$0x0], $0xffff  }
0x3ae: {  	v30 =	vld.idx.msk [tilespmem:v2+s23+$0x0], $0xffff  }
0x3af: {  	v3 =	vld.idx.msk [tilespmem:v3+s22+$0x0], $0xffff  }
0x3b0: {  	v31 =	vld.idx.msk [tilespmem:v4+s23+$0x0], $0xffff  }
0x3b1: {  	v5 =	vld.idx.msk [tilespmem:v5+s22+$0x0], $0xffff  }
0x3b2: {  	v32 =	vld.idx.msk [tilespmem:v6+s23+$0x0], $0xffff  }
0x3b3: {  	v7 =	vld.idx.msk [tilespmem:v7+s22+$0x0], $0xffff  }
0x3b4: {  	v28 =	vld.idx.msk [tilespmem:v28+s22+$0x0], $0xffff  }
0x3b5: {  	v33 =	vld.idx.msk [tilespmem:v9+s23+$0x0], $0xffff  }
0x3b6: {  	v10 =	vld.idx.msk [tilespmem:v10+s22+$0x0], $0xffff  }
0x3b7: {  	v34 =	vld.idx.msk [tilespmem:v11+s23+$0x0], $0xffff  }
0x3b8: {  	v12 =	vld.idx.msk [tilespmem:v12+s22+$0x0], $0xffff  }
0x3b9: {  	v45 =	vld.idx.msk [tilespmem:v13+s23+$0x0], $0xffff  }
0x3ba: {  	v14 =	vld.idx.msk [tilespmem:v14+s22+$0x0], $0xffff  }
0x3bb: {  	v46 =	vld.idx.msk [tilespmem:v42+s23+$0x0], $0xffff  }
0x3bc: {  	v47 =	vld.idx.msk [tilespmem:v44+s23+$0x0], $0xffff  }
0x3bd: {  	v15 =	vld.idx.msk [tilespmem:v15+s22+$0x0], $0xffff  }
0x3be: {  	v48 =	vld.idx.msk [tilespmem:v16+s23+$0x0], $0xffff  }
0x3bf: {  	v17 =	vld.idx.msk [tilespmem:v17+s22+$0x0], $0xffff  }
0x3c0: {  	v49 =	vld.idx.msk [tilespmem:v18+s23+$0x0], $0xffff  }
0x3c1: {  	v50 =	vld.idx.msk [tilespmem:v19+s22+$0x0], $0xffff  }
0x3c2: {  	v51 =	vld.idx.msk [tilespmem:v20+s23+$0x0], $0xffff  }
0x3c3: {  	v21 =	vld.idx.msk [tilespmem:v21+s22+$0x0], $0xffff  }
0x3c4: {  	v52 =	vld.idx.msk [tilespmem:v22+s23+$0x0], $0xffff  }
0x3c5: {  	v23 =	vld.idx.msk [tilespmem:v23+s22+$0x0], $0xffff  }
0x3c6: {  	v53 =	vld.idx.msk [tilespmem:v24+s23+$0x0], $0xffff  }
0x3c7: {  	v54 =	vld.idx.msk [tilespmem:v25+s22+$0x0], $0xffff  }
0x3c8: {  	v55 =	vld.idx.msk [tilespmem:v26+s23+$0x0], $0xffff  }
0x3c9: {  	v27 =	vld.idx.msk [tilespmem:v27+s22+$0x0], $0xffff;
	v0 =	vmul.f32 v8, v0  }
0x3ca: {  	s24 =	simm.s32 $0xED00;
	v56 =	vld.idx.msk [tilespmem:v29+s23+$0x0], $0xffff;
	v28 =	vmul.f32 v30, v28  }
0x3cb: {  	[tilespmem:v1+s24+$0x0] =	vst.idx.add.f32.msk $0xffff, v0  }
0x3cc: {  	v3 =	vmul.f32 v31, v3;
	[tilespmem:v2+s24+$0x0] =	vst.idx.add.f32.msk $0xffff, v28  }
0x3cd: {  	v5 =	vmul.f32 v32, v5;
	v0 =	vld.idx.msk [tilespmem:v43+s22+$0x0], $0xffff  }
0x3ce: {  	v7 =	vmul.f32 v33, v7;
	[tilespmem:v4+s24+$0x0] =	vst.idx.add.f32.msk $0xffff, v3  }
0x3cf: {  	v10 =	vmul.f32 v34, v10;
	[tilespmem:v6+s24+$0x0] =	vst.idx.add.f32.msk $0xffff, v5  }
0x3d0: {  	v12 =	vmul.f32 v45, v12;
	[tilespmem:v9+s24+$0x0] =	vst.idx.add.f32.msk $0xffff, v7  }
0x3d1: {  	v57 =	vmul.f32 v48, v15;
	[tilespmem:v11+s24+$0x0] =	vst.idx.add.f32.msk $0xffff, v10  }
0x3d2: {  	v58 =	vmul.f32 v49, v17;
	[tilespmem:v13+s24+$0x0] =	vst.idx.add.f32.msk $0xffff, v12  }
0x3d3: {  	v59 =	vmul.f32 v51, v50;
	[tilespmem:v16+s24+$0x0] =	vst.idx.add.f32.msk $0xffff, v57  }
0x3d4: {  	v60 =	vmul.f32 v52, v21;
	[tilespmem:v18+s24+$0x0] =	vst.idx.add.f32.msk $0xffff, v58  }
0x3d5: {  	v61 =	vmul.f32 v53, v23;
	[tilespmem:v20+s24+$0x0] =	vst.idx.add.f32.msk $0xffff, v59  }
0x3d6: {  	v62 =	vmul.f32 v55, v54;
	[tilespmem:v22+s24+$0x0] =	vst.idx.add.f32.msk $0xffff, v60  }
0x3d7: {  	v63 =	vmul.f32 v56, v27;
	[tilespmem:v24+s24+$0x0] =	vst.idx.add.f32.msk $0xffff, v61  }
0x3d8: {  	v2 =	vmul.f32 v46, v14;
	[tilespmem:v26+s24+$0x0] =	vst.idx.add.f32.msk $0xffff, v62  }
0x3d9: {  	[tilespmem:v29+s24+$0x0] =	vst.idx.add.f32.msk $0xffff, v63;
	v0 =	vmul.f32 v47, v0  }
0x3da: {  	[tilespmem:v42+s24+$0x0] =	vst.idx.add.f32.msk $0xffff, v2  }
0x3db: {  	s0 =	simm.s32 $0x0;
	s1 =	simm.s32 $0x180;
	[tilespmem:v44+s24+$0x0] =	vst.idx.add.f32.msk $0xffff, v0  }
.LBB2_23:
0x3dc: {  	v3 =	vld [tilespmem:s1+$0x70];
	s21 =	sadd.s32 $0x100, s21  }
0x3dd: {  	s0 =	sadd.s32 $0x100, s0;
	v5 =	vld [tilespmem:s21+$0x70]  }
0x3de: {  	p0 =	slt.u32 s0, $0x4D00;
	v0 =	vld [tilespmem:s21+$0xFFFFFF80]  }
0x3df: {  	v6 =	vld [tilespmem:s1+$0xFFFFFF90]  }
0x3e0: {  	v1 =	vld [tilespmem:s21+$0xFFFFFF90]  }
0x3e1: {  	v7 =	vld [tilespmem:s1+$0xFFFFFFA0]  }
0x3e2: {  	v2 =	vld [tilespmem:s21+$0xFFFFFFA0]  }
0x3e3: {  	v8 =	vld [tilespmem:s1+$0xFFFFFFB0]  }
0x3e4: {  	v9 =	vld.idx.msk [tilespmem:v3+s22+$0x0], $0xffff  }
0x3e5: {  	v10 =	vld.idx.msk [tilespmem:v5+s23+$0x0], $0xffff  }
0x3e6: {  	v3 =	vld [tilespmem:s21+$0xFFFFFFB0]  }
0x3e7: {  	v11 =	vld [tilespmem:s1+$0xFFFFFFC0]  }
0x3e8: {  	v4 =	vld [tilespmem:s21+$0xFFFFFFC0]  }
0x3e9: {  	v12 =	vld [tilespmem:s1+$0xFFFFFFD0]  }
0x3ea: {  	v13 =	vld [tilespmem:s21+$0xFFFFFFD0]  }
0x3eb: {  	v9 =	vmul.f32 v10, v9;
	v14 =	vld [tilespmem:s1+$0xFFFFFFE0]  }
0x3ec: {  	v10 =	vld [tilespmem:s21+$0xFFFFFFE0]  }
0x3ed: {  	[tilespmem:v5+s24+$0x0] =	vst.idx.add.f32.msk $0xffff, v9  }
0x3ee: {  	v5 =	vld [tilespmem:s1+$0xFFFFFFF0]  }
0x3ef: {  	v9 =	vld [tilespmem:s21+$0xFFFFFFF0]  }
0x3f0: {  	v15 =	vld [tilespmem:s1+$0x0]  }
0x3f1: {  	v16 =	vld [tilespmem:s21+$0x0]  }
0x3f2: {  	v17 =	vld [tilespmem:s1+$0x10]  }
0x3f3: {  	v18 =	vld [tilespmem:s21+$0x10]  }
0x3f4: {  	v19 =	vld [tilespmem:s1+$0x20]  }
0x3f5: {  	v20 =	vld [tilespmem:s21+$0x20]  }
0x3f6: {  	v21 =	vld [tilespmem:s1+$0x30]  }
0x3f7: {  	v22 =	vld [tilespmem:s21+$0x30]  }
0x3f8: {  	v23 =	vld [tilespmem:s1+$0x40]  }
0x3f9: {  	v24 =	vld [tilespmem:s21+$0x40]  }
0x3fa: {  	v25 =	vld [tilespmem:s1+$0x50]  }
0x3fb: {  	v26 =	vld [tilespmem:s21+$0x50]  }
0x3fc: {  	v27 =	vld [tilespmem:s1+$0x60]  }
0x3fd: {  	v28 =	vld [tilespmem:s21+$0x60]  }
0x3fe: {  	v29 =	vld [tilespmem:s1+$0xFFFFFF80]  }
0x3ff: {  	v30 =	vld.idx.msk [tilespmem:v0+s23+$0x0], $0xffff  }
0x400: {  	v6 =	vld.idx.msk [tilespmem:v6+s22+$0x0], $0xffff  }
0x401: {  	v31 =	vld.idx.msk [tilespmem:v1+s23+$0x0], $0xffff  }
0x402: {  	v7 =	vld.idx.msk [tilespmem:v7+s22+$0x0], $0xffff  }
0x403: {  	v32 =	vld.idx.msk [tilespmem:v2+s23+$0x0], $0xffff  }
0x404: {  	v8 =	vld.idx.msk [tilespmem:v8+s22+$0x0], $0xffff  }
0x405: {  	v33 =	vld.idx.msk [tilespmem:v3+s23+$0x0], $0xffff  }
0x406: {  	v29 =	vld.idx.msk [tilespmem:v29+s22+$0x0], $0xffff  }
0x407: {  	v6 =	vmul.f32 v31, v6;
	v11 =	vld.idx.msk [tilespmem:v11+s22+$0x0], $0xffff  }
0x408: {  	v31 =	vld.idx.msk [tilespmem:v4+s23+$0x0], $0xffff  }
0x409: {  	v7 =	vmul.f32 v32, v7;
	v12 =	vld.idx.msk [tilespmem:v12+s22+$0x0], $0xffff  }
0x40a: {  	v32 =	vld.idx.msk [tilespmem:v13+s23+$0x0], $0xffff  }
0x40b: {  	v8 =	vmul.f32 v33, v8;
	v14 =	vld.idx.msk [tilespmem:v14+s22+$0x0], $0xffff  }
0x40c: {  	v29 =	vmul.f32 v30, v29;
	v30 =	vld.idx.msk [tilespmem:v10+s23+$0x0], $0xffff  }
0x40d: {  	v5 =	vld.idx.msk [tilespmem:v5+s22+$0x0], $0xffff  }
0x40e: {  	v11 =	vmul.f32 v31, v11;
	v31 =	vld.idx.msk [tilespmem:v9+s23+$0x0], $0xffff  }
0x40f: {  	v15 =	vld.idx.msk [tilespmem:v15+s22+$0x0], $0xffff  }
0x410: {  	v12 =	vmul.f32 v32, v12;
	v32 =	vld.idx.msk [tilespmem:v16+s23+$0x0], $0xffff  }
0x411: {  	v17 =	vld.idx.msk [tilespmem:v17+s22+$0x0], $0xffff  }
0x412: {  	v14 =	vmul.f32 v30, v14;
	v30 =	vld.idx.msk [tilespmem:v18+s23+$0x0], $0xffff  }
0x413: {  	v19 =	vld.idx.msk [tilespmem:v19+s22+$0x0], $0xffff  }
0x414: {  	v5 =	vmul.f32 v31, v5;
	v31 =	vld.idx.msk [tilespmem:v20+s23+$0x0], $0xffff  }
0x415: {  	v21 =	vld.idx.msk [tilespmem:v21+s22+$0x0], $0xffff  }
0x416: {  	v15 =	vmul.f32 v32, v15;
	v32 =	vld.idx.msk [tilespmem:v22+s23+$0x0], $0xffff  }
0x417: {  	v23 =	vld.idx.msk [tilespmem:v23+s22+$0x0], $0xffff  }
0x418: {  	v17 =	vmul.f32 v30, v17;
	v30 =	vld.idx.msk [tilespmem:v24+s23+$0x0], $0xffff  }
0x419: {  	v25 =	vld.idx.msk [tilespmem:v25+s22+$0x0], $0xffff  }
0x41a: {  	v19 =	vmul.f32 v31, v19;
	v31 =	vld.idx.msk [tilespmem:v26+s23+$0x0], $0xffff  }
0x41b: {  	v27 =	vld.idx.msk [tilespmem:v27+s22+$0x0], $0xffff  }
0x41c: {  	v21 =	vmul.f32 v32, v21;
	v32 =	vld.idx.msk [tilespmem:v28+s23+$0x0], $0xffff  }
0x41d: {  	[tilespmem:v0+s24+$0x0] =	vst.idx.add.f32.msk $0xffff, v29  }
0x41e: {  	v0 =	vmul.f32 v30, v23;
	[tilespmem:v1+s24+$0x0] =	vst.idx.add.f32.msk $0xffff, v6  }
0x41f: {  	[tilespmem:v2+s24+$0x0] =	vst.idx.add.f32.msk $0xffff, v7  }
0x420: {  	v1 =	vmul.f32 v31, v25;
	[tilespmem:v3+s24+$0x0] =	vst.idx.add.f32.msk $0xffff, v8  }
0x421: {  	[tilespmem:v4+s24+$0x0] =	vst.idx.add.f32.msk $0xffff, v11  }
0x422: {  	v2 =	vmul.f32 v32, v27;
	[tilespmem:v13+s24+$0x0] =	vst.idx.add.f32.msk $0xffff, v12  }
0x423: {  	[tilespmem:v10+s24+$0x0] =	vst.idx.add.f32.msk $0xffff, v14  }
0x424: {  	[tilespmem:v9+s24+$0x0] =	vst.idx.add.f32.msk $0xffff, v5  }
0x425: {  	[tilespmem:v16+s24+$0x0] =	vst.idx.add.f32.msk $0xffff, v15  }
0x426: {  	[tilespmem:v18+s24+$0x0] =	vst.idx.add.f32.msk $0xffff, v17  }
.Ltmp11:
0x427: {  	[tilespmem:v20+s24+$0x0] =	vst.idx.add.f32.msk $0xffff, v19;
	(pc) =	sbr.rel @p0 .LBB2_23-.Ltmp11, $4  }
0x428: {  	[tilespmem:v22+s24+$0x0] =	vst.idx.add.f32.msk $0xffff, v21  }
0x429: {  	[tilespmem:v24+s24+$0x0] =	vst.idx.add.f32.msk $0xffff, v0  }
0x42a: {  	[tilespmem:v26+s24+$0x0] =	vst.idx.add.f32.msk $0xffff, v1  }
0x42b: {  	s1 =	sadd.s32 $0x100, s1;
	[tilespmem:v28+s24+$0x0] =	vst.idx.add.f32.msk $0xffff, v2  }
0x42c: {  	s0 =	simm.s32 $0x4DF0;
	s1 =	simm.s32 $0x9C80;
	s3 =	simm.s32 $0x4E00  }
0x42d: {  	s21 =	simm.s32 $0xC500;
	s22 =	simm.s32 $0x9D00;
	s23 =	simm.s32 $0xED00  }
.LBB2_25:
0x42e: {  	v0 =	vld [tilespmem:s3+$0x0]  }
0x42f: {  	v1 =	vld [tilespmem:s1+$0x0];
	_ =	sdelay $0x6  }
0x430: {  	v0 =	vld.idx.msk [tilespmem:v0+s21+$0x0], $0xffff  }
0x431: {  	v2 =	vld.idx.msk [tilespmem:v1+s22+$0x0], $0xffff  }
0x432: {  	s0 =	sadd.s32 $0x10, s0  }
0x433: {  	p0 =	slt.u32 s0, $0x4E10  }
.Ltmp12:
0x434: {  	_ = 	snop;
	(pc) =	sbr.rel @p0 .LBB2_25-.Ltmp12, $3  }
0x435: {  	_ = 	snop  }
0x436: {  	v0 =	vmul.f32 v2, v0;
	_ =	sdelay $0x1  }
0x437: {  	s1 =	sadd.s32 $0x10, s1;
	s3 =	sadd.s32 $0x10, s3;
	[tilespmem:v1+s23+$0x0] =	vst.idx.add.f32.msk $0xffff, v0  }
0x438: {  	s0 =	simm.s32 $0xED00;
	s3 =	simm.s32 $0x2  }
0x439: {  	[spmem:s4] =	stream.linear.scatter [tilespmem:s0], [sflag:$0x2], $0x2800, $0x38;
	[tilespmem:$0x17180] =	vst v63  }
0x43a: {  	_ =	swait.ge [sflag:s3], $0x2800  }
0x43b: {  	[sflag:s3] =	ssyncset.done $0x0  }
0x43c: {  	[sflag:s3] =	ssyncadd.s32 $0xFFFFD800  }
0x43d: {  	s4 =	simm.s32 $0x11500;
	[bflag:$0x0] =	sbarrier.arrive $0xFFFF  }
0x43e: {  	[tilespmem:s4], [sflag:$0x1] =	stream.linear.gather [spmem:s5], $0x280, $0x38;
	[tilespmem:$0x17180] =	vst v63  }
0x43f: {  	s5 =	simm.s32 $0x11780  }
0x440: {  	[tilespmem:s5], [sflag:$0x1] =	stream.linear.gather [spmem:s6], $0x280, $0x38;
	[tilespmem:$0x17180] =	vst v63  }
0x441: {  	s6 =	simm.s32 $0x11A00  }
0x442: {  	[tilespmem:s6], [sflag:$0x1] =	stream.linear.gather [spmem:s7], $0x280, $0x38;
	[tilespmem:$0x17180] =	vst v63  }
0x443: {  	s7 =	simm.s32 $0x11C80  }
0x444: {  	[tilespmem:s7], [sflag:$0x1] =	stream.linear.gather [spmem:s8], $0x280, $0x38;
	[tilespmem:$0x17180] =	vst v63  }
0x445: {  	s8 =	simm.s32 $0x11F00  }
0x446: {  	[tilespmem:s8], [sflag:$0x1] =	stream.linear.gather [spmem:s9], $0x280, $0x38;
	[tilespmem:$0x17180] =	vst v63  }
0x447: {  	s9 =	simm.s32 $0x12180  }
0x448: {  	[tilespmem:s9], [sflag:$0x1] =	stream.linear.gather [spmem:s10], $0x280, $0x38;
	[tilespmem:$0x17180] =	vst v63  }
0x449: {  	s10 =	simm.s32 $0x12400  }
0x44a: {  	[tilespmem:s10], [sflag:$0x1] =	stream.linear.gather [spmem:s11], $0x280, $0x38;
	[tilespmem:$0x17180] =	vst v63  }
0x44b: {  	s11 =	simm.s32 $0x12680  }
0x44c: {  	[tilespmem:s11], [sflag:$0x1] =	stream.linear.gather [spmem:s12], $0x280, $0x38;
	[tilespmem:$0x17180] =	vst v63  }
0x44d: {  	s21 =	simm.s32 $0x12900  }
0x44e: {  	[tilespmem:s21], [sflag:$0x1] =	stream.linear.gather [spmem:s13], $0x280, $0x38;
	[tilespmem:$0x17180] =	vst v63  }
0x44f: {  	s22 =	simm.s32 $0x12B80  }
0x450: {  	[tilespmem:s22], [sflag:$0x1] =	stream.linear.gather [spmem:s14], $0x280, $0x38;
	[tilespmem:$0x17180] =	vst v63  }
0x451: {  	s23 =	simm.s32 $0x12E00  }
0x452: {  	[tilespmem:s23], [sflag:$0x1] =	stream.linear.gather [spmem:s15], $0x280, $0x38;
	[tilespmem:$0x17180] =	vst v63  }
0x453: {  	s24 =	simm.s32 $0x13080  }
0x454: {  	[tilespmem:s24], [sflag:$0x1] =	stream.linear.gather [spmem:s16], $0x280, $0x38;
	[tilespmem:$0x17180] =	vst v63  }
0x455: {  	s25 =	simm.s32 $0x13300  }
0x456: {  	[tilespmem:s25], [sflag:$0x1] =	stream.linear.gather [spmem:s17], $0x280, $0x38;
	[tilespmem:$0x17180] =	vst v63  }
0x457: {  	s26 =	simm.s32 $0x13580  }
0x458: {  	[tilespmem:s26], [sflag:$0x1] =	stream.linear.gather [spmem:s18], $0x280, $0x38;
	[tilespmem:$0x17180] =	vst v63  }
0x459: {  	s28 =	simm.s32 $0x13800  }
0x45a: {  	[tilespmem:s28], [sflag:$0x1] =	stream.linear.gather [spmem:s19], $0x280, $0x38;
	[tilespmem:$0x17180] =	vst v63  }
0x45b: {  	s29 =	simm.s32 $0x13A80;
	s30 =	simm.s32 $0x1  }
0x45c: {  	[tilespmem:s29], [sflag:$0x1] =	stream.linear.gather [spmem:s20], $0x280, $0x38;
	[tilespmem:$0x17180] =	vst v63  }
0x45d: {  	_ =	swait.ge [sflag:s30], $0x280  }
0x45e: {  	[sflag:s30] =	ssyncset.done $0x0  }
0x45f: {  	[sflag:s30] =	ssyncadd.s32 $0xFFFFFD80  }
0x460: {  	_ =	swait.ge [sflag:s30], $0x280  }
0x461: {  	[sflag:s30] =	ssyncset.done $0x0  }
0x462: {  	[sflag:s30] =	ssyncadd.s32 $0xFFFFFD80  }
0x463: {  	_ =	swait.ge [sflag:s30], $0x280  }
0x464: {  	[sflag:s30] =	ssyncset.done $0x0  }
0x465: {  	[sflag:s30] =	ssyncadd.s32 $0xFFFFFD80  }
0x466: {  	_ =	swait.ge [sflag:s30], $0x280  }
0x467: {  	[sflag:s30] =	ssyncset.done $0x0  }
0x468: {  	[sflag:s30] =	ssyncadd.s32 $0xFFFFFD80  }
0x469: {  	_ =	swait.ge [sflag:s30], $0x280  }
0x46a: {  	[sflag:s30] =	ssyncset.done $0x0  }
0x46b: {  	[sflag:s30] =	ssyncadd.s32 $0xFFFFFD80  }
0x46c: {  	_ =	swait.ge [sflag:s30], $0x280  }
0x46d: {  	[sflag:s30] =	ssyncset.done $0x0  }
0x46e: {  	[sflag:s30] =	ssyncadd.s32 $0xFFFFFD80  }
0x46f: {  	_ =	swait.ge [sflag:s30], $0x280  }
0x470: {  	[sflag:s30] =	ssyncset.done $0x0  }
0x471: {  	[sflag:s30] =	ssyncadd.s32 $0xFFFFFD80  }
0x472: {  	_ =	swait.ge [sflag:s30], $0x280  }
0x473: {  	[sflag:s30] =	ssyncset.done $0x0  }
0x474: {  	[sflag:s30] =	ssyncadd.s32 $0xFFFFFD80  }
0x475: {  	_ =	swait.ge [sflag:s30], $0x280  }
0x476: {  	[sflag:s30] =	ssyncset.done $0x0  }
0x477: {  	[sflag:s30] =	ssyncadd.s32 $0xFFFFFD80  }
0x478: {  	_ =	swait.ge [sflag:s30], $0x280  }
0x479: {  	[sflag:s30] =	ssyncset.done $0x0  }
0x47a: {  	[sflag:s30] =	ssyncadd.s32 $0xFFFFFD80  }
0x47b: {  	_ =	swait.ge [sflag:s30], $0x280  }
0x47c: {  	[sflag:s30] =	ssyncset.done $0x0  }
0x47d: {  	[sflag:s30] =	ssyncadd.s32 $0xFFFFFD80  }
0x47e: {  	_ =	swait.ge [sflag:s30], $0x280  }
0x47f: {  	[sflag:s30] =	ssyncset.done $0x0  }
0x480: {  	[sflag:s30] =	ssyncadd.s32 $0xFFFFFD80  }
0x481: {  	_ =	swait.ge [sflag:s30], $0x280  }
0x482: {  	[sflag:s30] =	ssyncset.done $0x0  }
0x483: {  	[sflag:s30] =	ssyncadd.s32 $0xFFFFFD80  }
0x484: {  	_ =	swait.ge [sflag:s30], $0x280  }
0x485: {  	[sflag:s30] =	ssyncset.done $0x0  }
0x486: {  	[sflag:s30] =	ssyncadd.s32 $0xFFFFFD80  }
0x487: {  	_ =	swait.ge [sflag:s30], $0x280  }
0x488: {  	[sflag:s30] =	ssyncset.done $0x0  }
0x489: {  	[sflag:s30] =	ssyncadd.s32 $0xFFFFFD80  }
0x48a: {  	_ =	swait.ge [sflag:s30], $0x280  }
0x48b: {  	[sflag:s30] =	ssyncset.done $0x0  }
0x48c: {  	s4 =	simm.s32 $0x12910;
	s5 =	simm.s32 $0x0;
	[sflag:s30] =	ssyncadd.s32 $0xFFFFFD80  }
0x48d: {  	s31 =	sand.u32 $0x3C0, s5;
	v0 =	vld [tilespmem:s4+$0xFFFFEBF0]  }
0x48e: {  	v1 =	vld [tilespmem:s31+$0x11780]  }
0x48f: {  	v2 =	vld [tilespmem:s4+$0xFFFFEC00]  }
0x490: {  	v3 =	vld [tilespmem:s31+$0x11A00]  }
0x491: {  	v4 =	vld [tilespmem:s4+$0xFFFFEE80]  }
0x492: {  	v5 =	vld [tilespmem:s31+$0x11C80]  }
0x493: {  	v6 =	vld [tilespmem:s4+$0xFFFFEC10]  }
0x494: {  	v7 =	vld [tilespmem:s31+$0x11F00]  }
0x495: {  	v8 =	vld [tilespmem:s4+$0xFFFFEE90]  }
0x496: {  	v9 =	vld [tilespmem:s31+$0x12180]  }
0x497: {  	v10 =	vld [tilespmem:s4+$0xFFFFEC20]  }
0x498: {  	v11 =	vld [tilespmem:s31+$0x12400]  }
0x499: {  	v12 =	vld [tilespmem:s4+$0xFFFFEEA0]  }
0x49a: {  	v13 =	vld [tilespmem:s31+$0x12680]  }
0x49b: {  	v14 =	vld [tilespmem:s4+$0xFFFFF100]  }
0x49c: {  	v15 =	vld [tilespmem:s31+$0x12900]  }
0x49d: {  	v16 =	vld [tilespmem:s4+$0xFFFFF110]  }
0x49e: {  	v17 =	vld [tilespmem:s31+$0x12B80]  }
0x49f: {  	v18 =	vld [tilespmem:s4+$0xFFFFF120]  }
0x4a0: {  	v19 =	vld [tilespmem:s31+$0x12E00]  }
0x4a1: {  	v20 =	vld [tilespmem:s4+$0xFFFFF380]  }
0x4a2: {  	v21 =	vld [tilespmem:s31+$0x13080]  }
0x4a3: {  	v22 =	vld [tilespmem:s4+$0xFFFFF390]  }
0x4a4: {  	v23 =	vld [tilespmem:s31+$0x13300]  }
0x4a5: {  	v24 =	vld [tilespmem:s4+$0xFFFFF3A0]  }
0x4a6: {  	v25 =	vld [tilespmem:s31+$0x13580]  }
0x4a7: {  	v26 =	vld [tilespmem:s4+$0xFFFFF600]  }
0x4a8: {  	v27 =	vld [tilespmem:s31+$0x13800]  }
0x4a9: {  	v28 =	vld [tilespmem:s4+$0xFFFFF610]  }
0x4aa: {  	v29 =	vld [tilespmem:s31+$0x13A80]  }
0x4ab: {  	v30 =	vld [tilespmem:s4+$0xFFFFF620]  }
0x4ac: {  	v31 =	vld [tilespmem:s4+$0xFFFFF890];
	v0 =	vadd.f32 v1, v0  }
0x4ad: {  	v32 =	vld [tilespmem:s4+$0xFFFFFB00]  }
0x4ae: {  	v33 =	vld [tilespmem:s4+$0xFFFFFB20];
	v0 =	vadd.f32 v3, v0  }
0x4af: {  	v52 =	vld [tilespmem:s4+$0xFFFFFDA0]  }
0x4b0: {  	v53 =	vld [tilespmem:s4+$0x0];
	v0 =	vadd.f32 v5, v0  }
0x4b1: {  	v54 =	vld [tilespmem:s4+$0x10]  }
0x4b2: {  	v55 =	vld [tilespmem:s4+$0x20];
	v2 =	vadd.f32 v4, v2;
	v0 =	vadd.f32 v7, v0  }
0x4b3: {  	v56 =	vld [tilespmem:s4+$0x280];
	v6 =	vadd.f32 v8, v6;
	v7 =	vadd.f32 v12, v10  }
0x4b4: {  	v57 =	vld [tilespmem:s4+$0x290];
	v2 =	vadd.f32 v14, v2;
	v0 =	vadd.f32 v9, v0  }
0x4b5: {  	v1 =	vld [tilespmem:s4+$0xFFFFF880];
	v6 =	vadd.f32 v16, v6;
	v7 =	vadd.f32 v18, v7  }
0x4b6: {  	v3 =	vld [tilespmem:s4+$0xFFFFF8A0];
	v2 =	vadd.f32 v20, v2;
	v0 =	vadd.f32 v11, v0  }
0x4b7: {  	v58 =	vld [tilespmem:s4+$0x510];
	v6 =	vadd.f32 v22, v6;
	v7 =	vadd.f32 v24, v7  }
0x4b8: {  	v5 =	vld [tilespmem:s4+$0xFFFFFB10];
	v2 =	vadd.f32 v26, v2;
	v0 =	vadd.f32 v13, v0  }
0x4b9: {  	v4 =	vld [tilespmem:s4+$0xFFFFFD80];
	v6 =	vadd.f32 v28, v6;
	v7 =	vadd.f32 v30, v7  }
0x4ba: {  	v8 =	vld [tilespmem:s4+$0xFFFFFD90];
	v1 =	vadd.f32 v1, v2;
	v0 =	vadd.f32 v15, v0  }
0x4bb: {  	v59 =	vld [tilespmem:s4+$0x7A0];
	v6 =	vadd.f32 v31, v6;
	v3 =	vadd.f32 v3, v7  }
0x4bc: {  	v60 =	vld [tilespmem:s4+$0xA00];
	v1 =	vadd.f32 v32, v1;
	v0 =	vadd.f32 v17, v0  }
0x4bd: {  	v61 =	vld [tilespmem:s4+$0xA10];
	v5 =	vadd.f32 v5, v6;
	v3 =	vadd.f32 v33, v3  }
0x4be: {  	v2 =	vld [tilespmem:s4+$0x2A0];
	v1 =	vadd.f32 v4, v1;
	v0 =	vadd.f32 v19, v0  }
0x4bf: {  	v5 =	vadd.f32 v8, v5;
	v7 =	vld [tilespmem:s4+$0x500];
	v3 =	vadd.f32 v52, v3  }
0x4c0: {  	v6 =	vld [tilespmem:s4+$0x520];
	v1 =	vadd.f32 v53, v1;
	v0 =	vadd.f32 v21, v0  }
0x4c1: {  	v4 =	vld [tilespmem:s4+$0x780];
	v5 =	vadd.f32 v54, v5;
	v3 =	vadd.f32 v55, v3  }
0x4c2: {  	v8 =	vld [tilespmem:s4+$0x790];
	v1 =	vadd.f32 v56, v1;
	v0 =	vadd.f32 v23, v0  }
0x4c3: {  	v62 =	vld [tilespmem:s4+$0xC90];
	v5 =	vadd.f32 v57, v5;
	v2 =	vadd.f32 v2, v3  }
0x4c4: {  	v1 =	vadd.f32 v7, v1;
	v3 =	vld [tilespmem:s4+$0xA20];
	v0 =	vadd.f32 v25, v0  }
0x4c5: {  	v5 =	vadd.f32 v58, v5;
	v7 =	vld [tilespmem:s4+$0xC80];
	v2 =	vadd.f32 v6, v2  }
0x4c6: {  	v63 =	vld [tilespmem:s4+$0xCA0];
	v4 =	vadd.f32 v4, v1;
	v0 =	vadd.f32 v27, v0  }
0x4c7: {  	v5 =	vadd.f32 v8, v5;
	v1 =	vld [tilespmem:s4+$0xF00];
	v2 =	vadd.f32 v59, v2  }
0x4c8: {  	v4 =	vadd.f32 v60, v4;
	v8 =	vadd.f32 v29, v0;
	v0 =	vld [tilespmem:s4+$0xF10]  }
0x4c9: {  	v5 =	vadd.f32 v61, v5;
	v9 =	vadd.f32 v3, v2;
	v2 =	vld [tilespmem:s4+$0xF20]  }
0x4ca: {  	s6 =	simm.s32 $0x13D20;
	v6 =	vadd.f32 v7, v4;
	v3 =	vld [tilespmem:s4+$0x1180]  }
0x4cb: {  	v5 =	vadd.f32 v62, v5;
	v4 =	vld [tilespmem:s4+$0x1190];
	[tilespmem:s6+$0xFFFFFFE0] =	vst v8;
	v7 =	vadd.f32 v63, v9  }
.LBB2_27:
0x4cc: {  	s5 =	sadd.s32 $0x40, s5;
	v1 =	vadd.f32 v1, v6;
	v6 =	vld [tilespmem:s4+$0x11A0];
	s4 =	sadd.s32 $0x40, s4  }
0x4cd: {  	v8 =	vld [tilespmem:s4+$0xFFFFEBF0];
	s0 =	sand.u32 $0x3C0, s5;
	p0 =	slt.u32 s5, $0x240;
	v0 =	vadd.f32 v0, v5  }
0x4ce: {  	v5 =	vld [tilespmem:s0+$0x11780];
	v2 =	vadd.f32 v2, v7  }
0x4cf: {  	v7 =	vld [tilespmem:s4+$0xFFFFEC00];
	v1 =	vadd.f32 v3, v1  }
0x4d0: {  	v3 =	vld [tilespmem:s0+$0x11A00];
	v0 =	vadd.f32 v4, v0  }
0x4d1: {  	v4 =	vld [tilespmem:s4+$0xFFFFEE80];
	[tilespmem:s6+$0xFFFFFFF0] =	vst v1;
	v1 =	vadd.f32 v6, v2  }
0x4d2: {  	v2 =	vld [tilespmem:s0+$0x11C80];
	[tilespmem:s6+$0x0] =	vst v0  }
0x4d3: {  	v0 =	vadd.f32 v5, v8;
	v5 =	vld [tilespmem:s4+$0xFFFFEC10];
	[tilespmem:s6+$0x10] =	vst v1  }
0x4d4: {  	v1 =	vld [tilespmem:s0+$0x11F00]  }
0x4d5: {  	v0 =	vadd.f32 v3, v0;
	v3 =	vld [tilespmem:s4+$0xFFFFEE90]  }
0x4d6: {  	v6 =	vld [tilespmem:s0+$0x12180];
	v4 =	vadd.f32 v4, v7  }
0x4d7: {  	v0 =	vadd.f32 v2, v0;
	v2 =	vld [tilespmem:s4+$0xFFFFEC20]  }
0x4d8: {  	v7 =	vld [tilespmem:s0+$0x12400]  }
0x4d9: {  	v0 =	vadd.f32 v1, v0;
	v1 =	vld [tilespmem:s4+$0xFFFFEEA0]  }
0x4da: {  	v8 =	vld [tilespmem:s0+$0x12680];
	v3 =	vadd.f32 v3, v5  }
0x4db: {  	v0 =	vadd.f32 v6, v0;
	v5 =	vld [tilespmem:s4+$0xFFFFF100]  }
0x4dc: {  	v6 =	vld [tilespmem:s0+$0x12900]  }
0x4dd: {  	v0 =	vadd.f32 v7, v0;
	v7 =	vld [tilespmem:s4+$0xFFFFF110]  }
0x4de: {  	v9 =	vld [tilespmem:s0+$0x12B80];
	v1 =	vadd.f32 v1, v2  }
0x4df: {  	v0 =	vadd.f32 v8, v0;
	v2 =	vld [tilespmem:s4+$0xFFFFF120]  }
0x4e0: {  	v8 =	vld [tilespmem:s0+$0x12E00];
	v4 =	vadd.f32 v5, v4  }
0x4e1: {  	v0 =	vadd.f32 v6, v0;
	v5 =	vld [tilespmem:s4+$0xFFFFF380]  }
0x4e2: {  	v6 =	vld [tilespmem:s0+$0x13080];
	v3 =	vadd.f32 v7, v3  }
0x4e3: {  	v0 =	vadd.f32 v9, v0;
	v7 =	vld [tilespmem:s4+$0xFFFFF390]  }
0x4e4: {  	v9 =	vld [tilespmem:s0+$0x13300];
	v1 =	vadd.f32 v2, v1  }
0x4e5: {  	v0 =	vadd.f32 v8, v0;
	v2 =	vld [tilespmem:s4+$0xFFFFF3A0]  }
0x4e6: {  	v8 =	vld [tilespmem:s0+$0x13580];
	v4 =	vadd.f32 v5, v4  }
0x4e7: {  	v0 =	vadd.f32 v6, v0;
	v5 =	vld [tilespmem:s4+$0xFFFFF600]  }
0x4e8: {  	v6 =	vld [tilespmem:s0+$0x13800];
	v3 =	vadd.f32 v7, v3  }
0x4e9: {  	v0 =	vadd.f32 v9, v0;
	v7 =	vld [tilespmem:s4+$0xFFFFF610]  }
0x4ea: {  	v9 =	vld [tilespmem:s0+$0x13A80];
	v1 =	vadd.f32 v2, v1  }
0x4eb: {  	v0 =	vadd.f32 v8, v0;
	v2 =	vld [tilespmem:s4+$0xFFFFF620]  }
0x4ec: {  	v4 =	vadd.f32 v5, v4;
	v5 =	vld [tilespmem:s4+$0xFFFFF880]  }
0x4ed: {  	v0 =	vadd.f32 v6, v0;
	v6 =	vld [tilespmem:s4+$0xFFFFF890]  }
0x4ee: {  	v3 =	vadd.f32 v7, v3;
	v7 =	vld [tilespmem:s4+$0xFFFFF8A0]  }
0x4ef: {  	v0 =	vadd.f32 v9, v0;
	v8 =	vld [tilespmem:s4+$0xFFFFFB00]  }
0x4f0: {  	s6 =	sadd.s32 $0x40, s6;
	v9 =	vld [tilespmem:s4+$0xFFFFFB10];
	v1 =	vadd.f32 v2, v1  }
0x4f1: {  	[tilespmem:s6+$0xFFFFFFE0] =	vst v0;
	v0 =	vadd.f32 v5, v4;
	v2 =	vld [tilespmem:s4+$0xFFFFFB20]  }
0x4f2: {  	v4 =	vld [tilespmem:s4+$0xFFFFFD80];
	v3 =	vadd.f32 v6, v3  }
0x4f3: {  	v5 =	vld [tilespmem:s4+$0xFFFFFD90];
	v1 =	vadd.f32 v7, v1  }
0x4f4: {  	v0 =	vadd.f32 v8, v0;
	v6 =	vld [tilespmem:s4+$0xFFFFFDA0]  }
0x4f5: {  	v7 =	vld [tilespmem:s4+$0x0];
	v3 =	vadd.f32 v9, v3  }
0x4f6: {  	v8 =	vld [tilespmem:s4+$0x10];
	v1 =	vadd.f32 v2, v1  }
0x4f7: {  	v0 =	vadd.f32 v4, v0;
	v2 =	vld [tilespmem:s4+$0x20]  }
0x4f8: {  	v4 =	vld [tilespmem:s4+$0x280];
	v3 =	vadd.f32 v5, v3  }
0x4f9: {  	v5 =	vld [tilespmem:s4+$0x290];
	v1 =	vadd.f32 v6, v1  }
0x4fa: {  	v0 =	vadd.f32 v7, v0;
	v6 =	vld [tilespmem:s4+$0x2A0]  }
0x4fb: {  	v7 =	vld [tilespmem:s4+$0x500];
	v3 =	vadd.f32 v8, v3  }
0x4fc: {  	v8 =	vld [tilespmem:s4+$0x510];
	v1 =	vadd.f32 v2, v1  }
0x4fd: {  	v0 =	vadd.f32 v4, v0;
	v2 =	vld [tilespmem:s4+$0x520]  }
0x4fe: {  	v4 =	vld [tilespmem:s4+$0x780];
	v3 =	vadd.f32 v5, v3  }
0x4ff: {  	v5 =	vld [tilespmem:s4+$0x790];
	v1 =	vadd.f32 v6, v1  }
0x500: {  	v0 =	vadd.f32 v7, v0;
	v6 =	vld [tilespmem:s4+$0x7A0]  }
0x501: {  	v7 =	vld [tilespmem:s4+$0xA00];
	v3 =	vadd.f32 v8, v3  }
0x502: {  	v8 =	vld [tilespmem:s4+$0xA10];
	v1 =	vadd.f32 v2, v1  }
0x503: {  	v0 =	vadd.f32 v4, v0;
	v2 =	vld [tilespmem:s4+$0xA20]  }
0x504: {  	v4 =	vld [tilespmem:s4+$0xC80];
	v3 =	vadd.f32 v5, v3  }
0x505: {  	v5 =	vld [tilespmem:s4+$0xC90];
	v6 =	vadd.f32 v6, v1  }
0x506: {  	v7 =	vadd.f32 v7, v0;
	v9 =	vld [tilespmem:s4+$0xCA0]  }
.Ltmp13:
0x507: {  	v1 =	vld [tilespmem:s4+$0xF00];
	v8 =	vadd.f32 v8, v3;
	(pc) =	sbr.rel @p0 .LBB2_27-.Ltmp13, $4  }
0x508: {  	v0 =	vld [tilespmem:s4+$0xF10];
	v10 =	vadd.f32 v2, v6  }
0x509: {  	v6 =	vadd.f32 v4, v7;
	v2 =	vld [tilespmem:s4+$0xF20]  }
0x50a: {  	v3 =	vld [tilespmem:s4+$0x1180];
	v5 =	vadd.f32 v5, v8  }
0x50b: {  	v4 =	vld [tilespmem:s4+$0x1190];
	v7 =	vadd.f32 v9, v10  }
0x50c: {  	v8 =	vld [tilespmem:s4+$0x11A0]  }
0x50d: {  	v1 =	vadd.f32 v1, v6  }
0x50e: {  	v0 =	vadd.f32 v0, v5  }
0x50f: {  	v2 =	vadd.f32 v2, v7;
	v1 =	vadd.f32 v3, v1  }
0x510: {  	v0 =	vadd.f32 v4, v0  }
0x511: {  	[tilespmem:s6+$0xFFFFFFF0] =	vst v1;
	v1 =	vadd.f32 v8, v2  }
0x512: {  	[tilespmem:s6+$0x0] =	vst v0  }
0x513: {  	s1 =	simm.s32 $0x13D20;
	[tilespmem:s6+$0x10] =	vst v1  }
0x514: {  	v0 =	vld [tilespmem:s1+$0xFFFFFFE0]  }
0x515: {  	v2 =	vld [tilespmem:s1+$0x10]  }
0x516: {  	v3 =	vld [tilespmem:s1+$0x0];
	_ =	sdelay $0x1  }
0x517: {  	v4 =	vld [tilespmem:s1+$0xFFFFFFF0]  }
0x518: {  	s0 =	simm.s32 $0x13D60;
	v5 =	vsub.f32 $0.0e+00, v0  }
0x519: {  	v1 =	vld [tilespmem:s0+$0xFFFFFFE0];
	v6 =	vsub.f32 $0.0e+00, v2  }
0x51a: {  	v0 =	vld [tilespmem:s0+$0x10];
	[tilespmem:s1+$0xFFFFFFE0] =	vst v5;
	v5 =	vsub.f32 $0.0e+00, v3  }
0x51b: {  	v2 =	vld [tilespmem:s0+$0x0];
	[tilespmem:s1+$0x10] =	vst v6  }
0x51c: {  	s3 =	simm.s32 $0x40;
	s4 =	stileid.u32;
	v4 =	vsub.f32 $0.0e+00, v4;
	v3 =	vld [tilespmem:s0+$0xFFFFFFF0];
	[tilespmem:s1+$0x0] =	vst v5  }
.LBB2_29:
0x51d: {  	s3 =	sadd.s32 $0x40, s3  }
0x51e: {  	[tilespmem:s1+$0xFFFFFFF0] =	vst v4;
	s1 =	smov.u32 s0;
	p0 =	slt.u32 s3, $0x240  }
.Ltmp14:
0x51f: {  	s0 =	sadd.s32 $0x40, s0;
	v4 =	vsub.f32 $0.0e+00, v1;
	(pc) =	sbr.rel @p0 .LBB2_29-.Ltmp14, $4  }
0x520: {  	v1 =	vld [tilespmem:s0+$0xFFFFFFE0];
	v5 =	vsub.f32 $0.0e+00, v0  }
0x521: {  	v0 =	vld [tilespmem:s0+$0x10];
	[tilespmem:s1+$0xFFFFFFE0] =	vst v4;
	v6 =	vsub.f32 $0.0e+00, v2  }
0x522: {  	v2 =	vld [tilespmem:s0+$0x0];
	v4 =	vsub.f32 $0.0e+00, v3;
	[tilespmem:s1+$0x10] =	vst v5  }
0x523: {  	v3 =	vld [tilespmem:s0+$0xFFFFFFF0];
	[tilespmem:s1+$0x0] =	vst v6  }
0x524: {  	_ = 	snop  }
0x525: {  	v1 =	vsub.f32 $0.0e+00, v1  }
0x526: {  	[tilespmem:s1+$0xFFFFFFF0] =	vst v4;
	v0 =	vsub.f32 $0.0e+00, v0  }
0x527: {  	[tilespmem:s0+$0xFFFFFFE0] =	vst v1;
	v62 =	vsub.f32 $0.0e+00, v2  }
0x528: {  	v63 =	vsub.f32 $0.0e+00, v3;
	[tilespmem:s0+$0x10] =	vst v0  }
0x529: {  	[tilespmem:s0+$0x0] =	vst v62  }
0x52a: {  	[tilespmem:s0+$0xFFFFFFF0] =	vst v63  }
0x52b: {  	s29 =	simm.s32 $0x0;
	s0 =	rddreg [dreg:$0x5]  }
0x52c: {  	s30 =	simm.s32 $0x13D00;
	s31 =	simm.s32 $0x2;
	s0 =	sadd.s32 s0, s2  }
0x52d: {  	[hbm4b:s0+s29] =	stream.linear.scatter [tilespmem:s30], [sflag:$0x2], $0x280, $0x38;
	[tilespmem:$0x17180] =	vst v63  }
0x52e: {  	_ =	swait.ge [sflag:s31], $0x280  }
0x52f: {  	[sflag:s31] =	ssyncset.done $0x0  }
0x530: {  	[sflag:s31] =	ssyncadd.s32 $0xFFFFFD80  }
0x531: {  	_ =	sfence.sel $0x180000  }
0x532: {  	[bflag:$0x0] =	sbarrier.arrive $0xFFFF  }
0x533: {  	_ =	strace $0x90000047  }
0x534: {  	[bflag:$0x2] =	sbarrier.arrive $0xFFFF  }
0x535: {  	p0 =	sne.s32 s4, $0x0;
	s0 =	rddreg [dreg:$0x4]  }
0x536: {  	s0 =	sadd.s32 @!p0 $0x100000, s0  }
0x537: {  	[sflag:s0] =	ssyncadd.tile.s32 @!p0 $0x1;
	_ =	shalt  }
.Lfunc_end2:
_tile_overlayer_lowered:
.L_overlay_start_2:
0x538: {  	(tag) =	ssettag $0x2  }
0x539: {  	s0 =	rddreg [dreg:$0x0];
	s2 =	stileid.u32  }
0x53a: {  	s1 =	rddreg [dreg:$0x1];
	p0 =	sne.s32 s2, $0x0  }
0x53b: {  	s3 =	rddreg [dreg:$0x2];
	[bflag:$0x3] =	sbarrier.arrive $0xFFFF;
	s2 =	simm.s32 @!p0 $0x1C02  }
0x53c: {  	[timem:s3], [sflag:s2] =	dma.local @!p0 [hbm:s0], s1  }
0x53d: {  	s0 =	simm.s32 @!p0 $0x2  }
0x53e: {  	_ =	swait.ge @!p0 [sflag:s0], s1  }
0x53f: {  	s1 =	ssub.s32 @!p0 $0x0, s1;
	[sflag:s0] =	ssyncset.done @!p0 $0x0  }
0x540: {  	[sflag:s0] =	ssyncadd.s32 @!p0 s1  }
0x541: {  	[bflag:$0x3] =	sbarrier.arrive $0xFFFF  }
0x542: {  	_ =	shalt  }

</sc_bundles>
